<compile_context>
chip_gen: v7x
topology: tpu7x:2x2x1
jax: 0.10.2.dev20260603
libtpu: 0.0.44.dev20260713+nightly
codegen_flags: <defaults>
</compile_context>

<pallas_src>
import jax
import jax.numpy as jnp
from jax import lax
from jax.experimental import pallas as pl
from jax.experimental.pallas import tpu as pltpu
from jax.experimental.pallas import tpu_sc as plsc

_NC, _NS = 2, 16
_NW = _NC * _NS
_CH = 8
_B, _S, _D = 4, 4096, 2048
_ROWS = _S // _NW
_NCHUNK = _ROWS // _CH


def _sc_body(x_hbm, pos_hbm, out_hbm,
             xin0, xin1, xout0, xout1, posb0, posb1,
             sin0, sin1, sout0, sout1, spos0, spos1):
    xin = (xin0, xin1)
    xout = (xout0, xout1)
    posb = (posb0, posb1)
    sin = (sin0, sin1)
    sout = (sout0, sout1)
    spos = (spos0, spos1)

    wid = lax.axis_index("s") * _NC + lax.axis_index("c")
    base = wid * _ROWS

    def row_off(c, b):
        return b * _S + base + c * _CH

    def start_load(c, b, p):
        pltpu.async_copy(x_hbm.at[pl.ds(row_off(c, b), _CH), :], xin[p], sin[p])

    def wait_load(p):
        pltpu.make_async_copy(x_hbm.at[pl.ds(0, _CH), :], xin[p], sin[p]).wait()

    def start_store(c, b, p):
        pltpu.async_copy(xout[p], out_hbm.at[pl.ds(row_off(c, b), _CH), :], sout[p])

    def wait_store(p):
        pltpu.make_async_copy(x_hbm.at[pl.ds(0, _CH), :], xout[p], sout[p]).wait()

    def start_pos(c, pp):
        pltpu.async_copy(pos_hbm.at[pl.ds(base + c * _CH, _CH), :], posb[pp], spos[pp])

    def wait_pos(pp):
        pltpu.make_async_copy(pos_hbm.at[pl.ds(0, _CH), :], posb[pp], spos[pp]).wait()

    start_load(0, 0, 0)
    start_load(0, 1, 1)
    start_pos(0, 0)
    start_pos(1, 1)

    def q_body(q, carry):
        for cc in range(2):
            c = 2 * q + cc
            wait_pos(cc)
            for b in range(4):
                p = b % 2
                wait_load(p)

                if b < 2:
                    @pl.when(c > 0)
                    def _():
                        wait_store(p)
                else:
                    wait_store(p)

                src, dst, pv = xin[p], xout[p], posb[cc]

                @plsc.parallel_loop(0, _D, step=16, unroll=2)
                def add_j(j):
                    sl = pl.ds(j, 16)
                    for r in range(_CH):
                        dst[r, sl] = src[r, sl] + pv[r, sl]

                if b < 2:
                    start_load(c, b + 2, p)
                else:
                    @pl.when(c < _NCHUNK - 1)
                    def _():
                        start_load(c + 1, b - 2, p)

                start_store(c, b, p)

            @pl.when(c + 2 < _NCHUNK)
            def _():
                start_pos(c + 2, cc)
        return carry

    lax.fori_loop(0, _NCHUNK // 2, q_body, 0)

    wait_store(0)
    wait_store(1)


def kernel(x, pos_table):
    B, S, D = x.shape
    run = pl.kernel(
        _sc_body,
        out_type=jax.ShapeDtypeStruct((B * S, D), x.dtype),
        mesh=plsc.VectorSubcoreMesh(core_axis_name="c", subcore_axis_name="s"),
        scratch_types=(
            [pltpu.VMEM((_CH, _D), jnp.float32) for _ in range(6)]
            + [pltpu.SemaphoreType.DMA for _ in range(6)]
        ),
    )
    out = run(x.reshape(B * S, D), pos_table)
    return out.reshape(B, S, D)

# --- scband reference (transcript-rebuilt; emitter-appended) ---
"""Pipeline reference for scband-positional-encoding-68247030334573 (READ-ONLY COPY).

The authoritative reference and input builder live on the scoring server;
editing this copy changes nothing except your own understanding.
"""

import jax, jax.numpy as jnp
import numpy as np


def setup_inputs(seed: int = 0) -> dict:
    key = jax.random.key(seed)
    k1, k2 = jax.random.split(key)
    x = jax.random.normal(k1, (4, 4096, 2048), dtype=jnp.float32)
    # learned positional embedding table sized per init_kwargs (max_len=8192, d_model=2048)
    pos_table = jax.random.normal(k2, (8192, 2048), dtype=jnp.float32) * 0.02
    return {"x": x, "pos_table": pos_table}


def reference(x, pos_table):
    # position = arange(0, x.size(1)).unsqueeze(0)
    S = x.shape[1]
    position = jnp.arange(0, S, dtype=jnp.int32)[None, :]  # [1, S]
    # nn.Embedding lookup -> gather rows of the table
    pos_emb = jnp.take(pos_table, position, axis=0)  # [1, S, d_model]
    return x + pos_emb  # broadcast over batch

if __name__ == "__main__":
    import jax
    _d = setup_inputs()
    print(jax.jit(kernel)(*tuple(_d.values())))

</pallas_src>

<mosaic_0001>
#map = affine_map<(d0, d1) -> (0, 0)>
module attributes {stable_mosaic.version = 14 : i64} {
  func.func @_sc_body(%arg0: i32, %arg1: i32, %arg2: memref<16384x2048xf32, #tpu.memory_space<hbm>>, %arg3: memref<8192x2048xf32, #tpu.memory_space<hbm>>, %arg4: memref<16384x2048xf32, #tpu.memory_space<hbm>>, %arg5: memref<8x2048xf32, #tpu.memory_space<vmem>>, %arg6: memref<8x2048xf32, #tpu.memory_space<vmem>>, %arg7: memref<8x2048xf32, #tpu.memory_space<vmem>>, %arg8: memref<8x2048xf32, #tpu.memory_space<vmem>>, %arg9: memref<8x2048xf32, #tpu.memory_space<vmem>>, %arg10: memref<8x2048xf32, #tpu.memory_space<vmem>>, %arg11: memref<!tpu.dma_semaphore, #tpu.memory_space<semaphore_mem>>, %arg12: memref<!tpu.dma_semaphore, #tpu.memory_space<semaphore_mem>>, %arg13: memref<!tpu.dma_semaphore, #tpu.memory_space<semaphore_mem>>, %arg14: memref<!tpu.dma_semaphore, #tpu.memory_space<semaphore_mem>>, %arg15: memref<!tpu.dma_semaphore, #tpu.memory_space<semaphore_mem>>, %arg16: memref<!tpu.dma_semaphore, #tpu.memory_space<semaphore_mem>>) attributes {dimension_semantics = [#tpu.dimension_semantics<core_parallel>, #tpu.dimension_semantics<subcore_parallel>], iteration_bounds = array<i64: 2, 16>, scalar_prefetch = 0 : i64, scratch_operands = 12 : i64, tpu.core_type = #tpu.core_type<sc_vector_subcore>, window_params = [{transform_indices = #map}, {transform_indices = #map}, {transform_indices = #map}]} {
    %mul3A = arith.constant 2 : i32
    %mul3A_0 = arith.muli %arg1, %mul3A : i32
    %add3A = arith.addi %mul3A_0, %arg0 : i32
    %mul3A_1 = arith.constant 128 : i32
    %mul3A_2 = arith.muli %add3A, %mul3A_1 : i32
    %add3A_3 = arith.constant 0 : i32
    %add3A_4 = arith.addi %add3A_3, %mul3A_2 : i32
    %add3A_5 = arith.constant 0 : i32
    %add3A_6 = arith.addi %add3A_4, %add3A_5 : i32
    %dma_start3A = arith.constant 0 : i32
    %dma_start3A_7 = tpu.memref_slice %arg2[%add3A_6, %dma_start3A] : memref<16384x2048xf32, #tpu.memory_space<hbm>> -> memref<8x2048xf32, #tpu.memory_space<hbm>>
    %dma_start3A_8 = arith.constant 0 : i32
    %dma_start3A_9 = tpu.memref_slice %arg2[%add3A_6, %dma_start3A_8] : memref<16384x2048xf32, #tpu.memory_space<hbm>> -> memref<8x2048xf32, #tpu.memory_space<hbm>>
    tpu.enqueue_dma source(%dma_start3A_9 : memref<8x2048xf32, #tpu.memory_space<hbm>>) target(%arg5 : memref<8x2048xf32, #tpu.memory_space<vmem>>) target_semaphore(%arg11 : memref<!tpu.dma_semaphore, #tpu.memory_space<semaphore_mem>>)
    %add3A_10 = arith.constant 4096 : i32
    %add3A_11 = arith.addi %add3A_10, %mul3A_2 : i32
    %add3A_12 = arith.constant 0 : i32
    %add3A_13 = arith.addi %add3A_11, %add3A_12 : i32
    %dma_start3A_14 = arith.constant 0 : i32
    %dma_start3A_15 = tpu.memref_slice %arg2[%add3A_13, %dma_start3A_14] : memref<16384x2048xf32, #tpu.memory_space<hbm>> -> memref<8x2048xf32, #tpu.memory_space<hbm>>
    %dma_start3A_16 = arith.constant 0 : i32
    %dma_start3A_17 = tpu.memref_slice %arg2[%add3A_13, %dma_start3A_16] : memref<16384x2048xf32, #tpu.memory_space<hbm>> -> memref<8x2048xf32, #tpu.memory_space<hbm>>
    tpu.enqueue_dma source(%dma_start3A_17 : memref<8x2048xf32, #tpu.memory_space<hbm>>) target(%arg6 : memref<8x2048xf32, #tpu.memory_space<vmem>>) target_semaphore(%arg12 : memref<!tpu.dma_semaphore, #tpu.memory_space<semaphore_mem>>)
    %add3A_18 = arith.constant 0 : i32
    %add3A_19 = arith.addi %mul3A_2, %add3A_18 : i32
    %dma_start3A_20 = arith.constant 0 : i32
    %dma_start3A_21 = tpu.memref_slice %arg3[%add3A_19, %dma_start3A_20] : memref<8192x2048xf32, #tpu.memory_space<hbm>> -> memref<8x2048xf32, #tpu.memory_space<hbm>>
    %dma_start3A_22 = arith.constant 0 : i32
    %dma_start3A_23 = tpu.memref_slice %arg3[%add3A_19, %dma_start3A_22] : memref<8192x2048xf32, #tpu.memory_space<hbm>> -> memref<8x2048xf32, #tpu.memory_space<hbm>>
    tpu.enqueue_dma source(%dma_start3A_23 : memref<8x2048xf32, #tpu.memory_space<hbm>>) target(%arg9 : memref<8x2048xf32, #tpu.memory_space<vmem>>) target_semaphore(%arg15 : memref<!tpu.dma_semaphore, #tpu.memory_space<semaphore_mem>>)
    %add3A_24 = arith.constant 8 : i32
    %add3A_25 = arith.addi %mul3A_2, %add3A_24 : i32
    %dma_start3A_26 = arith.constant 0 : i32
    %dma_start3A_27 = tpu.memref_slice %arg3[%add3A_25, %dma_start3A_26] : memref<8192x2048xf32, #tpu.memory_space<hbm>> -> memref<8x2048xf32, #tpu.memory_space<hbm>>
    %dma_start3A_28 = arith.constant 0 : i32
    %dma_start3A_29 = tpu.memref_slice %arg3[%add3A_25, %dma_start3A_28] : memref<8192x2048xf32, #tpu.memory_space<hbm>> -> memref<8x2048xf32, #tpu.memory_space<hbm>>
    tpu.enqueue_dma source(%dma_start3A_29 : memref<8x2048xf32, #tpu.memory_space<hbm>>) target(%arg10 : memref<8x2048xf32, #tpu.memory_space<vmem>>) target_semaphore(%arg16 : memref<!tpu.dma_semaphore, #tpu.memory_space<semaphore_mem>>)
    %scan3A = arith.constant 0 : i32
    %scan3A_30 = arith.constant 0 : i32
    %scan3A_31 = arith.constant 8 : i32
    %scan3A_32 = arith.addi %scan3A_30, %scan3A_31 : i32
    %scan3A_33 = arith.constant 1 : i32
    scf.for %scan3A_46 = %scan3A_30 to %scan3A_32 step %scan3A_33  : i32 {
      %mul3A_47 = arith.constant 2 : i32
      %mul3A_48 = arith.muli %mul3A_47, %scan3A_46 : i32
      %add3A_49 = arith.constant 0 : i32
      %add3A_50 = arith.addi %mul3A_48, %add3A_49 : i32
      %dma_wait3A_51 = arith.constant 0 : i32
      %dma_wait3A_52 = arith.constant 0 : i32
      %dma_wait3A_53 = tpu.memref_slice %arg3[%dma_wait3A_51, %dma_wait3A_52] : memref<8192x2048xf32, #tpu.memory_space<hbm>> -> memref<8x2048xf32, #tpu.memory_space<hbm>>
      %dma_wait3A_54 = arith.constant 0 : i32
      %dma_wait3A_55 = arith.constant 0 : i32
      %dma_wait3A_56 = tpu.memref_slice %arg3[%dma_wait3A_54, %dma_wait3A_55] : memref<8192x2048xf32, #tpu.memory_space<hbm>> -> memref<8x2048xf32, #tpu.memory_space<hbm>>
      tpu.wait_dma2 semaphore(%arg15 : memref<!tpu.dma_semaphore, #tpu.memory_space<semaphore_mem>>) src(%dma_wait3A_56 : memref<8x2048xf32, #tpu.memory_space<hbm>>) dst(%arg9 : memref<8x2048xf32, #tpu.memory_space<vmem>>)
      %dma_wait3A_57 = arith.constant 0 : i32
      %dma_wait3A_58 = arith.constant 0 : i32
      %dma_wait3A_59 = tpu.memref_slice %arg2[%dma_wait3A_57, %dma_wait3A_58] : memref<16384x2048xf32, #tpu.memory_space<hbm>> -> memref<8x2048xf32, #tpu.memory_space<hbm>>
      %dma_wait3A_60 = arith.constant 0 : i32
      %dma_wait3A_61 = arith.constant 0 : i32
      %dma_wait3A_62 = tpu.memref_slice %arg2[%dma_wait3A_60, %dma_wait3A_61] : memref<16384x2048xf32, #tpu.memory_space<hbm>> -> memref<8x2048xf32, #tpu.memory_space<hbm>>
      tpu.wait_dma2 semaphore(%arg11 : memref<!tpu.dma_semaphore, #tpu.memory_space<semaphore_mem>>) src(%dma_wait3A_62 : memref<8x2048xf32, #tpu.memory_space<hbm>>) dst(%arg5 : memref<8x2048xf32, #tpu.memory_space<vmem>>)
      %gt3A = arith.constant 0 : i32
      %gt3A_63 = arith.cmpi sgt, %add3A_50, %gt3A : i32
      %convert_element_type3A = arith.extui %gt3A_63 : i1 to i32
      %cond3A = arith.constant 0 : i32
      %cond3A_64 = arith.cmpi ne, %convert_element_type3A, %cond3A : i32
      scf.if %cond3A_64 {
        %dma_wait3A_320 = arith.constant 0 : i32
        %dma_wait3A_321 = arith.constant 0 : i32
        %dma_wait3A_322 = tpu.memref_slice %arg2[%dma_wait3A_320, %dma_wait3A_321] : memref<16384x2048xf32, #tpu.memory_space<hbm>> -> memref<8x2048xf32, #tpu.memory_space<hbm>>
        %dma_wait3A_323 = arith.constant 0 : i32
        %dma_wait3A_324 = arith.constant 0 : i32
        %dma_wait3A_325 = tpu.memref_slice %arg2[%dma_wait3A_323, %dma_wait3A_324] : memref<16384x2048xf32, #tpu.memory_space<hbm>> -> memref<8x2048xf32, #tpu.memory_space<hbm>>
        tpu.wait_dma2 semaphore(%arg13 : memref<!tpu.dma_semaphore, #tpu.memory_space<semaphore_mem>>) src(%dma_wait3A_325 : memref<8x2048xf32, #tpu.memory_space<hbm>>) dst(%arg7 : memref<8x2048xf32, #tpu.memory_space<vmem>>)
      } else {
      }
      %parallel_loop3A = arith.constant 0 : i32
      %parallel_loop3A_65 = arith.constant 2048 : i32
      %parallel_loop3A_66 = arith.constant 16 : i32
      scf.for %parallel_loop3A_320 = %parallel_loop3A to %parallel_loop3A_65 step %parallel_loop3A_66  : i32 {
        %parallel_loop3A_321 = arith.constant 0 : i32
        %parallel_loop3A_322 = arith.index_cast %parallel_loop3A_321 : i32 to index
        %parallel_loop3A_323 = arith.index_cast %parallel_loop3A_320 : i32 to index
        %parallel_loop3A_324 = tpu.vector_load %arg5[%parallel_loop3A_322, %parallel_loop3A_323] {strides = array<i32>} : memref<8x2048xf32, #tpu.memory_space<vmem>>, vector<1x16xf32>,
        %parallel_loop3A_325 = vector.shape_cast %parallel_loop3A_324 : vector<1x16xf32> to vector<16xf32>
        %parallel_loop3A_326 = arith.constant 0 : i32
        %parallel_loop3A_327 = arith.index_cast %parallel_loop3A_326 : i32 to index
        %parallel_loop3A_328 = arith.index_cast %parallel_loop3A_320 : i32 to index
        %parallel_loop3A_329 = tpu.vector_load %arg9[%parallel_loop3A_327, %parallel_loop3A_328] {strides = array<i32>} : memref<8x2048xf32, #tpu.memory_space<vmem>>, vector<1x16xf32>,
        %parallel_loop3A_330 = vector.shape_cast %parallel_loop3A_329 : vector<1x16xf32> to vector<16xf32>
        %parallel_loop3A_331 = arith.addf %parallel_loop3A_325, %parallel_loop3A_330 : vector<16xf32>
        %parallel_loop3A_332 = arith.constant 0 : i32
        %parallel_loop3A_333 = arith.index_cast %parallel_loop3A_332 : i32 to index
        %parallel_loop3A_334 = arith.index_cast %parallel_loop3A_320 : i32 to index
        %parallel_loop3A_335 = tpu.vector_load %arg7[%parallel_loop3A_333, %parallel_loop3A_334] {strides = array<i32>} : memref<8x2048xf32, #tpu.memory_space<vmem>>, vector<1x16xf32>,
        %parallel_loop3A_336 = vector.shape_cast %parallel_loop3A_335 : vector<1x16xf32> to vector<16xf32>
        %parallel_loop3A_337 = vector.shape_cast %parallel_loop3A_331 : vector<16xf32> to vector<1x16xf32>
        tpu.vector_store %arg7[%parallel_loop3A_333, %parallel_loop3A_334], %parallel_loop3A_337 {strides = array<i32>} : memref<8x2048xf32, #tpu.memory_space<vmem>>, vector<1x16xf32>,
        %parallel_loop3A_338 = arith.constant 1 : i32
        %parallel_loop3A_339 = arith.index_cast %parallel_loop3A_338 : i32 to index
        %parallel_loop3A_340 = arith.index_cast %parallel_loop3A_320 : i32 to index
        %parallel_loop3A_341 = tpu.vector_load %arg5[%parallel_loop3A_339, %parallel_loop3A_340] {strides = array<i32>} : memref<8x2048xf32, #tpu.memory_space<vmem>>, vector<1x16xf32>,
        %parallel_loop3A_342 = vector.shape_cast %parallel_loop3A_341 : vector<1x16xf32> to vector<16xf32>
        %parallel_loop3A_343 = arith.constant 1 : i32
        %parallel_loop3A_344 = arith.index_cast %parallel_loop3A_343 : i32 to index
        %parallel_loop3A_345 = arith.index_cast %parallel_loop3A_320 : i32 to index
        %parallel_loop3A_346 = tpu.vector_load %arg9[%parallel_loop3A_344, %parallel_loop3A_345] {strides = array<i32>} : memref<8x2048xf32, #tpu.memory_space<vmem>>, vector<1x16xf32>,
        %parallel_loop3A_347 = vector.shape_cast %parallel_loop3A_346 : vector<1x16xf32> to vector<16xf32>
        %parallel_loop3A_348 = arith.addf %parallel_loop3A_342, %parallel_loop3A_347 : vector<16xf32>
        %parallel_loop3A_349 = arith.constant 1 : i32
        %parallel_loop3A_350 = arith.index_cast %parallel_loop3A_349 : i32 to index
        %parallel_loop3A_351 = arith.index_cast %parallel_loop3A_320 : i32 to index
        %parallel_loop3A_352 = tpu.vector_load %arg7[%parallel_loop3A_350, %parallel_loop3A_351] {strides = array<i32>} : memref<8x2048xf32, #tpu.memory_space<vmem>>, vector<1x16xf32>,
        %parallel_loop3A_353 = vector.shape_cast %parallel_loop3A_352 : vector<1x16xf32> to vector<16xf32>
        %parallel_loop3A_354 = vector.shape_cast %parallel_loop3A_348 : vector<16xf32> to vector<1x16xf32>
        tpu.vector_store %arg7[%parallel_loop3A_350, %parallel_loop3A_351], %parallel_loop3A_354 {strides = array<i32>} : memref<8x2048xf32, #tpu.memory_space<vmem>>, vector<1x16xf32>,
        %parallel_loop3A_355 = arith.constant 2 : i32
        %parallel_loop3A_356 = arith.index_cast %parallel_loop3A_355 : i32 to index
        %parallel_loop3A_357 = arith.index_cast %parallel_loop3A_320 : i32 to index
        %parallel_loop3A_358 = tpu.vector_load %arg5[%parallel_loop3A_356, %parallel_loop3A_357] {strides = array<i32>} : memref<8x2048xf32, #tpu.memory_space<vmem>>, vector<1x16xf32>,
        %parallel_loop3A_359 = vector.shape_cast %parallel_loop3A_358 : vector<1x16xf32> to vector<16xf32>
        %parallel_loop3A_360 = arith.constant 2 : i32
        %parallel_loop3A_361 = arith.index_cast %parallel_loop3A_360 : i32 to index
        %parallel_loop3A_362 = arith.index_cast %parallel_loop3A_320 : i32 to index
        %parallel_loop3A_363 = tpu.vector_load %arg9[%parallel_loop3A_361, %parallel_loop3A_362] {strides = array<i32>} : memref<8x2048xf32, #tpu.memory_space<vmem>>, vector<1x16xf32>,
        %parallel_loop3A_364 = vector.shape_cast %parallel_loop3A_363 : vector<1x16xf32> to vector<16xf32>
        %parallel_loop3A_365 = arith.addf %parallel_loop3A_359, %parallel_loop3A_364 : vector<16xf32>
        %parallel_loop3A_366 = arith.constant 2 : i32
        %parallel_loop3A_367 = arith.index_cast %parallel_loop3A_366 : i32 to index
        %parallel_loop3A_368 = arith.index_cast %parallel_loop3A_320 : i32 to index
        %parallel_loop3A_369 = tpu.vector_load %arg7[%parallel_loop3A_367, %parallel_loop3A_368] {strides = array<i32>} : memref<8x2048xf32, #tpu.memory_space<vmem>>, vector<1x16xf32>,
        %parallel_loop3A_370 = vector.shape_cast %parallel_loop3A_369 : vector<1x16xf32> to vector<16xf32>
        %parallel_loop3A_371 = vector.shape_cast %parallel_loop3A_365 : vector<16xf32> to vector<1x16xf32>
        tpu.vector_store %arg7[%parallel_loop3A_367, %parallel_loop3A_368], %parallel_loop3A_371 {strides = array<i32>} : memref<8x2048xf32, #tpu.memory_space<vmem>>, vector<1x16xf32>,
        %parallel_loop3A_372 = arith.constant 3 : i32
        %parallel_loop3A_373 = arith.index_cast %parallel_loop3A_372 : i32 to index
        %parallel_loop3A_374 = arith.index_cast %parallel_loop3A_320 : i32 to index
        %parallel_loop3A_375 = tpu.vector_load %arg5[%parallel_loop3A_373, %parallel_loop3A_374] {strides = array<i32>} : memref<8x2048xf32, #tpu.memory_space<vmem>>, vector<1x16xf32>,
        %parallel_loop3A_376 = vector.shape_cast %parallel_loop3A_375 : vector<1x16xf32> to vector<16xf32>
        %parallel_loop3A_377 = arith.constant 3 : i32
        %parallel_loop3A_378 = arith.index_cast %parallel_loop3A_377 : i32 to index
        %parallel_loop3A_379 = arith.index_cast %parallel_loop3A_320 : i32 to index
        %parallel_loop3A_380 = tpu.vector_load %arg9[%parallel_loop3A_378, %parallel_loop3A_379] {strides = array<i32>} : memref<8x2048xf32, #tpu.memory_space<vmem>>, vector<1x16xf32>,
        %parallel_loop3A_381 = vector.shape_cast %parallel_loop3A_380 : vector<1x16xf32> to vector<16xf32>
        %parallel_loop3A_382 = arith.addf %parallel_loop3A_376, %parallel_loop3A_381 : vector<16xf32>
        %parallel_loop3A_383 = arith.constant 3 : i32
        %parallel_loop3A_384 = arith.index_cast %parallel_loop3A_383 : i32 to index
        %parallel_loop3A_385 = arith.index_cast %parallel_loop3A_320 : i32 to index
        %parallel_loop3A_386 = tpu.vector_load %arg7[%parallel_loop3A_384, %parallel_loop3A_385] {strides = array<i32>} : memref<8x2048xf32, #tpu.memory_space<vmem>>, vector<1x16xf32>,
        %parallel_loop3A_387 = vector.shape_cast %parallel_loop3A_386 : vector<1x16xf32> to vector<16xf32>
        %parallel_loop3A_388 = vector.shape_cast %parallel_loop3A_382 : vector<16xf32> to vector<1x16xf32>
        tpu.vector_store %arg7[%parallel_loop3A_384, %parallel_loop3A_385], %parallel_loop3A_388 {strides = array<i32>} : memref<8x2048xf32, #tpu.memory_space<vmem>>, vector<1x16xf32>,
        %parallel_loop3A_389 = arith.constant 4 : i32
        %parallel_loop3A_390 = arith.index_cast %parallel_loop3A_389 : i32 to index
        %parallel_loop3A_391 = arith.index_cast %parallel_loop3A_320 : i32 to index
        %parallel_loop3A_392 = tpu.vector_load %arg5[%parallel_loop3A_390, %parallel_loop3A_391] {strides = array<i32>} : memref<8x2048xf32, #tpu.memory_space<vmem>>, vector<1x16xf32>,
        %parallel_loop3A_393 = vector.shape_cast %parallel_loop3A_392 : vector<1x16xf32> to vector<16xf32>
        %parallel_loop3A_394 = arith.constant 4 : i32
        %parallel_loop3A_395 = arith.index_cast %parallel_loop3A_394 : i32 to index
        %parallel_loop3A_396 = arith.index_cast %parallel_loop3A_320 : i32 to index
        %parallel_loop3A_397 = tpu.vector_load %arg9[%parallel_loop3A_395, %parallel_loop3A_396] {strides = array<i32>} : memref<8x2048xf32, #tpu.memory_space<vmem>>, vector<1x16xf32>,
        %parallel_loop3A_398 = vector.shape_cast %parallel_loop3A_397 : vector<1x16xf32> to vector<16xf32>
        %parallel_loop3A_399 = arith.addf %parallel_loop3A_393, %parallel_loop3A_398 : vector<16xf32>
        %parallel_loop3A_400 = arith.constant 4 : i32
        %parallel_loop3A_401 = arith.index_cast %parallel_loop3A_400 : i32 to index
        %parallel_loop3A_402 = arith.index_cast %parallel_loop3A_320 : i32 to index
        %parallel_loop3A_403 = tpu.vector_load %arg7[%parallel_loop3A_401, %parallel_loop3A_402] {strides = array<i32>} : memref<8x2048xf32, #tpu.memory_space<vmem>>, vector<1x16xf32>,
        %parallel_loop3A_404 = vector.shape_cast %parallel_loop3A_403 : vector<1x16xf32> to vector<16xf32>
        %parallel_loop3A_405 = vector.shape_cast %parallel_loop3A_399 : vector<16xf32> to vector<1x16xf32>
        tpu.vector_store %arg7[%parallel_loop3A_401, %parallel_loop3A_402], %parallel_loop3A_405 {strides = array<i32>} : memref<8x2048xf32, #tpu.memory_space<vmem>>, vector<1x16xf32>,
        %parallel_loop3A_406 = arith.constant 5 : i32
        %parallel_loop3A_407 = arith.index_cast %parallel_loop3A_406 : i32 to index
        %parallel_loop3A_408 = arith.index_cast %parallel_loop3A_320 : i32 to index
        %parallel_loop3A_409 = tpu.vector_load %arg5[%parallel_loop3A_407, %parallel_loop3A_408] {strides = array<i32>} : memref<8x2048xf32, #tpu.memory_space<vmem>>, vector<1x16xf32>,
        %parallel_loop3A_410 = vector.shape_cast %parallel_loop3A_409 : vector<1x16xf32> to vector<16xf32>
        %parallel_loop3A_411 = arith.constant 5 : i32
        %parallel_loop3A_412 = arith.index_cast %parallel_loop3A_411 : i32 to index
        %parallel_loop3A_413 = arith.index_cast %parallel_loop3A_320 : i32 to index
        %parallel_loop3A_414 = tpu.vector_load %arg9[%parallel_loop3A_412, %parallel_loop3A_413] {strides = array<i32>} : memref<8x2048xf32, #tpu.memory_space<vmem>>, vector<1x16xf32>,
        %parallel_loop3A_415 = vector.shape_cast %parallel_loop3A_414 : vector<1x16xf32> to vector<16xf32>
        %parallel_loop3A_416 = arith.addf %parallel_loop3A_410, %parallel_loop3A_415 : vector<16xf32>
        %parallel_loop3A_417 = arith.constant 5 : i32
        %parallel_loop3A_418 = arith.index_cast %parallel_loop3A_417 : i32 to index
        %parallel_loop3A_419 = arith.index_cast %parallel_loop3A_320 : i32 to index
        %parallel_loop3A_420 = tpu.vector_load %arg7[%parallel_loop3A_418, %parallel_loop3A_419] {strides = array<i32>} : memref<8x2048xf32, #tpu.memory_space<vmem>>, vector<1x16xf32>,
        %parallel_loop3A_421 = vector.shape_cast %parallel_loop3A_420 : vector<1x16xf32> to vector<16xf32>
        %parallel_loop3A_422 = vector.shape_cast %parallel_loop3A_416 : vector<16xf32> to vector<1x16xf32>
        tpu.vector_store %arg7[%parallel_loop3A_418, %parallel_loop3A_419], %parallel_loop3A_422 {strides = array<i32>} : memref<8x2048xf32, #tpu.memory_space<vmem>>, vector<1x16xf32>,
        %parallel_loop3A_423 = arith.constant 6 : i32
        %parallel_loop3A_424 = arith.index_cast %parallel_loop3A_423 : i32 to index
        %parallel_loop3A_425 = arith.index_cast %parallel_loop3A_320 : i32 to index
        %parallel_loop3A_426 = tpu.vector_load %arg5[%parallel_loop3A_424, %parallel_loop3A_425] {strides = array<i32>} : memref<8x2048xf32, #tpu.memory_space<vmem>>, vector<1x16xf32>,
        %parallel_loop3A_427 = vector.shape_cast %parallel_loop3A_426 : vector<1x16xf32> to vector<16xf32>
        %parallel_loop3A_428 = arith.constant 6 : i32
        %parallel_loop3A_429 = arith.index_cast %parallel_loop3A_428 : i32 to index
        %parallel_loop3A_430 = arith.index_cast %parallel_loop3A_320 : i32 to index
        %parallel_loop3A_431 = tpu.vector_load %arg9[%parallel_loop3A_429, %parallel_loop3A_430] {strides = array<i32>} : memref<8x2048xf32, #tpu.memory_space<vmem>>, vector<1x16xf32>,
        %parallel_loop3A_432 = vector.shape_cast %parallel_loop3A_431 : vector<1x16xf32> to vector<16xf32>
        %parallel_loop3A_433 = arith.addf %parallel_loop3A_427, %parallel_loop3A_432 : vector<16xf32>
        %parallel_loop3A_434 = arith.constant 6 : i32
        %parallel_loop3A_435 = arith.index_cast %parallel_loop3A_434 : i32 to index
        %parallel_loop3A_436 = arith.index_cast %parallel_loop3A_320 : i32 to index
        %parallel_loop3A_437 = tpu.vector_load %arg7[%parallel_loop3A_435, %parallel_loop3A_436] {strides = array<i32>} : memref<8x2048xf32, #tpu.memory_space<vmem>>, vector<1x16xf32>,
        %parallel_loop3A_438 = vector.shape_cast %parallel_loop3A_437 : vector<1x16xf32> to vector<16xf32>
        %parallel_loop3A_439 = vector.shape_cast %parallel_loop3A_433 : vector<16xf32> to vector<1x16xf32>
        tpu.vector_store %arg7[%parallel_loop3A_435, %parallel_loop3A_436], %parallel_loop3A_439 {strides = array<i32>} : memref<8x2048xf32, #tpu.memory_space<vmem>>, vector<1x16xf32>,
        %parallel_loop3A_440 = arith.constant 7 : i32
        %parallel_loop3A_441 = arith.index_cast %parallel_loop3A_440 : i32 to index
        %parallel_loop3A_442 = arith.index_cast %parallel_loop3A_320 : i32 to index
        %parallel_loop3A_443 = tpu.vector_load %arg5[%parallel_loop3A_441, %parallel_loop3A_442] {strides = array<i32>} : memref<8x2048xf32, #tpu.memory_space<vmem>>, vector<1x16xf32>,
        %parallel_loop3A_444 = vector.shape_cast %parallel_loop3A_443 : vector<1x16xf32> to vector<16xf32>
        %parallel_loop3A_445 = arith.constant 7 : i32
        %parallel_loop3A_446 = arith.index_cast %parallel_loop3A_445 : i32 to index
        %parallel_loop3A_447 = arith.index_cast %parallel_loop3A_320 : i32 to index
        %parallel_loop3A_448 = tpu.vector_load %arg9[%parallel_loop3A_446, %parallel_loop3A_447] {strides = array<i32>} : memref<8x2048xf32, #tpu.memory_space<vmem>>, vector<1x16xf32>,
        %parallel_loop3A_449 = vector.shape_cast %parallel_loop3A_448 : vector<1x16xf32> to vector<16xf32>
        %parallel_loop3A_450 = arith.addf %parallel_loop3A_444, %parallel_loop3A_449 : vector<16xf32>
        %parallel_loop3A_451 = arith.constant 7 : i32
        %parallel_loop3A_452 = arith.index_cast %parallel_loop3A_451 : i32 to index
        %parallel_loop3A_453 = arith.index_cast %parallel_loop3A_320 : i32 to index
        %parallel_loop3A_454 = tpu.vector_load %arg7[%parallel_loop3A_452, %parallel_loop3A_453] {strides = array<i32>} : memref<8x2048xf32, #tpu.memory_space<vmem>>, vector<1x16xf32>,
        %parallel_loop3A_455 = vector.shape_cast %parallel_loop3A_454 : vector<1x16xf32> to vector<16xf32>
        %parallel_loop3A_456 = vector.shape_cast %parallel_loop3A_450 : vector<16xf32> to vector<1x16xf32>
        tpu.vector_store %arg7[%parallel_loop3A_452, %parallel_loop3A_453], %parallel_loop3A_456 {strides = array<i32>} : memref<8x2048xf32, #tpu.memory_space<vmem>>, vector<1x16xf32>,
      } {sc.loop_unroll_factor = 2 : i64, sc.parallel_access}
      %add3A_67 = arith.constant 8192 : i32
      %add3A_68 = arith.addi %add3A_67, %mul3A_2 : i32
      %mul3A_69 = arith.constant 8 : i32
      %mul3A_70 = arith.muli %add3A_50, %mul3A_69 : i32
      %add3A_71 = arith.addi %add3A_68, %mul3A_70 : i32
      %dma_start3A_72 = arith.constant 0 : i32
      %dma_start3A_73 = tpu.memref_slice %arg2[%add3A_71, %dma_start3A_72] : memref<16384x2048xf32, #tpu.memory_space<hbm>> -> memref<8x2048xf32, #tpu.memory_space<hbm>>
      %dma_start3A_74 = arith.constant 0 : i32
      %dma_start3A_75 = tpu.memref_slice %arg2[%add3A_71, %dma_start3A_74] : memref<16384x2048xf32, #tpu.memory_space<hbm>> -> memref<8x2048xf32, #tpu.memory_space<hbm>>
      tpu.enqueue_dma source(%dma_start3A_75 : memref<8x2048xf32, #tpu.memory_space<hbm>>) target(%arg5 : memref<8x2048xf32, #tpu.memory_space<vmem>>) target_semaphore(%arg11 : memref<!tpu.dma_semaphore, #tpu.memory_space<semaphore_mem>>)
      %add3A_76 = arith.constant 0 : i32
      %add3A_77 = arith.addi %add3A_76, %mul3A_2 : i32
      %mul3A_78 = arith.constant 8 : i32
      %mul3A_79 = arith.muli %add3A_50, %mul3A_78 : i32
      %add3A_80 = arith.addi %add3A_77, %mul3A_79 : i32
      %dma_start3A_81 = arith.constant 0 : i32
      %dma_start3A_82 = tpu.memref_slice %arg4[%add3A_80, %dma_start3A_81] : memref<16384x2048xf32, #tpu.memory_space<hbm>> -> memref<8x2048xf32, #tpu.memory_space<hbm>>
      %dma_start3A_83 = arith.constant 0 : i32
      %dma_start3A_84 = tpu.memref_slice %arg4[%add3A_80, %dma_start3A_83] : memref<16384x2048xf32, #tpu.memory_space<hbm>> -> memref<8x2048xf32, #tpu.memory_space<hbm>>
      tpu.enqueue_dma source(%arg7 : memref<8x2048xf32, #tpu.memory_space<vmem>>) target(%dma_start3A_84 : memref<8x2048xf32, #tpu.memory_space<hbm>>) target_semaphore(%arg13 : memref<!tpu.dma_semaphore, #tpu.memory_space<semaphore_mem>>)
      %dma_wait3A_85 = arith.constant 0 : i32
      %dma_wait3A_86 = arith.constant 0 : i32
      %dma_wait3A_87 = tpu.memref_slice %arg2[%dma_wait3A_85, %dma_wait3A_86] : memref<16384x2048xf32, #tpu.memory_space<hbm>> -> memref<8x2048xf32, #tpu.memory_space<hbm>>
      %dma_wait3A_88 = arith.constant 0 : i32
      %dma_wait3A_89 = arith.constant 0 : i32
      %dma_wait3A_90 = tpu.memref_slice %arg2[%dma_wait3A_88, %dma_wait3A_89] : memref<16384x2048xf32, #tpu.memory_space<hbm>> -> memref<8x2048xf32, #tpu.memory_space<hbm>>
      tpu.wait_dma2 semaphore(%arg12 : memref<!tpu.dma_semaphore, #tpu.memory_space<semaphore_mem>>) src(%dma_wait3A_90 : memref<8x2048xf32, #tpu.memory_space<hbm>>) dst(%arg6 : memref<8x2048xf32, #tpu.memory_space<vmem>>)
      %gt3A_91 = arith.constant 0 : i32
      %gt3A_92 = arith.cmpi sgt, %add3A_50, %gt3A_91 : i32
      %convert_element_type3A_93 = arith.extui %gt3A_92 : i1 to i32
      %cond3A_94 = arith.constant 0 : i32
      %cond3A_95 = arith.cmpi ne, %convert_element_type3A_93, %cond3A_94 : i32
      scf.if %cond3A_95 {
        %dma_wait3A_320 = arith.constant 0 : i32
        %dma_wait3A_321 = arith.constant 0 : i32
        %dma_wait3A_322 = tpu.memref_slice %arg2[%dma_wait3A_320, %dma_wait3A_321] : memref<16384x2048xf32, #tpu.memory_space<hbm>> -> memref<8x2048xf32, #tpu.memory_space<hbm>>
        %dma_wait3A_323 = arith.constant 0 : i32
        %dma_wait3A_324 = arith.constant 0 : i32
        %dma_wait3A_325 = tpu.memref_slice %arg2[%dma_wait3A_323, %dma_wait3A_324] : memref<16384x2048xf32, #tpu.memory_space<hbm>> -> memref<8x2048xf32, #tpu.memory_space<hbm>>
        tpu.wait_dma2 semaphore(%arg14 : memref<!tpu.dma_semaphore, #tpu.memory_space<semaphore_mem>>) src(%dma_wait3A_325 : memref<8x2048xf32, #tpu.memory_space<hbm>>) dst(%arg8 : memref<8x2048xf32, #tpu.memory_space<vmem>>)
      } else {
      }
      %parallel_loop3A_96 = arith.constant 0 : i32
      %parallel_loop3A_97 = arith.constant 2048 : i32
      %parallel_loop3A_98 = arith.constant 16 : i32
      scf.for %parallel_loop3A_320 = %parallel_loop3A_96 to %parallel_loop3A_97 step %parallel_loop3A_98  : i32 {
        %parallel_loop3A_321 = arith.constant 0 : i32
        %parallel_loop3A_322 = arith.index_cast %parallel_loop3A_321 : i32 to index
        %parallel_loop3A_323 = arith.index_cast %parallel_loop3A_320 : i32 to index
        %parallel_loop3A_324 = tpu.vector_load %arg6[%parallel_loop3A_322, %parallel_loop3A_323] {strides = array<i32>} : memref<8x2048xf32, #tpu.memory_space<vmem>>, vector<1x16xf32>,
        %parallel_loop3A_325 = vector.shape_cast %parallel_loop3A_324 : vector<1x16xf32> to vector<16xf32>
        %parallel_loop3A_326 = arith.constant 0 : i32
        %parallel_loop3A_327 = arith.index_cast %parallel_loop3A_326 : i32 to index
        %parallel_loop3A_328 = arith.index_cast %parallel_loop3A_320 : i32 to index
        %parallel_loop3A_329 = tpu.vector_load %arg9[%parallel_loop3A_327, %parallel_loop3A_328] {strides = array<i32>} : memref<8x2048xf32, #tpu.memory_space<vmem>>, vector<1x16xf32>,
        %parallel_loop3A_330 = vector.shape_cast %parallel_loop3A_329 : vector<1x16xf32> to vector<16xf32>
        %parallel_loop3A_331 = arith.addf %parallel_loop3A_325, %parallel_loop3A_330 : vector<16xf32>
        %parallel_loop3A_332 = arith.constant 0 : i32
        %parallel_loop3A_333 = arith.index_cast %parallel_loop3A_332 : i32 to index
        %parallel_loop3A_334 = arith.index_cast %parallel_loop3A_320 : i32 to index
        %parallel_loop3A_335 = tpu.vector_load %arg8[%parallel_loop3A_333, %parallel_loop3A_334] {strides = array<i32>} : memref<8x2048xf32, #tpu.memory_space<vmem>>, vector<1x16xf32>,
        %parallel_loop3A_336 = vector.shape_cast %parallel_loop3A_335 : vector<1x16xf32> to vector<16xf32>
        %parallel_loop3A_337 = vector.shape_cast %parallel_loop3A_331 : vector<16xf32> to vector<1x16xf32>
        tpu.vector_store %arg8[%parallel_loop3A_333, %parallel_loop3A_334], %parallel_loop3A_337 {strides = array<i32>} : memref<8x2048xf32, #tpu.memory_space<vmem>>, vector<1x16xf32>,
        %parallel_loop3A_338 = arith.constant 1 : i32
        %parallel_loop3A_339 = arith.index_cast %parallel_loop3A_338 : i32 to index
        %parallel_loop3A_340 = arith.index_cast %parallel_loop3A_320 : i32 to index
        %parallel_loop3A_341 = tpu.vector_load %arg6[%parallel_loop3A_339, %parallel_loop3A_340] {strides = array<i32>} : memref<8x2048xf32, #tpu.memory_space<vmem>>, vector<1x16xf32>,
        %parallel_loop3A_342 = vector.shape_cast %parallel_loop3A_341 : vector<1x16xf32> to vector<16xf32>
        %parallel_loop3A_343 = arith.constant 1 : i32
        %parallel_loop3A_344 = arith.index_cast %parallel_loop3A_343 : i32 to index
        %parallel_loop3A_345 = arith.index_cast %parallel_loop3A_320 : i32 to index
        %parallel_loop3A_346 = tpu.vector_load %arg9[%parallel_loop3A_344, %parallel_loop3A_345] {strides = array<i32>} : memref<8x2048xf32, #tpu.memory_space<vmem>>, vector<1x16xf32>,
        %parallel_loop3A_347 = vector.shape_cast %parallel_loop3A_346 : vector<1x16xf32> to vector<16xf32>
        %parallel_loop3A_348 = arith.addf %parallel_loop3A_342, %parallel_loop3A_347 : vector<16xf32>
        %parallel_loop3A_349 = arith.constant 1 : i32
        %parallel_loop3A_350 = arith.index_cast %parallel_loop3A_349 : i32 to index
        %parallel_loop3A_351 = arith.index_cast %parallel_loop3A_320 : i32 to index
        %parallel_loop3A_352 = tpu.vector_load %arg8[%parallel_loop3A_350, %parallel_loop3A_351] {strides = array<i32>} : memref<8x2048xf32, #tpu.memory_space<vmem>>, vector<1x16xf32>,
        %parallel_loop3A_353 = vector.shape_cast %parallel_loop3A_352 : vector<1x16xf32> to vector<16xf32>
        %parallel_loop3A_354 = vector.shape_cast %parallel_loop3A_348 : vector<16xf32> to vector<1x16xf32>
        tpu.vector_store %arg8[%parallel_loop3A_350, %parallel_loop3A_351], %parallel_loop3A_354 {strides = array<i32>} : memref<8x2048xf32, #tpu.memory_space<vmem>>, vector<1x16xf32>,
        %parallel_loop3A_355 = arith.constant 2 : i32
        %parallel_loop3A_356 = arith.index_cast %parallel_loop3A_355 : i32 to index
        %parallel_loop3A_357 = arith.index_cast %parallel_loop3A_320 : i32 to index
        %parallel_loop3A_358 = tpu.vector_load %arg6[%parallel_loop3A_356, %parallel_loop3A_357] {strides = array<i32>} : memref<8x2048xf32, #tpu.memory_space<vmem>>, vector<1x16xf32>,
        %parallel_loop3A_359 = vector.shape_cast %parallel_loop3A_358 : vector<1x16xf32> to vector<16xf32>
        %parallel_loop3A_360 = arith.constant 2 : i32
        %parallel_loop3A_361 = arith.index_cast %parallel_loop3A_360 : i32 to index
        %parallel_loop3A_362 = arith.index_cast %parallel_loop3A_320 : i32 to index
        %parallel_loop3A_363 = tpu.vector_load %arg9[%parallel_loop3A_361, %parallel_loop3A_362] {strides = array<i32>} : memref<8x2048xf32, #tpu.memory_space<vmem>>, vector<1x16xf32>,
        %parallel_loop3A_364 = vector.shape_cast %parallel_loop3A_363 : vector<1x16xf32> to vector<16xf32>
        %parallel_loop3A_365 = arith.addf %parallel_loop3A_359, %parallel_loop3A_364 : vector<16xf32>
        %parallel_loop3A_366 = arith.constant 2 : i32
        %parallel_loop3A_367 = arith.index_cast %parallel_loop3A_366 : i32 to index
        %parallel_loop3A_368 = arith.index_cast %parallel_loop3A_320 : i32 to index
        %parallel_loop3A_369 = tpu.vector_load %arg8[%parallel_loop3A_367, %parallel_loop3A_368] {strides = array<i32>} : memref<8x2048xf32, #tpu.memory_space<vmem>>, vector<1x16xf32>,
        %parallel_loop3A_370 = vector.shape_cast %parallel_loop3A_369 : vector<1x16xf32> to vector<16xf32>
        %parallel_loop3A_371 = vector.shape_cast %parallel_loop3A_365 : vector<16xf32> to vector<1x16xf32>
        tpu.vector_store %arg8[%parallel_loop3A_367, %parallel_loop3A_368], %parallel_loop3A_371 {strides = array<i32>} : memref<8x2048xf32, #tpu.memory_space<vmem>>, vector<1x16xf32>,
        %parallel_loop3A_372 = arith.constant 3 : i32
        %parallel_loop3A_373 = arith.index_cast %parallel_loop3A_372 : i32 to index
        %parallel_loop3A_374 = arith.index_cast %parallel_loop3A_320 : i32 to index
        %parallel_loop3A_375 = tpu.vector_load %arg6[%parallel_loop3A_373, %parallel_loop3A_374] {strides = array<i32>} : memref<8x2048xf32, #tpu.memory_space<vmem>>, vector<1x16xf32>,
        %parallel_loop3A_376 = vector.shape_cast %parallel_loop3A_375 : vector<1x16xf32> to vector<16xf32>
        %parallel_loop3A_377 = arith.constant 3 : i32
        %parallel_loop3A_378 = arith.index_cast %parallel_loop3A_377 : i32 to index
        %parallel_loop3A_379 = arith.index_cast %parallel_loop3A_320 : i32 to index
        %parallel_loop3A_380 = tpu.vector_load %arg9[%parallel_loop3A_378, %parallel_loop3A_379] {strides = array<i32>} : memref<8x2048xf32, #tpu.memory_space<vmem>>, vector<1x16xf32>,
        %parallel_loop3A_381 = vector.shape_cast %parallel_loop3A_380 : vector<1x16xf32> to vector<16xf32>
        %parallel_loop3A_382 = arith.addf %parallel_loop3A_376, %parallel_loop3A_381 : vector<16xf32>
        %parallel_loop3A_383 = arith.constant 3 : i32
        %parallel_loop3A_384 = arith.index_cast %parallel_loop3A_383 : i32 to index
        %parallel_loop3A_385 = arith.index_cast %parallel_loop3A_320 : i32 to index
        %parallel_loop3A_386 = tpu.vector_load %arg8[%parallel_loop3A_384, %parallel_loop3A_385] {strides = array<i32>} : memref<8x2048xf32, #tpu.memory_space<vmem>>, vector<1x16xf32>,
        %parallel_loop3A_387 = vector.shape_cast %parallel_loop3A_386 : vector<1x16xf32> to vector<16xf32>
        %parallel_loop3A_388 = vector.shape_cast %parallel_loop3A_382 : vector<16xf32> to vector<1x16xf32>
        tpu.vector_store %arg8[%parallel_loop3A_384, %parallel_loop3A_385], %parallel_loop3A_388 {strides = array<i32>} : memref<8x2048xf32, #tpu.memory_space<vmem>>, vector<1x16xf32>,
        %parallel_loop3A_389 = arith.constant 4 : i32
        %parallel_loop3A_390 = arith.index_cast %parallel_loop3A_389 : i32 to index
        %parallel_loop3A_391 = arith.index_cast %parallel_loop3A_320 : i32 to index
        %parallel_loop3A_392 = tpu.vector_load %arg6[%parallel_loop3A_390, %parallel_loop3A_391] {strides = array<i32>} : memref<8x2048xf32, #tpu.memory_space<vmem>>, vector<1x16xf32>,
        %parallel_loop3A_393 = vector.shape_cast %parallel_loop3A_392 : vector<1x16xf32> to vector<16xf32>
        %parallel_loop3A_394 = arith.constant 4 : i32
        %parallel_loop3A_395 = arith.index_cast %parallel_loop3A_394 : i32 to index
        %parallel_loop3A_396 = arith.index_cast %parallel_loop3A_320 : i32 to index
        %parallel_loop3A_397 = tpu.vector_load %arg9[%parallel_loop3A_395, %parallel_loop3A_396] {strides = array<i32>} : memref<8x2048xf32, #tpu.memory_space<vmem>>, vector<1x16xf32>,
        %parallel_loop3A_398 = vector.shape_cast %parallel_loop3A_397 : vector<1x16xf32> to vector<16xf32>
        %parallel_loop3A_399 = arith.addf %parallel_loop3A_393, %parallel_loop3A_398 : vector<16xf32>
        %parallel_loop3A_400 = arith.constant 4 : i32
        %parallel_loop3A_401 = arith.index_cast %parallel_loop3A_400 : i32 to index
        %parallel_loop3A_402 = arith.index_cast %parallel_loop3A_320 : i32 to index
        %parallel_loop3A_403 = tpu.vector_load %arg8[%parallel_loop3A_401, %parallel_loop3A_402] {strides = array<i32>} : memref<8x2048xf32, #tpu.memory_space<vmem>>, vector<1x16xf32>,
        %parallel_loop3A_404 = vector.shape_cast %parallel_loop3A_403 : vector<1x16xf32> to vector<16xf32>
        %parallel_loop3A_405 = vector.shape_cast %parallel_loop3A_399 : vector<16xf32> to vector<1x16xf32>
        tpu.vector_store %arg8[%parallel_loop3A_401, %parallel_loop3A_402], %parallel_loop3A_405 {strides = array<i32>} : memref<8x2048xf32, #tpu.memory_space<vmem>>, vector<1x16xf32>,
        %parallel_loop3A_406 = arith.constant 5 : i32
        %parallel_loop3A_407 = arith.index_cast %parallel_loop3A_406 : i32 to index
        %parallel_loop3A_408 = arith.index_cast %parallel_loop3A_320 : i32 to index
        %parallel_loop3A_409 = tpu.vector_load %arg6[%parallel_loop3A_407, %parallel_loop3A_408] {strides = array<i32>} : memref<8x2048xf32, #tpu.memory_space<vmem>>, vector<1x16xf32>,
        %parallel_loop3A_410 = vector.shape_cast %parallel_loop3A_409 : vector<1x16xf32> to vector<16xf32>
        %parallel_loop3A_411 = arith.constant 5 : i32
        %parallel_loop3A_412 = arith.index_cast %parallel_loop3A_411 : i32 to index
        %parallel_loop3A_413 = arith.index_cast %parallel_loop3A_320 : i32 to index
        %parallel_loop3A_414 = tpu.vector_load %arg9[%parallel_loop3A_412, %parallel_loop3A_413] {strides = array<i32>} : memref<8x2048xf32, #tpu.memory_space<vmem>>, vector<1x16xf32>,
        %parallel_loop3A_415 = vector.shape_cast %parallel_loop3A_414 : vector<1x16xf32> to vector<16xf32>
        %parallel_loop3A_416 = arith.addf %parallel_loop3A_410, %parallel_loop3A_415 : vector<16xf32>
        %parallel_loop3A_417 = arith.constant 5 : i32
        %parallel_loop3A_418 = arith.index_cast %parallel_loop3A_417 : i32 to index
        %parallel_loop3A_419 = arith.index_cast %parallel_loop3A_320 : i32 to index
        %parallel_loop3A_420 = tpu.vector_load %arg8[%parallel_loop3A_418, %parallel_loop3A_419] {strides = array<i32>} : memref<8x2048xf32, #tpu.memory_space<vmem>>, vector<1x16xf32>,
        %parallel_loop3A_421 = vector.shape_cast %parallel_loop3A_420 : vector<1x16xf32> to vector<16xf32>
        %parallel_loop3A_422 = vector.shape_cast %parallel_loop3A_416 : vector<16xf32> to vector<1x16xf32>
        tpu.vector_store %arg8[%parallel_loop3A_418, %parallel_loop3A_419], %parallel_loop3A_422 {strides = array<i32>} : memref<8x2048xf32, #tpu.memory_space<vmem>>, vector<1x16xf32>,
        %parallel_loop3A_423 = arith.constant 6 : i32
        %parallel_loop3A_424 = arith.index_cast %parallel_loop3A_423 : i32 to index
        %parallel_loop3A_425 = arith.index_cast %parallel_loop3A_320 : i32 to index
        %parallel_loop3A_426 = tpu.vector_load %arg6[%parallel_loop3A_424, %parallel_loop3A_425] {strides = array<i32>} : memref<8x2048xf32, #tpu.memory_space<vmem>>, vector<1x16xf32>,
        %parallel_loop3A_427 = vector.shape_cast %parallel_loop3A_426 : vector<1x16xf32> to vector<16xf32>
        %parallel_loop3A_428 = arith.constant 6 : i32
        %parallel_loop3A_429 = arith.index_cast %parallel_loop3A_428 : i32 to index
        %parallel_loop3A_430 = arith.index_cast %parallel_loop3A_320 : i32 to index
        %parallel_loop3A_431 = tpu.vector_load %arg9[%parallel_loop3A_429, %parallel_loop3A_430] {strides = array<i32>} : memref<8x2048xf32, #tpu.memory_space<vmem>>, vector<1x16xf32>,
        %parallel_loop3A_432 = vector.shape_cast %parallel_loop3A_431 : vector<1x16xf32> to vector<16xf32>
        %parallel_loop3A_433 = arith.addf %parallel_loop3A_427, %parallel_loop3A_432 : vector<16xf32>
        %parallel_loop3A_434 = arith.constant 6 : i32
        %parallel_loop3A_435 = arith.index_cast %parallel_loop3A_434 : i32 to index
        %parallel_loop3A_436 = arith.index_cast %parallel_loop3A_320 : i32 to index
        %parallel_loop3A_437 = tpu.vector_load %arg8[%parallel_loop3A_435, %parallel_loop3A_436] {strides = array<i32>} : memref<8x2048xf32, #tpu.memory_space<vmem>>, vector<1x16xf32>,
        %parallel_loop3A_438 = vector.shape_cast %parallel_loop3A_437 : vector<1x16xf32> to vector<16xf32>
        %parallel_loop3A_439 = vector.shape_cast %parallel_loop3A_433 : vector<16xf32> to vector<1x16xf32>
        tpu.vector_store %arg8[%parallel_loop3A_435, %parallel_loop3A_436], %parallel_loop3A_439 {strides = array<i32>} : memref<8x2048xf32, #tpu.memory_space<vmem>>, vector<1x16xf32>,
        %parallel_loop3A_440 = arith.constant 7 : i32
        %parallel_loop3A_441 = arith.index_cast %parallel_loop3A_440 : i32 to index
        %parallel_loop3A_442 = arith.index_cast %parallel_loop3A_320 : i32 to index
        %parallel_loop3A_443 = tpu.vector_load %arg6[%parallel_loop3A_441, %parallel_loop3A_442] {strides = array<i32>} : memref<8x2048xf32, #tpu.memory_space<vmem>>, vector<1x16xf32>,
        %parallel_loop3A_444 = vector.shape_cast %parallel_loop3A_443 : vector<1x16xf32> to vector<16xf32>
        %parallel_loop3A_445 = arith.constant 7 : i32
        %parallel_loop3A_446 = arith.index_cast %parallel_loop3A_445 : i32 to index
        %parallel_loop3A_447 = arith.index_cast %parallel_loop3A_320 : i32 to index
        %parallel_loop3A_448 = tpu.vector_load %arg9[%parallel_loop3A_446, %parallel_loop3A_447] {strides = array<i32>} : memref<8x2048xf32, #tpu.memory_space<vmem>>, vector<1x16xf32>,
        %parallel_loop3A_449 = vector.shape_cast %parallel_loop3A_448 : vector<1x16xf32> to vector<16xf32>
        %parallel_loop3A_450 = arith.addf %parallel_loop3A_444, %parallel_loop3A_449 : vector<16xf32>
        %parallel_loop3A_451 = arith.constant 7 : i32
        %parallel_loop3A_452 = arith.index_cast %parallel_loop3A_451 : i32 to index
        %parallel_loop3A_453 = arith.index_cast %parallel_loop3A_320 : i32 to index
        %parallel_loop3A_454 = tpu.vector_load %arg8[%parallel_loop3A_452, %parallel_loop3A_453] {strides = array<i32>} : memref<8x2048xf32, #tpu.memory_space<vmem>>, vector<1x16xf32>,
        %parallel_loop3A_455 = vector.shape_cast %parallel_loop3A_454 : vector<1x16xf32> to vector<16xf32>
        %parallel_loop3A_456 = vector.shape_cast %parallel_loop3A_450 : vector<16xf32> to vector<1x16xf32>
        tpu.vector_store %arg8[%parallel_loop3A_452, %parallel_loop3A_453], %parallel_loop3A_456 {strides = array<i32>} : memref<8x2048xf32, #tpu.memory_space<vmem>>, vector<1x16xf32>,
      } {sc.loop_unroll_factor = 2 : i64, sc.parallel_access}
      %add3A_99 = arith.constant 12288 : i32
      %add3A_100 = arith.addi %add3A_99, %mul3A_2 : i32
      %mul3A_101 = arith.constant 8 : i32
      %mul3A_102 = arith.muli %add3A_50, %mul3A_101 : i32
      %add3A_103 = arith.addi %add3A_100, %mul3A_102 : i32
      %dma_start3A_104 = arith.constant 0 : i32
      %dma_start3A_105 = tpu.memref_slice %arg2[%add3A_103, %dma_start3A_104] : memref<16384x2048xf32, #tpu.memory_space<hbm>> -> memref<8x2048xf32, #tpu.memory_space<hbm>>
      %dma_start3A_106 = arith.constant 0 : i32
      %dma_start3A_107 = tpu.memref_slice %arg2[%add3A_103, %dma_start3A_106] : memref<16384x2048xf32, #tpu.memory_space<hbm>> -> memref<8x2048xf32, #tpu.memory_space<hbm>>
      tpu.enqueue_dma source(%dma_start3A_107 : memref<8x2048xf32, #tpu.memory_space<hbm>>) target(%arg6 : memref<8x2048xf32, #tpu.memory_space<vmem>>) target_semaphore(%arg12 : memref<!tpu.dma_semaphore, #tpu.memory_space<semaphore_mem>>)
      %add3A_108 = arith.constant 4096 : i32
      %add3A_109 = arith.addi %add3A_108, %mul3A_2 : i32
      %mul3A_110 = arith.constant 8 : i32
      %mul3A_111 = arith.muli %add3A_50, %mul3A_110 : i32
      %add3A_112 = arith.addi %add3A_109, %mul3A_111 : i32
      %dma_start3A_113 = arith.constant 0 : i32
      %dma_start3A_114 = tpu.memref_slice %arg4[%add3A_112, %dma_start3A_113] : memref<16384x2048xf32, #tpu.memory_space<hbm>> -> memref<8x2048xf32, #tpu.memory_space<hbm>>
      %dma_start3A_115 = arith.constant 0 : i32
      %dma_start3A_116 = tpu.memref_slice %arg4[%add3A_112, %dma_start3A_115] : memref<16384x2048xf32, #tpu.memory_space<hbm>> -> memref<8x2048xf32, #tpu.memory_space<hbm>>
      tpu.enqueue_dma source(%arg8 : memref<8x2048xf32, #tpu.memory_space<vmem>>) target(%dma_start3A_116 : memref<8x2048xf32, #tpu.memory_space<hbm>>) target_semaphore(%arg14 : memref<!tpu.dma_semaphore, #tpu.memory_space<semaphore_mem>>)
      %dma_wait3A_117 = arith.constant 0 : i32
      %dma_wait3A_118 = arith.constant 0 : i32
      %dma_wait3A_119 = tpu.memref_slice %arg2[%dma_wait3A_117, %dma_wait3A_118] : memref<16384x2048xf32, #tpu.memory_space<hbm>> -> memref<8x2048xf32, #tpu.memory_space<hbm>>
      %dma_wait3A_120 = arith.constant 0 : i32
      %dma_wait3A_121 = arith.constant 0 : i32
      %dma_wait3A_122 = tpu.memref_slice %arg2[%dma_wait3A_120, %dma_wait3A_121] : memref<16384x2048xf32, #tpu.memory_space<hbm>> -> memref<8x2048xf32, #tpu.memory_space<hbm>>
      tpu.wait_dma2 semaphore(%arg11 : memref<!tpu.dma_semaphore, #tpu.memory_space<semaphore_mem>>) src(%dma_wait3A_122 : memref<8x2048xf32, #tpu.memory_space<hbm>>) dst(%arg5 : memref<8x2048xf32, #tpu.memory_space<vmem>>)
      %dma_wait3A_123 = arith.constant 0 : i32
      %dma_wait3A_124 = arith.constant 0 : i32
      %dma_wait3A_125 = tpu.memref_slice %arg2[%dma_wait3A_123, %dma_wait3A_124] : memref<16384x2048xf32, #tpu.memory_space<hbm>> -> memref<8x2048xf32, #tpu.memory_space<hbm>>
      %dma_wait3A_126 = arith.constant 0 : i32
      %dma_wait3A_127 = arith.constant 0 : i32
      %dma_wait3A_128 = tpu.memref_slice %arg2[%dma_wait3A_126, %dma_wait3A_127] : memref<16384x2048xf32, #tpu.memory_space<hbm>> -> memref<8x2048xf32, #tpu.memory_space<hbm>>
      tpu.wait_dma2 semaphore(%arg13 : memref<!tpu.dma_semaphore, #tpu.memory_space<semaphore_mem>>) src(%dma_wait3A_128 : memref<8x2048xf32, #tpu.memory_space<hbm>>) dst(%arg7 : memref<8x2048xf32, #tpu.memory_space<vmem>>)
      %parallel_loop3A_129 = arith.constant 0 : i32
      %parallel_loop3A_130 = arith.constant 2048 : i32
      %parallel_loop3A_131 = arith.constant 16 : i32
      scf.for %parallel_loop3A_320 = %parallel_loop3A_129 to %parallel_loop3A_130 step %parallel_loop3A_131  : i32 {
        %parallel_loop3A_321 = arith.constant 0 : i32
        %parallel_loop3A_322 = arith.index_cast %parallel_loop3A_321 : i32 to index
        %parallel_loop3A_323 = arith.index_cast %parallel_loop3A_320 : i32 to index
        %parallel_loop3A_324 = tpu.vector_load %arg5[%parallel_loop3A_322, %parallel_loop3A_323] {strides = array<i32>} : memref<8x2048xf32, #tpu.memory_space<vmem>>, vector<1x16xf32>,
        %parallel_loop3A_325 = vector.shape_cast %parallel_loop3A_324 : vector<1x16xf32> to vector<16xf32>
        %parallel_loop3A_326 = arith.constant 0 : i32
        %parallel_loop3A_327 = arith.index_cast %parallel_loop3A_326 : i32 to index
        %parallel_loop3A_328 = arith.index_cast %parallel_loop3A_320 : i32 to index
        %parallel_loop3A_329 = tpu.vector_load %arg9[%parallel_loop3A_327, %parallel_loop3A_328] {strides = array<i32>} : memref<8x2048xf32, #tpu.memory_space<vmem>>, vector<1x16xf32>,
        %parallel_loop3A_330 = vector.shape_cast %parallel_loop3A_329 : vector<1x16xf32> to vector<16xf32>
        %parallel_loop3A_331 = arith.addf %parallel_loop3A_325, %parallel_loop3A_330 : vector<16xf32>
        %parallel_loop3A_332 = arith.constant 0 : i32
        %parallel_loop3A_333 = arith.index_cast %parallel_loop3A_332 : i32 to index
        %parallel_loop3A_334 = arith.index_cast %parallel_loop3A_320 : i32 to index
        %parallel_loop3A_335 = tpu.vector_load %arg7[%parallel_loop3A_333, %parallel_loop3A_334] {strides = array<i32>} : memref<8x2048xf32, #tpu.memory_space<vmem>>, vector<1x16xf32>,
        %parallel_loop3A_336 = vector.shape_cast %parallel_loop3A_335 : vector<1x16xf32> to vector<16xf32>
        %parallel_loop3A_337 = vector.shape_cast %parallel_loop3A_331 : vector<16xf32> to vector<1x16xf32>
        tpu.vector_store %arg7[%parallel_loop3A_333, %parallel_loop3A_334], %parallel_loop3A_337 {strides = array<i32>} : memref<8x2048xf32, #tpu.memory_space<vmem>>, vector<1x16xf32>,
        %parallel_loop3A_338 = arith.constant 1 : i32
        %parallel_loop3A_339 = arith.index_cast %parallel_loop3A_338 : i32 to index
        %parallel_loop3A_340 = arith.index_cast %parallel_loop3A_320 : i32 to index
        %parallel_loop3A_341 = tpu.vector_load %arg5[%parallel_loop3A_339, %parallel_loop3A_340] {strides = array<i32>} : memref<8x2048xf32, #tpu.memory_space<vmem>>, vector<1x16xf32>,
        %parallel_loop3A_342 = vector.shape_cast %parallel_loop3A_341 : vector<1x16xf32> to vector<16xf32>
        %parallel_loop3A_343 = arith.constant 1 : i32
        %parallel_loop3A_344 = arith.index_cast %parallel_loop3A_343 : i32 to index
        %parallel_loop3A_345 = arith.index_cast %parallel_loop3A_320 : i32 to index
        %parallel_loop3A_346 = tpu.vector_load %arg9[%parallel_loop3A_344, %parallel_loop3A_345] {strides = array<i32>} : memref<8x2048xf32, #tpu.memory_space<vmem>>, vector<1x16xf32>,
        %parallel_loop3A_347 = vector.shape_cast %parallel_loop3A_346 : vector<1x16xf32> to vector<16xf32>
        %parallel_loop3A_348 = arith.addf %parallel_loop3A_342, %parallel_loop3A_347 : vector<16xf32>
        %parallel_loop3A_349 = arith.constant 1 : i32
        %parallel_loop3A_350 = arith.index_cast %parallel_loop3A_349 : i32 to index
        %parallel_loop3A_351 = arith.index_cast %parallel_loop3A_320 : i32 to index
        %parallel_loop3A_352 = tpu.vector_load %arg7[%parallel_loop3A_350, %parallel_loop3A_351] {strides = array<i32>} : memref<8x2048xf32, #tpu.memory_space<vmem>>, vector<1x16xf32>,
        %parallel_loop3A_353 = vector.shape_cast %parallel_loop3A_352 : vector<1x16xf32> to vector<16xf32>
        %parallel_loop3A_354 = vector.shape_cast %parallel_loop3A_348 : vector<16xf32> to vector<1x16xf32>
        tpu.vector_store %arg7[%parallel_loop3A_350, %parallel_loop3A_351], %parallel_loop3A_354 {strides = array<i32>} : memref<8x2048xf32, #tpu.memory_space<vmem>>, vector<1x16xf32>,
        %parallel_loop3A_355 = arith.constant 2 : i32
        %parallel_loop3A_356 = arith.index_cast %parallel_loop3A_355 : i32 to index
        %parallel_loop3A_357 = arith.index_cast %parallel_loop3A_320 : i32 to index
        %parallel_loop3A_358 = tpu.vector_load %arg5[%parallel_loop3A_356, %parallel_loop3A_357] {strides = array<i32>} : memref<8x2048xf32, #tpu.memory_space<vmem>>, vector<1x16xf32>,
        %parallel_loop3A_359 = vector.shape_cast %parallel_loop3A_358 : vector<1x16xf32> to vector<16xf32>
        %parallel_loop3A_360 = arith.constant 2 : i32
        %parallel_loop3A_361 = arith.index_cast %parallel_loop3A_360 : i32 to index
        %parallel_loop3A_362 = arith.index_cast %parallel_loop3A_320 : i32 to index
        %parallel_loop3A_363 = tpu.vector_load %arg9[%parallel_loop3A_361, %parallel_loop3A_362] {strides = array<i32>} : memref<8x2048xf32, #tpu.memory_space<vmem>>, vector<1x16xf32>,
        %parallel_loop3A_364 = vector.shape_cast %parallel_loop3A_363 : vector<1x16xf32> to vector<16xf32>
        %parallel_loop3A_365 = arith.addf %parallel_loop3A_359, %parallel_loop3A_364 : vector<16xf32>
        %parallel_loop3A_366 = arith.constant 2 : i32
        %parallel_loop3A_367 = arith.index_cast %parallel_loop3A_366 : i32 to index
        %parallel_loop3A_368 = arith.index_cast %parallel_loop3A_320 : i32 to index
        %parallel_loop3A_369 = tpu.vector_load %arg7[%parallel_loop3A_367, %parallel_loop3A_368] {strides = array<i32>} : memref<8x2048xf32, #tpu.memory_space<vmem>>, vector<1x16xf32>,
        %parallel_loop3A_370 = vector.shape_cast %parallel_loop3A_369 : vector<1x16xf32> to vector<16xf32>
        %parallel_loop3A_371 = vector.shape_cast %parallel_loop3A_365 : vector<16xf32> to vector<1x16xf32>
        tpu.vector_store %arg7[%parallel_loop3A_367, %parallel_loop3A_368], %parallel_loop3A_371 {strides = array<i32>} : memref<8x2048xf32, #tpu.memory_space<vmem>>, vector<1x16xf32>,
        %parallel_loop3A_372 = arith.constant 3 : i32
        %parallel_loop3A_373 = arith.index_cast %parallel_loop3A_372 : i32 to index
        %parallel_loop3A_374 = arith.index_cast %parallel_loop3A_320 : i32 to index
        %parallel_loop3A_375 = tpu.vector_load %arg5[%parallel_loop3A_373, %parallel_loop3A_374] {strides = array<i32>} : memref<8x2048xf32, #tpu.memory_space<vmem>>, vector<1x16xf32>,
        %parallel_loop3A_376 = vector.shape_cast %parallel_loop3A_375 : vector<1x16xf32> to vector<16xf32>
        %parallel_loop3A_377 = arith.constant 3 : i32
        %parallel_loop3A_378 = arith.index_cast %parallel_loop3A_377 : i32 to index
        %parallel_loop3A_379 = arith.index_cast %parallel_loop3A_320 : i32 to index
        %parallel_loop3A_380 = tpu.vector_load %arg9[%parallel_loop3A_378, %parallel_loop3A_379] {strides = array<i32>} : memref<8x2048xf32, #tpu.memory_space<vmem>>, vector<1x16xf32>,
        %parallel_loop3A_381 = vector.shape_cast %parallel_loop3A_380 : vector<1x16xf32> to vector<16xf32>
        %parallel_loop3A_382 = arith.addf %parallel_loop3A_376, %parallel_loop3A_381 : vector<16xf32>
        %parallel_loop3A_383 = arith.constant 3 : i32
        %parallel_loop3A_384 = arith.index_cast %parallel_loop3A_383 : i32 to index
        %parallel_loop3A_385 = arith.index_cast %parallel_loop3A_320 : i32 to index
        %parallel_loop3A_386 = tpu.vector_load %arg7[%parallel_loop3A_384, %parallel_loop3A_385] {strides = array<i32>} : memref<8x2048xf32, #tpu.memory_space<vmem>>, vector<1x16xf32>,
        %parallel_loop3A_387 = vector.shape_cast %parallel_loop3A_386 : vector<1x16xf32> to vector<16xf32>
        %parallel_loop3A_388 = vector.shape_cast %parallel_loop3A_382 : vector<16xf32> to vector<1x16xf32>
        tpu.vector_store %arg7[%parallel_loop3A_384, %parallel_loop3A_385], %parallel_loop3A_388 {strides = array<i32>} : memref<8x2048xf32, #tpu.memory_space<vmem>>, vector<1x16xf32>,
        %parallel_loop3A_389 = arith.constant 4 : i32
        %parallel_loop3A_390 = arith.index_cast %parallel_loop3A_389 : i32 to index
        %parallel_loop3A_391 = arith.index_cast %parallel_loop3A_320 : i32 to index
        %parallel_loop3A_392 = tpu.vector_load %arg5[%parallel_loop3A_390, %parallel_loop3A_391] {strides = array<i32>} : memref<8x2048xf32, #tpu.memory_space<vmem>>, vector<1x16xf32>,
        %parallel_loop3A_393 = vector.shape_cast %parallel_loop3A_392 : vector<1x16xf32> to vector<16xf32>
        %parallel_loop3A_394 = arith.constant 4 : i32
        %parallel_loop3A_395 = arith.index_cast %parallel_loop3A_394 : i32 to index
        %parallel_loop3A_396 = arith.index_cast %parallel_loop3A_320 : i32 to index
        %parallel_loop3A_397 = tpu.vector_load %arg9[%parallel_loop3A_395, %parallel_loop3A_396] {strides = array<i32>} : memref<8x2048xf32, #tpu.memory_space<vmem>>, vector<1x16xf32>,
        %parallel_loop3A_398 = vector.shape_cast %parallel_loop3A_397 : vector<1x16xf32> to vector<16xf32>
        %parallel_loop3A_399 = arith.addf %parallel_loop3A_393, %parallel_loop3A_398 : vector<16xf32>
        %parallel_loop3A_400 = arith.constant 4 : i32
        %parallel_loop3A_401 = arith.index_cast %parallel_loop3A_400 : i32 to index
        %parallel_loop3A_402 = arith.index_cast %parallel_loop3A_320 : i32 to index
        %parallel_loop3A_403 = tpu.vector_load %arg7[%parallel_loop3A_401, %parallel_loop3A_402] {strides = array<i32>} : memref<8x2048xf32, #tpu.memory_space<vmem>>, vector<1x16xf32>,
        %parallel_loop3A_404 = vector.shape_cast %parallel_loop3A_403 : vector<1x16xf32> to vector<16xf32>
        %parallel_loop3A_405 = vector.shape_cast %parallel_loop3A_399 : vector<16xf32> to vector<1x16xf32>
        tpu.vector_store %arg7[%parallel_loop3A_401, %parallel_loop3A_402], %parallel_loop3A_405 {strides = array<i32>} : memref<8x2048xf32, #tpu.memory_space<vmem>>, vector<1x16xf32>,
        %parallel_loop3A_406 = arith.constant 5 : i32
        %parallel_loop3A_407 = arith.index_cast %parallel_loop3A_406 : i32 to index
        %parallel_loop3A_408 = arith.index_cast %parallel_loop3A_320 : i32 to index
        %parallel_loop3A_409 = tpu.vector_load %arg5[%parallel_loop3A_407, %parallel_loop3A_408] {strides = array<i32>} : memref<8x2048xf32, #tpu.memory_space<vmem>>, vector<1x16xf32>,
        %parallel_loop3A_410 = vector.shape_cast %parallel_loop3A_409 : vector<1x16xf32> to vector<16xf32>
        %parallel_loop3A_411 = arith.constant 5 : i32
        %parallel_loop3A_412 = arith.index_cast %parallel_loop3A_411 : i32 to index
        %parallel_loop3A_413 = arith.index_cast %parallel_loop3A_320 : i32 to index
        %parallel_loop3A_414 = tpu.vector_load %arg9[%parallel_loop3A_412, %parallel_loop3A_413] {strides = array<i32>} : memref<8x2048xf32, #tpu.memory_space<vmem>>, vector<1x16xf32>,
        %parallel_loop3A_415 = vector.shape_cast %parallel_loop3A_414 : vector<1x16xf32> to vector<16xf32>
        %parallel_loop3A_416 = arith.addf %parallel_loop3A_410, %parallel_loop3A_415 : vector<16xf32>
        %parallel_loop3A_417 = arith.constant 5 : i32
        %parallel_loop3A_418 = arith.index_cast %parallel_loop3A_417 : i32 to index
        %parallel_loop3A_419 = arith.index_cast %parallel_loop3A_320 : i32 to index
        %parallel_loop3A_420 = tpu.vector_load %arg7[%parallel_loop3A_418, %parallel_loop3A_419] {strides = array<i32>} : memref<8x2048xf32, #tpu.memory_space<vmem>>, vector<1x16xf32>,
        %parallel_loop3A_421 = vector.shape_cast %parallel_loop3A_420 : vector<1x16xf32> to vector<16xf32>
        %parallel_loop3A_422 = vector.shape_cast %parallel_loop3A_416 : vector<16xf32> to vector<1x16xf32>
        tpu.vector_store %arg7[%parallel_loop3A_418, %parallel_loop3A_419], %parallel_loop3A_422 {strides = array<i32>} : memref<8x2048xf32, #tpu.memory_space<vmem>>, vector<1x16xf32>,
        %parallel_loop3A_423 = arith.constant 6 : i32
        %parallel_loop3A_424 = arith.index_cast %parallel_loop3A_423 : i32 to index
        %parallel_loop3A_425 = arith.index_cast %parallel_loop3A_320 : i32 to index
        %parallel_loop3A_426 = tpu.vector_load %arg5[%parallel_loop3A_424, %parallel_loop3A_425] {strides = array<i32>} : memref<8x2048xf32, #tpu.memory_space<vmem>>, vector<1x16xf32>,
        %parallel_loop3A_427 = vector.shape_cast %parallel_loop3A_426 : vector<1x16xf32> to vector<16xf32>
        %parallel_loop3A_428 = arith.constant 6 : i32
        %parallel_loop3A_429 = arith.index_cast %parallel_loop3A_428 : i32 to index
        %parallel_loop3A_430 = arith.index_cast %parallel_loop3A_320 : i32 to index
        %parallel_loop3A_431 = tpu.vector_load %arg9[%parallel_loop3A_429, %parallel_loop3A_430] {strides = array<i32>} : memref<8x2048xf32, #tpu.memory_space<vmem>>, vector<1x16xf32>,
        %parallel_loop3A_432 = vector.shape_cast %parallel_loop3A_431 : vector<1x16xf32> to vector<16xf32>
        %parallel_loop3A_433 = arith.addf %parallel_loop3A_427, %parallel_loop3A_432 : vector<16xf32>
        %parallel_loop3A_434 = arith.constant 6 : i32
        %parallel_loop3A_435 = arith.index_cast %parallel_loop3A_434 : i32 to index
        %parallel_loop3A_436 = arith.index_cast %parallel_loop3A_320 : i32 to index
        %parallel_loop3A_437 = tpu.vector_load %arg7[%parallel_loop3A_435, %parallel_loop3A_436] {strides = array<i32>} : memref<8x2048xf32, #tpu.memory_space<vmem>>, vector<1x16xf32>,
        %parallel_loop3A_438 = vector.shape_cast %parallel_loop3A_437 : vector<1x16xf32> to vector<16xf32>
        %parallel_loop3A_439 = vector.shape_cast %parallel_loop3A_433 : vector<16xf32> to vector<1x16xf32>
        tpu.vector_store %arg7[%parallel_loop3A_435, %parallel_loop3A_436], %parallel_loop3A_439 {strides = array<i32>} : memref<8x2048xf32, #tpu.memory_space<vmem>>, vector<1x16xf32>,
        %parallel_loop3A_440 = arith.constant 7 : i32
        %parallel_loop3A_441 = arith.index_cast %parallel_loop3A_440 : i32 to index
        %parallel_loop3A_442 = arith.index_cast %parallel_loop3A_320 : i32 to index
        %parallel_loop3A_443 = tpu.vector_load %arg5[%parallel_loop3A_441, %parallel_loop3A_442] {strides = array<i32>} : memref<8x2048xf32, #tpu.memory_space<vmem>>, vector<1x16xf32>,
        %parallel_loop3A_444 = vector.shape_cast %parallel_loop3A_443 : vector<1x16xf32> to vector<16xf32>
        %parallel_loop3A_445 = arith.constant 7 : i32
        %parallel_loop3A_446 = arith.index_cast %parallel_loop3A_445 : i32 to index
        %parallel_loop3A_447 = arith.index_cast %parallel_loop3A_320 : i32 to index
        %parallel_loop3A_448 = tpu.vector_load %arg9[%parallel_loop3A_446, %parallel_loop3A_447] {strides = array<i32>} : memref<8x2048xf32, #tpu.memory_space<vmem>>, vector<1x16xf32>,
        %parallel_loop3A_449 = vector.shape_cast %parallel_loop3A_448 : vector<1x16xf32> to vector<16xf32>
        %parallel_loop3A_450 = arith.addf %parallel_loop3A_444, %parallel_loop3A_449 : vector<16xf32>
        %parallel_loop3A_451 = arith.constant 7 : i32
        %parallel_loop3A_452 = arith.index_cast %parallel_loop3A_451 : i32 to index
        %parallel_loop3A_453 = arith.index_cast %parallel_loop3A_320 : i32 to index
        %parallel_loop3A_454 = tpu.vector_load %arg7[%parallel_loop3A_452, %parallel_loop3A_453] {strides = array<i32>} : memref<8x2048xf32, #tpu.memory_space<vmem>>, vector<1x16xf32>,
        %parallel_loop3A_455 = vector.shape_cast %parallel_loop3A_454 : vector<1x16xf32> to vector<16xf32>
        %parallel_loop3A_456 = vector.shape_cast %parallel_loop3A_450 : vector<16xf32> to vector<1x16xf32>
        tpu.vector_store %arg7[%parallel_loop3A_452, %parallel_loop3A_453], %parallel_loop3A_456 {strides = array<i32>} : memref<8x2048xf32, #tpu.memory_space<vmem>>, vector<1x16xf32>,
      } {sc.loop_unroll_factor = 2 : i64, sc.parallel_access}
      %lt3A = arith.constant 15 : i32
      %lt3A_132 = arith.cmpi slt, %add3A_50, %lt3A : i32
      %convert_element_type3A_133 = arith.extui %lt3A_132 : i1 to i32
      %cond3A_134 = arith.constant 0 : i32
      %cond3A_135 = arith.cmpi ne, %convert_element_type3A_133, %cond3A_134 : i32
      scf.if %cond3A_135 {
        %add3A_320 = arith.constant 1 : i32
        %add3A_321 = arith.addi %add3A_50, %add3A_320 : i32
        %add3A_322 = arith.constant 0 : i32
        %add3A_323 = arith.addi %add3A_322, %mul3A_2 : i32
        %mul3A_324 = arith.constant 8 : i32
        %mul3A_325 = arith.muli %add3A_321, %mul3A_324 : i32
        %add3A_326 = arith.addi %add3A_323, %mul3A_325 : i32
        %dma_start3A_327 = arith.constant 0 : i32
        %dma_start3A_328 = tpu.memref_slice %arg2[%add3A_326, %dma_start3A_327] : memref<16384x2048xf32, #tpu.memory_space<hbm>> -> memref<8x2048xf32, #tpu.memory_space<hbm>>
        %dma_start3A_329 = arith.constant 0 : i32
        %dma_start3A_330 = tpu.memref_slice %arg2[%add3A_326, %dma_start3A_329] : memref<16384x2048xf32, #tpu.memory_space<hbm>> -> memref<8x2048xf32, #tpu.memory_space<hbm>>
        tpu.enqueue_dma source(%dma_start3A_330 : memref<8x2048xf32, #tpu.memory_space<hbm>>) target(%arg5 : memref<8x2048xf32, #tpu.memory_space<vmem>>) target_semaphore(%arg11 : memref<!tpu.dma_semaphore, #tpu.memory_space<semaphore_mem>>)
      } else {
      }
      %add3A_136 = arith.constant 8192 : i32
      %add3A_137 = arith.addi %add3A_136, %mul3A_2 : i32
      %mul3A_138 = arith.constant 8 : i32
      %mul3A_139 = arith.muli %add3A_50, %mul3A_138 : i32
      %add3A_140 = arith.addi %add3A_137, %mul3A_139 : i32
      %dma_start3A_141 = arith.constant 0 : i32
      %dma_start3A_142 = tpu.memref_slice %arg4[%add3A_140, %dma_start3A_141] : memref<16384x2048xf32, #tpu.memory_space<hbm>> -> memref<8x2048xf32, #tpu.memory_space<hbm>>
      %dma_start3A_143 = arith.constant 0 : i32
      %dma_start3A_144 = tpu.memref_slice %arg4[%add3A_140, %dma_start3A_143] : memref<16384x2048xf32, #tpu.memory_space<hbm>> -> memref<8x2048xf32, #tpu.memory_space<hbm>>
      tpu.enqueue_dma source(%arg7 : memref<8x2048xf32, #tpu.memory_space<vmem>>) target(%dma_start3A_144 : memref<8x2048xf32, #tpu.memory_space<hbm>>) target_semaphore(%arg13 : memref<!tpu.dma_semaphore, #tpu.memory_space<semaphore_mem>>)
      %dma_wait3A_145 = arith.constant 0 : i32
      %dma_wait3A_146 = arith.constant 0 : i32
      %dma_wait3A_147 = tpu.memref_slice %arg2[%dma_wait3A_145, %dma_wait3A_146] : memref<16384x2048xf32, #tpu.memory_space<hbm>> -> memref<8x2048xf32, #tpu.memory_space<hbm>>
      %dma_wait3A_148 = arith.constant 0 : i32
      %dma_wait3A_149 = arith.constant 0 : i32
      %dma_wait3A_150 = tpu.memref_slice %arg2[%dma_wait3A_148, %dma_wait3A_149] : memref<16384x2048xf32, #tpu.memory_space<hbm>> -> memref<8x2048xf32, #tpu.memory_space<hbm>>
      tpu.wait_dma2 semaphore(%arg12 : memref<!tpu.dma_semaphore, #tpu.memory_space<semaphore_mem>>) src(%dma_wait3A_150 : memref<8x2048xf32, #tpu.memory_space<hbm>>) dst(%arg6 : memref<8x2048xf32, #tpu.memory_space<vmem>>)
      %dma_wait3A_151 = arith.constant 0 : i32
      %dma_wait3A_152 = arith.constant 0 : i32
      %dma_wait3A_153 = tpu.memref_slice %arg2[%dma_wait3A_151, %dma_wait3A_152] : memref<16384x2048xf32, #tpu.memory_space<hbm>> -> memref<8x2048xf32, #tpu.memory_space<hbm>>
      %dma_wait3A_154 = arith.constant 0 : i32
      %dma_wait3A_155 = arith.constant 0 : i32
      %dma_wait3A_156 = tpu.memref_slice %arg2[%dma_wait3A_154, %dma_wait3A_155] : memref<16384x2048xf32, #tpu.memory_space<hbm>> -> memref<8x2048xf32, #tpu.memory_space<hbm>>
      tpu.wait_dma2 semaphore(%arg14 : memref<!tpu.dma_semaphore, #tpu.memory_space<semaphore_mem>>) src(%dma_wait3A_156 : memref<8x2048xf32, #tpu.memory_space<hbm>>) dst(%arg8 : memref<8x2048xf32, #tpu.memory_space<vmem>>)
      %parallel_loop3A_157 = arith.constant 0 : i32
      %parallel_loop3A_158 = arith.constant 2048 : i32
      %parallel_loop3A_159 = arith.constant 16 : i32
      scf.for %parallel_loop3A_320 = %parallel_loop3A_157 to %parallel_loop3A_158 step %parallel_loop3A_159  : i32 {
        %parallel_loop3A_321 = arith.constant 0 : i32
        %parallel_loop3A_322 = arith.index_cast %parallel_loop3A_321 : i32 to index
        %parallel_loop3A_323 = arith.index_cast %parallel_loop3A_320 : i32 to index
        %parallel_loop3A_324 = tpu.vector_load %arg6[%parallel_loop3A_322, %parallel_loop3A_323] {strides = array<i32>} : memref<8x2048xf32, #tpu.memory_space<vmem>>, vector<1x16xf32>,
        %parallel_loop3A_325 = vector.shape_cast %parallel_loop3A_324 : vector<1x16xf32> to vector<16xf32>
        %parallel_loop3A_326 = arith.constant 0 : i32
        %parallel_loop3A_327 = arith.index_cast %parallel_loop3A_326 : i32 to index
        %parallel_loop3A_328 = arith.index_cast %parallel_loop3A_320 : i32 to index
        %parallel_loop3A_329 = tpu.vector_load %arg9[%parallel_loop3A_327, %parallel_loop3A_328] {strides = array<i32>} : memref<8x2048xf32, #tpu.memory_space<vmem>>, vector<1x16xf32>,
        %parallel_loop3A_330 = vector.shape_cast %parallel_loop3A_329 : vector<1x16xf32> to vector<16xf32>
        %parallel_loop3A_331 = arith.addf %parallel_loop3A_325, %parallel_loop3A_330 : vector<16xf32>
        %parallel_loop3A_332 = arith.constant 0 : i32
        %parallel_loop3A_333 = arith.index_cast %parallel_loop3A_332 : i32 to index
        %parallel_loop3A_334 = arith.index_cast %parallel_loop3A_320 : i32 to index
        %parallel_loop3A_335 = tpu.vector_load %arg8[%parallel_loop3A_333, %parallel_loop3A_334] {strides = array<i32>} : memref<8x2048xf32, #tpu.memory_space<vmem>>, vector<1x16xf32>,
        %parallel_loop3A_336 = vector.shape_cast %parallel_loop3A_335 : vector<1x16xf32> to vector<16xf32>
        %parallel_loop3A_337 = vector.shape_cast %parallel_loop3A_331 : vector<16xf32> to vector<1x16xf32>
        tpu.vector_store %arg8[%parallel_loop3A_333, %parallel_loop3A_334], %parallel_loop3A_337 {strides = array<i32>} : memref<8x2048xf32, #tpu.memory_space<vmem>>, vector<1x16xf32>,
        %parallel_loop3A_338 = arith.constant 1 : i32
        %parallel_loop3A_339 = arith.index_cast %parallel_loop3A_338 : i32 to index
        %parallel_loop3A_340 = arith.index_cast %parallel_loop3A_320 : i32 to index
        %parallel_loop3A_341 = tpu.vector_load %arg6[%parallel_loop3A_339, %parallel_loop3A_340] {strides = array<i32>} : memref<8x2048xf32, #tpu.memory_space<vmem>>, vector<1x16xf32>,
        %parallel_loop3A_342 = vector.shape_cast %parallel_loop3A_341 : vector<1x16xf32> to vector<16xf32>
        %parallel_loop3A_343 = arith.constant 1 : i32
        %parallel_loop3A_344 = arith.index_cast %parallel_loop3A_343 : i32 to index
        %parallel_loop3A_345 = arith.index_cast %parallel_loop3A_320 : i32 to index
        %parallel_loop3A_346 = tpu.vector_load %arg9[%parallel_loop3A_344, %parallel_loop3A_345] {strides = array<i32>} : memref<8x2048xf32, #tpu.memory_space<vmem>>, vector<1x16xf32>,
        %parallel_loop3A_347 = vector.shape_cast %parallel_loop3A_346 : vector<1x16xf32> to vector<16xf32>
        %parallel_loop3A_348 = arith.addf %parallel_loop3A_342, %parallel_loop3A_347 : vector<16xf32>
        %parallel_loop3A_349 = arith.constant 1 : i32
        %parallel_loop3A_350 = arith.index_cast %parallel_loop3A_349 : i32 to index
        %parallel_loop3A_351 = arith.index_cast %parallel_loop3A_320 : i32 to index
        %parallel_loop3A_352 = tpu.vector_load %arg8[%parallel_loop3A_350, %parallel_loop3A_351] {strides = array<i32>} : memref<8x2048xf32, #tpu.memory_space<vmem>>, vector<1x16xf32>,
        %parallel_loop3A_353 = vector.shape_cast %parallel_loop3A_352 : vector<1x16xf32> to vector<16xf32>
        %parallel_loop3A_354 = vector.shape_cast %parallel_loop3A_348 : vector<16xf32> to vector<1x16xf32>
        tpu.vector_store %arg8[%parallel_loop3A_350, %parallel_loop3A_351], %parallel_loop3A_354 {strides = array<i32>} : memref<8x2048xf32, #tpu.memory_space<vmem>>, vector<1x16xf32>,
        %parallel_loop3A_355 = arith.constant 2 : i32
        %parallel_loop3A_356 = arith.index_cast %parallel_loop3A_355 : i32 to index
        %parallel_loop3A_357 = arith.index_cast %parallel_loop3A_320 : i32 to index
        %parallel_loop3A_358 = tpu.vector_load %arg6[%parallel_loop3A_356, %parallel_loop3A_357] {strides = array<i32>} : memref<8x2048xf32, #tpu.memory_space<vmem>>, vector<1x16xf32>,
        %parallel_loop3A_359 = vector.shape_cast %parallel_loop3A_358 : vector<1x16xf32> to vector<16xf32>
        %parallel_loop3A_360 = arith.constant 2 : i32
        %parallel_loop3A_361 = arith.index_cast %parallel_loop3A_360 : i32 to index
        %parallel_loop3A_362 = arith.index_cast %parallel_loop3A_320 : i32 to index
        %parallel_loop3A_363 = tpu.vector_load %arg9[%parallel_loop3A_361, %parallel_loop3A_362] {strides = array<i32>} : memref<8x2048xf32, #tpu.memory_space<vmem>>, vector<1x16xf32>,
        %parallel_loop3A_364 = vector.shape_cast %parallel_loop3A_363 : vector<1x16xf32> to vector<16xf32>
        %parallel_loop3A_365 = arith.addf %parallel_loop3A_359, %parallel_loop3A_364 : vector<16xf32>
        %parallel_loop3A_366 = arith.constant 2 : i32
        %parallel_loop3A_367 = arith.index_cast %parallel_loop3A_366 : i32 to index
        %parallel_loop3A_368 = arith.index_cast %parallel_loop3A_320 : i32 to index
        %parallel_loop3A_369 = tpu.vector_load %arg8[%parallel_loop3A_367, %parallel_loop3A_368] {strides = array<i32>} : memref<8x2048xf32, #tpu.memory_space<vmem>>, vector<1x16xf32>,
        %parallel_loop3A_370 = vector.shape_cast %parallel_loop3A_369 : vector<1x16xf32> to vector<16xf32>
        %parallel_loop3A_371 = vector.shape_cast %parallel_loop3A_365 : vector<16xf32> to vector<1x16xf32>
        tpu.vector_store %arg8[%parallel_loop3A_367, %parallel_loop3A_368], %parallel_loop3A_371 {strides = array<i32>} : memref<8x2048xf32, #tpu.memory_space<vmem>>, vector<1x16xf32>,
        %parallel_loop3A_372 = arith.constant 3 : i32
        %parallel_loop3A_373 = arith.index_cast %parallel_loop3A_372 : i32 to index
        %parallel_loop3A_374 = arith.index_cast %parallel_loop3A_320 : i32 to index
        %parallel_loop3A_375 = tpu.vector_load %arg6[%parallel_loop3A_373, %parallel_loop3A_374] {strides = array<i32>} : memref<8x2048xf32, #tpu.memory_space<vmem>>, vector<1x16xf32>,
        %parallel_loop3A_376 = vector.shape_cast %parallel_loop3A_375 : vector<1x16xf32> to vector<16xf32>
        %parallel_loop3A_377 = arith.constant 3 : i32
        %parallel_loop3A_378 = arith.index_cast %parallel_loop3A_377 : i32 to index
        %parallel_loop3A_379 = arith.index_cast %parallel_loop3A_320 : i32 to index
        %parallel_loop3A_380 = tpu.vector_load %arg9[%parallel_loop3A_378, %parallel_loop3A_379] {strides = array<i32>} : memref<8x2048xf32, #tpu.memory_space<vmem>>, vector<1x16xf32>,
        %parallel_loop3A_381 = vector.shape_cast %parallel_loop3A_380 : vector<1x16xf32> to vector<16xf32>
        %parallel_loop3A_382 = arith.addf %parallel_loop3A_376, %parallel_loop3A_381 : vector<16xf32>
        %parallel_loop3A_383 = arith.constant 3 : i32
        %parallel_loop3A_384 = arith.index_cast %parallel_loop3A_383 : i32 to index
        %parallel_loop3A_385 = arith.index_cast %parallel_loop3A_320 : i32 to index
        %parallel_loop3A_386 = tpu.vector_load %arg8[%parallel_loop3A_384, %parallel_loop3A_385] {strides = array<i32>} : memref<8x2048xf32, #tpu.memory_space<vmem>>, vector<1x16xf32>,
        %parallel_loop3A_387 = vector.shape_cast %parallel_loop3A_386 : vector<1x16xf32> to vector<16xf32>
        %parallel_loop3A_388 = vector.shape_cast %parallel_loop3A_382 : vector<16xf32> to vector<1x16xf32>
        tpu.vector_store %arg8[%parallel_loop3A_384, %parallel_loop3A_385], %parallel_loop3A_388 {strides = array<i32>} : memref<8x2048xf32, #tpu.memory_space<vmem>>, vector<1x16xf32>,
        %parallel_loop3A_389 = arith.constant 4 : i32
        %parallel_loop3A_390 = arith.index_cast %parallel_loop3A_389 : i32 to index
        %parallel_loop3A_391 = arith.index_cast %parallel_loop3A_320 : i32 to index
        %parallel_loop3A_392 = tpu.vector_load %arg6[%parallel_loop3A_390, %parallel_loop3A_391] {strides = array<i32>} : memref<8x2048xf32, #tpu.memory_space<vmem>>, vector<1x16xf32>,
        %parallel_loop3A_393 = vector.shape_cast %parallel_loop3A_392 : vector<1x16xf32> to vector<16xf32>
        %parallel_loop3A_394 = arith.constant 4 : i32
        %parallel_loop3A_395 = arith.index_cast %parallel_loop3A_394 : i32 to index
        %parallel_loop3A_396 = arith.index_cast %parallel_loop3A_320 : i32 to index
        %parallel_loop3A_397 = tpu.vector_load %arg9[%parallel_loop3A_395, %parallel_loop3A_396] {strides = array<i32>} : memref<8x2048xf32, #tpu.memory_space<vmem>>, vector<1x16xf32>,
        %parallel_loop3A_398 = vector.shape_cast %parallel_loop3A_397 : vector<1x16xf32> to vector<16xf32>
        %parallel_loop3A_399 = arith.addf %parallel_loop3A_393, %parallel_loop3A_398 : vector<16xf32>
        %parallel_loop3A_400 = arith.constant 4 : i32
        %parallel_loop3A_401 = arith.index_cast %parallel_loop3A_400 : i32 to index
        %parallel_loop3A_402 = arith.index_cast %parallel_loop3A_320 : i32 to index
        %parallel_loop3A_403 = tpu.vector_load %arg8[%parallel_loop3A_401, %parallel_loop3A_402] {strides = array<i32>} : memref<8x2048xf32, #tpu.memory_space<vmem>>, vector<1x16xf32>,
        %parallel_loop3A_404 = vector.shape_cast %parallel_loop3A_403 : vector<1x16xf32> to vector<16xf32>
        %parallel_loop3A_405 = vector.shape_cast %parallel_loop3A_399 : vector<16xf32> to vector<1x16xf32>
        tpu.vector_store %arg8[%parallel_loop3A_401, %parallel_loop3A_402], %parallel_loop3A_405 {strides = array<i32>} : memref<8x2048xf32, #tpu.memory_space<vmem>>, vector<1x16xf32>,
        %parallel_loop3A_406 = arith.constant 5 : i32
        %parallel_loop3A_407 = arith.index_cast %parallel_loop3A_406 : i32 to index
        %parallel_loop3A_408 = arith.index_cast %parallel_loop3A_320 : i32 to index
        %parallel_loop3A_409 = tpu.vector_load %arg6[%parallel_loop3A_407, %parallel_loop3A_408] {strides = array<i32>} : memref<8x2048xf32, #tpu.memory_space<vmem>>, vector<1x16xf32>,
        %parallel_loop3A_410 = vector.shape_cast %parallel_loop3A_409 : vector<1x16xf32> to vector<16xf32>
        %parallel_loop3A_411 = arith.constant 5 : i32
        %parallel_loop3A_412 = arith.index_cast %parallel_loop3A_411 : i32 to index
        %parallel_loop3A_413 = arith.index_cast %parallel_loop3A_320 : i32 to index
        %parallel_loop3A_414 = tpu.vector_load %arg9[%parallel_loop3A_412, %parallel_loop3A_413] {strides = array<i32>} : memref<8x2048xf32, #tpu.memory_space<vmem>>, vector<1x16xf32>,
        %parallel_loop3A_415 = vector.shape_cast %parallel_loop3A_414 : vector<1x16xf32> to vector<16xf32>
        %parallel_loop3A_416 = arith.addf %parallel_loop3A_410, %parallel_loop3A_415 : vector<16xf32>
        %parallel_loop3A_417 = arith.constant 5 : i32
        %parallel_loop3A_418 = arith.index_cast %parallel_loop3A_417 : i32 to index
        %parallel_loop3A_419 = arith.index_cast %parallel_loop3A_320 : i32 to index
        %parallel_loop3A_420 = tpu.vector_load %arg8[%parallel_loop3A_418, %parallel_loop3A_419] {strides = array<i32>} : memref<8x2048xf32, #tpu.memory_space<vmem>>, vector<1x16xf32>,
        %parallel_loop3A_421 = vector.shape_cast %parallel_loop3A_420 : vector<1x16xf32> to vector<16xf32>
        %parallel_loop3A_422 = vector.shape_cast %parallel_loop3A_416 : vector<16xf32> to vector<1x16xf32>
        tpu.vector_store %arg8[%parallel_loop3A_418, %parallel_loop3A_419], %parallel_loop3A_422 {strides = array<i32>} : memref<8x2048xf32, #tpu.memory_space<vmem>>, vector<1x16xf32>,
        %parallel_loop3A_423 = arith.constant 6 : i32
        %parallel_loop3A_424 = arith.index_cast %parallel_loop3A_423 : i32 to index
        %parallel_loop3A_425 = arith.index_cast %parallel_loop3A_320 : i32 to index
        %parallel_loop3A_426 = tpu.vector_load %arg6[%parallel_loop3A_424, %parallel_loop3A_425] {strides = array<i32>} : memref<8x2048xf32, #tpu.memory_space<vmem>>, vector<1x16xf32>,
        %parallel_loop3A_427 = vector.shape_cast %parallel_loop3A_426 : vector<1x16xf32> to vector<16xf32>
        %parallel_loop3A_428 = arith.constant 6 : i32
        %parallel_loop3A_429 = arith.index_cast %parallel_loop3A_428 : i32 to index
        %parallel_loop3A_430 = arith.index_cast %parallel_loop3A_320 : i32 to index
        %parallel_loop3A_431 = tpu.vector_load %arg9[%parallel_loop3A_429, %parallel_loop3A_430] {strides = array<i32>} : memref<8x2048xf32, #tpu.memory_space<vmem>>, vector<1x16xf32>,
        %parallel_loop3A_432 = vector.shape_cast %parallel_loop3A_431 : vector<1x16xf32> to vector<16xf32>
        %parallel_loop3A_433 = arith.addf %parallel_loop3A_427, %parallel_loop3A_432 : vector<16xf32>
        %parallel_loop3A_434 = arith.constant 6 : i32
        %parallel_loop3A_435 = arith.index_cast %parallel_loop3A_434 : i32 to index
        %parallel_loop3A_436 = arith.index_cast %parallel_loop3A_320 : i32 to index
        %parallel_loop3A_437 = tpu.vector_load %arg8[%parallel_loop3A_435, %parallel_loop3A_436] {strides = array<i32>} : memref<8x2048xf32, #tpu.memory_space<vmem>>, vector<1x16xf32>,
        %parallel_loop3A_438 = vector.shape_cast %parallel_loop3A_437 : vector<1x16xf32> to vector<16xf32>
        %parallel_loop3A_439 = vector.shape_cast %parallel_loop3A_433 : vector<16xf32> to vector<1x16xf32>
        tpu.vector_store %arg8[%parallel_loop3A_435, %parallel_loop3A_436], %parallel_loop3A_439 {strides = array<i32>} : memref<8x2048xf32, #tpu.memory_space<vmem>>, vector<1x16xf32>,
        %parallel_loop3A_440 = arith.constant 7 : i32
        %parallel_loop3A_441 = arith.index_cast %parallel_loop3A_440 : i32 to index
        %parallel_loop3A_442 = arith.index_cast %parallel_loop3A_320 : i32 to index
        %parallel_loop3A_443 = tpu.vector_load %arg6[%parallel_loop3A_441, %parallel_loop3A_442] {strides = array<i32>} : memref<8x2048xf32, #tpu.memory_space<vmem>>, vector<1x16xf32>,
        %parallel_loop3A_444 = vector.shape_cast %parallel_loop3A_443 : vector<1x16xf32> to vector<16xf32>
        %parallel_loop3A_445 = arith.constant 7 : i32
        %parallel_loop3A_446 = arith.index_cast %parallel_loop3A_445 : i32 to index
        %parallel_loop3A_447 = arith.index_cast %parallel_loop3A_320 : i32 to index
        %parallel_loop3A_448 = tpu.vector_load %arg9[%parallel_loop3A_446, %parallel_loop3A_447] {strides = array<i32>} : memref<8x2048xf32, #tpu.memory_space<vmem>>, vector<1x16xf32>,
        %parallel_loop3A_449 = vector.shape_cast %parallel_loop3A_448 : vector<1x16xf32> to vector<16xf32>
        %parallel_loop3A_450 = arith.addf %parallel_loop3A_444, %parallel_loop3A_449 : vector<16xf32>
        %parallel_loop3A_451 = arith.constant 7 : i32
        %parallel_loop3A_452 = arith.index_cast %parallel_loop3A_451 : i32 to index
        %parallel_loop3A_453 = arith.index_cast %parallel_loop3A_320 : i32 to index
        %parallel_loop3A_454 = tpu.vector_load %arg8[%parallel_loop3A_452, %parallel_loop3A_453] {strides = array<i32>} : memref<8x2048xf32, #tpu.memory_space<vmem>>, vector<1x16xf32>,
        %parallel_loop3A_455 = vector.shape_cast %parallel_loop3A_454 : vector<1x16xf32> to vector<16xf32>
        %parallel_loop3A_456 = vector.shape_cast %parallel_loop3A_450 : vector<16xf32> to vector<1x16xf32>
        tpu.vector_store %arg8[%parallel_loop3A_452, %parallel_loop3A_453], %parallel_loop3A_456 {strides = array<i32>} : memref<8x2048xf32, #tpu.memory_space<vmem>>, vector<1x16xf32>,
      } {sc.loop_unroll_factor = 2 : i64, sc.parallel_access}
      %lt3A_160 = arith.constant 15 : i32
      %lt3A_161 = arith.cmpi slt, %add3A_50, %lt3A_160 : i32
      %convert_element_type3A_162 = arith.extui %lt3A_161 : i1 to i32
      %cond3A_163 = arith.constant 0 : i32
      %cond3A_164 = arith.cmpi ne, %convert_element_type3A_162, %cond3A_163 : i32
      scf.if %cond3A_164 {
        %add3A_320 = arith.constant 1 : i32
        %add3A_321 = arith.addi %add3A_50, %add3A_320 : i32
        %add3A_322 = arith.constant 4096 : i32
        %add3A_323 = arith.addi %add3A_322, %mul3A_2 : i32
        %mul3A_324 = arith.constant 8 : i32
        %mul3A_325 = arith.muli %add3A_321, %mul3A_324 : i32
        %add3A_326 = arith.addi %add3A_323, %mul3A_325 : i32
        %dma_start3A_327 = arith.constant 0 : i32
        %dma_start3A_328 = tpu.memref_slice %arg2[%add3A_326, %dma_start3A_327] : memref<16384x2048xf32, #tpu.memory_space<hbm>> -> memref<8x2048xf32, #tpu.memory_space<hbm>>
        %dma_start3A_329 = arith.constant 0 : i32
        %dma_start3A_330 = tpu.memref_slice %arg2[%add3A_326, %dma_start3A_329] : memref<16384x2048xf32, #tpu.memory_space<hbm>> -> memref<8x2048xf32, #tpu.memory_space<hbm>>
        tpu.enqueue_dma source(%dma_start3A_330 : memref<8x2048xf32, #tpu.memory_space<hbm>>) target(%arg6 : memref<8x2048xf32, #tpu.memory_space<vmem>>) target_semaphore(%arg12 : memref<!tpu.dma_semaphore, #tpu.memory_space<semaphore_mem>>)
      } else {
      }
      %add3A_165 = arith.constant 12288 : i32
      %add3A_166 = arith.addi %add3A_165, %mul3A_2 : i32
      %mul3A_167 = arith.constant 8 : i32
      %mul3A_168 = arith.muli %add3A_50, %mul3A_167 : i32
      %add3A_169 = arith.addi %add3A_166, %mul3A_168 : i32
      %dma_start3A_170 = arith.constant 0 : i32
      %dma_start3A_171 = tpu.memref_slice %arg4[%add3A_169, %dma_start3A_170] : memref<16384x2048xf32, #tpu.memory_space<hbm>> -> memref<8x2048xf32, #tpu.memory_space<hbm>>
      %dma_start3A_172 = arith.constant 0 : i32
      %dma_start3A_173 = tpu.memref_slice %arg4[%add3A_169, %dma_start3A_172] : memref<16384x2048xf32, #tpu.memory_space<hbm>> -> memref<8x2048xf32, #tpu.memory_space<hbm>>
      tpu.enqueue_dma source(%arg8 : memref<8x2048xf32, #tpu.memory_space<vmem>>) target(%dma_start3A_173 : memref<8x2048xf32, #tpu.memory_space<hbm>>) target_semaphore(%arg14 : memref<!tpu.dma_semaphore, #tpu.memory_space<semaphore_mem>>)
      %add3A_174 = arith.constant 2 : i32
      %add3A_175 = arith.addi %add3A_50, %add3A_174 : i32
      %lt3A_176 = arith.constant 16 : i32
      %lt3A_177 = arith.cmpi slt, %add3A_175, %lt3A_176 : i32
      %convert_element_type3A_178 = arith.extui %lt3A_177 : i1 to i32
      %cond3A_179 = arith.constant 0 : i32
      %cond3A_180 = arith.cmpi ne, %convert_element_type3A_178, %cond3A_179 : i32
      scf.if %cond3A_180 {
        %add3A_320 = arith.constant 2 : i32
        %add3A_321 = arith.addi %add3A_50, %add3A_320 : i32
        %mul3A_322 = arith.constant 8 : i32
        %mul3A_323 = arith.muli %add3A_321, %mul3A_322 : i32
        %add3A_324 = arith.addi %mul3A_2, %mul3A_323 : i32
        %dma_start3A_325 = arith.constant 0 : i32
        %dma_start3A_326 = tpu.memref_slice %arg3[%add3A_324, %dma_start3A_325] : memref<8192x2048xf32, #tpu.memory_space<hbm>> -> memref<8x2048xf32, #tpu.memory_space<hbm>>
        %dma_start3A_327 = arith.constant 0 : i32
        %dma_start3A_328 = tpu.memref_slice %arg3[%add3A_324, %dma_start3A_327] : memref<8192x2048xf32, #tpu.memory_space<hbm>> -> memref<8x2048xf32, #tpu.memory_space<hbm>>
        tpu.enqueue_dma source(%dma_start3A_328 : memref<8x2048xf32, #tpu.memory_space<hbm>>) target(%arg9 : memref<8x2048xf32, #tpu.memory_space<vmem>>) target_semaphore(%arg15 : memref<!tpu.dma_semaphore, #tpu.memory_space<semaphore_mem>>)
      } else {
      }
      %mul3A_181 = arith.constant 2 : i32
      %mul3A_182 = arith.muli %mul3A_181, %scan3A_46 : i32
      %add3A_183 = arith.constant 1 : i32
      %add3A_184 = arith.addi %mul3A_182, %add3A_183 : i32
      %dma_wait3A_185 = arith.constant 0 : i32
      %dma_wait3A_186 = arith.constant 0 : i32
      %dma_wait3A_187 = tpu.memref_slice %arg3[%dma_wait3A_185, %dma_wait3A_186] : memref<8192x2048xf32, #tpu.memory_space<hbm>> -> memref<8x2048xf32, #tpu.memory_space<hbm>>
      %dma_wait3A_188 = arith.constant 0 : i32
      %dma_wait3A_189 = arith.constant 0 : i32
      %dma_wait3A_190 = tpu.memref_slice %arg3[%dma_wait3A_188, %dma_wait3A_189] : memref<8192x2048xf32, #tpu.memory_space<hbm>> -> memref<8x2048xf32, #tpu.memory_space<hbm>>
      tpu.wait_dma2 semaphore(%arg16 : memref<!tpu.dma_semaphore, #tpu.memory_space<semaphore_mem>>) src(%dma_wait3A_190 : memref<8x2048xf32, #tpu.memory_space<hbm>>) dst(%arg10 : memref<8x2048xf32, #tpu.memory_space<vmem>>)
      %dma_wait3A_191 = arith.constant 0 : i32
      %dma_wait3A_192 = arith.constant 0 : i32
      %dma_wait3A_193 = tpu.memref_slice %arg2[%dma_wait3A_191, %dma_wait3A_192] : memref<16384x2048xf32, #tpu.memory_space<hbm>> -> memref<8x2048xf32, #tpu.memory_space<hbm>>
      %dma_wait3A_194 = arith.constant 0 : i32
      %dma_wait3A_195 = arith.constant 0 : i32
      %dma_wait3A_196 = tpu.memref_slice %arg2[%dma_wait3A_194, %dma_wait3A_195] : memref<16384x2048xf32, #tpu.memory_space<hbm>> -> memref<8x2048xf32, #tpu.memory_space<hbm>>
      tpu.wait_dma2 semaphore(%arg11 : memref<!tpu.dma_semaphore, #tpu.memory_space<semaphore_mem>>) src(%dma_wait3A_196 : memref<8x2048xf32, #tpu.memory_space<hbm>>) dst(%arg5 : memref<8x2048xf32, #tpu.memory_space<vmem>>)
      %gt3A_197 = arith.constant 0 : i32
      %gt3A_198 = arith.cmpi sgt, %add3A_184, %gt3A_197 : i32
      %convert_element_type3A_199 = arith.extui %gt3A_198 : i1 to i32
      %cond3A_200 = arith.constant 0 : i32
      %cond3A_201 = arith.cmpi ne, %convert_element_type3A_199, %cond3A_200 : i32
      scf.if %cond3A_201 {
        %dma_wait3A_320 = arith.constant 0 : i32
        %dma_wait3A_321 = arith.constant 0 : i32
        %dma_wait3A_322 = tpu.memref_slice %arg2[%dma_wait3A_320, %dma_wait3A_321] : memref<16384x2048xf32, #tpu.memory_space<hbm>> -> memref<8x2048xf32, #tpu.memory_space<hbm>>
        %dma_wait3A_323 = arith.constant 0 : i32
        %dma_wait3A_324 = arith.constant 0 : i32
        %dma_wait3A_325 = tpu.memref_slice %arg2[%dma_wait3A_323, %dma_wait3A_324] : memref<16384x2048xf32, #tpu.memory_space<hbm>> -> memref<8x2048xf32, #tpu.memory_space<hbm>>
        tpu.wait_dma2 semaphore(%arg13 : memref<!tpu.dma_semaphore, #tpu.memory_space<semaphore_mem>>) src(%dma_wait3A_325 : memref<8x2048xf32, #tpu.memory_space<hbm>>) dst(%arg7 : memref<8x2048xf32, #tpu.memory_space<vmem>>)
      } else {
      }
      %parallel_loop3A_202 = arith.constant 0 : i32
      %parallel_loop3A_203 = arith.constant 2048 : i32
      %parallel_loop3A_204 = arith.constant 16 : i32
      scf.for %parallel_loop3A_320 = %parallel_loop3A_202 to %parallel_loop3A_203 step %parallel_loop3A_204  : i32 {
        %parallel_loop3A_321 = arith.constant 0 : i32
        %parallel_loop3A_322 = arith.index_cast %parallel_loop3A_321 : i32 to index
        %parallel_loop3A_323 = arith.index_cast %parallel_loop3A_320 : i32 to index
        %parallel_loop3A_324 = tpu.vector_load %arg5[%parallel_loop3A_322, %parallel_loop3A_323] {strides = array<i32>} : memref<8x2048xf32, #tpu.memory_space<vmem>>, vector<1x16xf32>,
        %parallel_loop3A_325 = vector.shape_cast %parallel_loop3A_324 : vector<1x16xf32> to vector<16xf32>
        %parallel_loop3A_326 = arith.constant 0 : i32
        %parallel_loop3A_327 = arith.index_cast %parallel_loop3A_326 : i32 to index
        %parallel_loop3A_328 = arith.index_cast %parallel_loop3A_320 : i32 to index
        %parallel_loop3A_329 = tpu.vector_load %arg10[%parallel_loop3A_327, %parallel_loop3A_328] {strides = array<i32>} : memref<8x2048xf32, #tpu.memory_space<vmem>>, vector<1x16xf32>,
        %parallel_loop3A_330 = vector.shape_cast %parallel_loop3A_329 : vector<1x16xf32> to vector<16xf32>
        %parallel_loop3A_331 = arith.addf %parallel_loop3A_325, %parallel_loop3A_330 : vector<16xf32>
        %parallel_loop3A_332 = arith.constant 0 : i32
        %parallel_loop3A_333 = arith.index_cast %parallel_loop3A_332 : i32 to index
        %parallel_loop3A_334 = arith.index_cast %parallel_loop3A_320 : i32 to index
        %parallel_loop3A_335 = tpu.vector_load %arg7[%parallel_loop3A_333, %parallel_loop3A_334] {strides = array<i32>} : memref<8x2048xf32, #tpu.memory_space<vmem>>, vector<1x16xf32>,
        %parallel_loop3A_336 = vector.shape_cast %parallel_loop3A_335 : vector<1x16xf32> to vector<16xf32>
        %parallel_loop3A_337 = vector.shape_cast %parallel_loop3A_331 : vector<16xf32> to vector<1x16xf32>
        tpu.vector_store %arg7[%parallel_loop3A_333, %parallel_loop3A_334], %parallel_loop3A_337 {strides = array<i32>} : memref<8x2048xf32, #tpu.memory_space<vmem>>, vector<1x16xf32>,
        %parallel_loop3A_338 = arith.constant 1 : i32
        %parallel_loop3A_339 = arith.index_cast %parallel_loop3A_338 : i32 to index
        %parallel_loop3A_340 = arith.index_cast %parallel_loop3A_320 : i32 to index
        %parallel_loop3A_341 = tpu.vector_load %arg5[%parallel_loop3A_339, %parallel_loop3A_340] {strides = array<i32>} : memref<8x2048xf32, #tpu.memory_space<vmem>>, vector<1x16xf32>,
        %parallel_loop3A_342 = vector.shape_cast %parallel_loop3A_341 : vector<1x16xf32> to vector<16xf32>
        %parallel_loop3A_343 = arith.constant 1 : i32
        %parallel_loop3A_344 = arith.index_cast %parallel_loop3A_343 : i32 to index
        %parallel_loop3A_345 = arith.index_cast %parallel_loop3A_320 : i32 to index
        %parallel_loop3A_346 = tpu.vector_load %arg10[%parallel_loop3A_344, %parallel_loop3A_345] {strides = array<i32>} : memref<8x2048xf32, #tpu.memory_space<vmem>>, vector<1x16xf32>,
        %parallel_loop3A_347 = vector.shape_cast %parallel_loop3A_346 : vector<1x16xf32> to vector<16xf32>
        %parallel_loop3A_348 = arith.addf %parallel_loop3A_342, %parallel_loop3A_347 : vector<16xf32>
        %parallel_loop3A_349 = arith.constant 1 : i32
        %parallel_loop3A_350 = arith.index_cast %parallel_loop3A_349 : i32 to index
        %parallel_loop3A_351 = arith.index_cast %parallel_loop3A_320 : i32 to index
        %parallel_loop3A_352 = tpu.vector_load %arg7[%parallel_loop3A_350, %parallel_loop3A_351] {strides = array<i32>} : memref<8x2048xf32, #tpu.memory_space<vmem>>, vector<1x16xf32>,
        %parallel_loop3A_353 = vector.shape_cast %parallel_loop3A_352 : vector<1x16xf32> to vector<16xf32>
        %parallel_loop3A_354 = vector.shape_cast %parallel_loop3A_348 : vector<16xf32> to vector<1x16xf32>
        tpu.vector_store %arg7[%parallel_loop3A_350, %parallel_loop3A_351], %parallel_loop3A_354 {strides = array<i32>} : memref<8x2048xf32, #tpu.memory_space<vmem>>, vector<1x16xf32>,
        %parallel_loop3A_355 = arith.constant 2 : i32
        %parallel_loop3A_356 = arith.index_cast %parallel_loop3A_355 : i32 to index
        %parallel_loop3A_357 = arith.index_cast %parallel_loop3A_320 : i32 to index
        %parallel_loop3A_358 = tpu.vector_load %arg5[%parallel_loop3A_356, %parallel_loop3A_357] {strides = array<i32>} : memref<8x2048xf32, #tpu.memory_space<vmem>>, vector<1x16xf32>,
        %parallel_loop3A_359 = vector.shape_cast %parallel_loop3A_358 : vector<1x16xf32> to vector<16xf32>
        %parallel_loop3A_360 = arith.constant 2 : i32
        %parallel_loop3A_361 = arith.index_cast %parallel_loop3A_360 : i32 to index
        %parallel_loop3A_362 = arith.index_cast %parallel_loop3A_320 : i32 to index
        %parallel_loop3A_363 = tpu.vector_load %arg10[%parallel_loop3A_361, %parallel_loop3A_362] {strides = array<i32>} : memref<8x2048xf32, #tpu.memory_space<vmem>>, vector<1x16xf32>,
        %parallel_loop3A_364 = vector.shape_cast %parallel_loop3A_363 : vector<1x16xf32> to vector<16xf32>
        %parallel_loop3A_365 = arith.addf %parallel_loop3A_359, %parallel_loop3A_364 : vector<16xf32>
        %parallel_loop3A_366 = arith.constant 2 : i32
        %parallel_loop3A_367 = arith.index_cast %parallel_loop3A_366 : i32 to index
        %parallel_loop3A_368 = arith.index_cast %parallel_loop3A_320 : i32 to index
        %parallel_loop3A_369 = tpu.vector_load %arg7[%parallel_loop3A_367, %parallel_loop3A_368] {strides = array<i32>} : memref<8x2048xf32, #tpu.memory_space<vmem>>, vector<1x16xf32>,
        %parallel_loop3A_370 = vector.shape_cast %parallel_loop3A_369 : vector<1x16xf32> to vector<16xf32>
        %parallel_loop3A_371 = vector.shape_cast %parallel_loop3A_365 : vector<16xf32> to vector<1x16xf32>
        tpu.vector_store %arg7[%parallel_loop3A_367, %parallel_loop3A_368], %parallel_loop3A_371 {strides = array<i32>} : memref<8x2048xf32, #tpu.memory_space<vmem>>, vector<1x16xf32>,
        %parallel_loop3A_372 = arith.constant 3 : i32
        %parallel_loop3A_373 = arith.index_cast %parallel_loop3A_372 : i32 to index
        %parallel_loop3A_374 = arith.index_cast %parallel_loop3A_320 : i32 to index
        %parallel_loop3A_375 = tpu.vector_load %arg5[%parallel_loop3A_373, %parallel_loop3A_374] {strides = array<i32>} : memref<8x2048xf32, #tpu.memory_space<vmem>>, vector<1x16xf32>,
        %parallel_loop3A_376 = vector.shape_cast %parallel_loop3A_375 : vector<1x16xf32> to vector<16xf32>
        %parallel_loop3A_377 = arith.constant 3 : i32
        %parallel_loop3A_378 = arith.index_cast %parallel_loop3A_377 : i32 to index
        %parallel_loop3A_379 = arith.index_cast %parallel_loop3A_320 : i32 to index
        %parallel_loop3A_380 = tpu.vector_load %arg10[%parallel_loop3A_378, %parallel_loop3A_379] {strides = array<i32>} : memref<8x2048xf32, #tpu.memory_space<vmem>>, vector<1x16xf32>,
        %parallel_loop3A_381 = vector.shape_cast %parallel_loop3A_380 : vector<1x16xf32> to vector<16xf32>
        %parallel_loop3A_382 = arith.addf %parallel_loop3A_376, %parallel_loop3A_381 : vector<16xf32>
        %parallel_loop3A_383 = arith.constant 3 : i32
        %parallel_loop3A_384 = arith.index_cast %parallel_loop3A_383 : i32 to index
        %parallel_loop3A_385 = arith.index_cast %parallel_loop3A_320 : i32 to index
        %parallel_loop3A_386 = tpu.vector_load %arg7[%parallel_loop3A_384, %parallel_loop3A_385] {strides = array<i32>} : memref<8x2048xf32, #tpu.memory_space<vmem>>, vector<1x16xf32>,
        %parallel_loop3A_387 = vector.shape_cast %parallel_loop3A_386 : vector<1x16xf32> to vector<16xf32>
        %parallel_loop3A_388 = vector.shape_cast %parallel_loop3A_382 : vector<16xf32> to vector<1x16xf32>
        tpu.vector_store %arg7[%parallel_loop3A_384, %parallel_loop3A_385], %parallel_loop3A_388 {strides = array<i32>} : memref<8x2048xf32, #tpu.memory_space<vmem>>, vector<1x16xf32>,
        %parallel_loop3A_389 = arith.constant 4 : i32
        %parallel_loop3A_390 = arith.index_cast %parallel_loop3A_389 : i32 to index
        %parallel_loop3A_391 = arith.index_cast %parallel_loop3A_320 : i32 to index
        %parallel_loop3A_392 = tpu.vector_load %arg5[%parallel_loop3A_390, %parallel_loop3A_391] {strides = array<i32>} : memref<8x2048xf32, #tpu.memory_space<vmem>>, vector<1x16xf32>,
        %parallel_loop3A_393 = vector.shape_cast %parallel_loop3A_392 : vector<1x16xf32> to vector<16xf32>
        %parallel_loop3A_394 = arith.constant 4 : i32
        %parallel_loop3A_395 = arith.index_cast %parallel_loop3A_394 : i32 to index
        %parallel_loop3A_396 = arith.index_cast %parallel_loop3A_320 : i32 to index
        %parallel_loop3A_397 = tpu.vector_load %arg10[%parallel_loop3A_395, %parallel_loop3A_396] {strides = array<i32>} : memref<8x2048xf32, #tpu.memory_space<vmem>>, vector<1x16xf32>,
        %parallel_loop3A_398 = vector.shape_cast %parallel_loop3A_397 : vector<1x16xf32> to vector<16xf32>
        %parallel_loop3A_399 = arith.addf %parallel_loop3A_393, %parallel_loop3A_398 : vector<16xf32>
        %parallel_loop3A_400 = arith.constant 4 : i32
        %parallel_loop3A_401 = arith.index_cast %parallel_loop3A_400 : i32 to index
        %parallel_loop3A_402 = arith.index_cast %parallel_loop3A_320 : i32 to index
        %parallel_loop3A_403 = tpu.vector_load %arg7[%parallel_loop3A_401, %parallel_loop3A_402] {strides = array<i32>} : memref<8x2048xf32, #tpu.memory_space<vmem>>, vector<1x16xf32>,
        %parallel_loop3A_404 = vector.shape_cast %parallel_loop3A_403 : vector<1x16xf32> to vector<16xf32>
        %parallel_loop3A_405 = vector.shape_cast %parallel_loop3A_399 : vector<16xf32> to vector<1x16xf32>
        tpu.vector_store %arg7[%parallel_loop3A_401, %parallel_loop3A_402], %parallel_loop3A_405 {strides = array<i32>} : memref<8x2048xf32, #tpu.memory_space<vmem>>, vector<1x16xf32>,
        %parallel_loop3A_406 = arith.constant 5 : i32
        %parallel_loop3A_407 = arith.index_cast %parallel_loop3A_406 : i32 to index
        %parallel_loop3A_408 = arith.index_cast %parallel_loop3A_320 : i32 to index
        %parallel_loop3A_409 = tpu.vector_load %arg5[%parallel_loop3A_407, %parallel_loop3A_408] {strides = array<i32>} : memref<8x2048xf32, #tpu.memory_space<vmem>>, vector<1x16xf32>,
        %parallel_loop3A_410 = vector.shape_cast %parallel_loop3A_409 : vector<1x16xf32> to vector<16xf32>
        %parallel_loop3A_411 = arith.constant 5 : i32
        %parallel_loop3A_412 = arith.index_cast %parallel_loop3A_411 : i32 to index
        %parallel_loop3A_413 = arith.index_cast %parallel_loop3A_320 : i32 to index
        %parallel_loop3A_414 = tpu.vector_load %arg10[%parallel_loop3A_412, %parallel_loop3A_413] {strides = array<i32>} : memref<8x2048xf32, #tpu.memory_space<vmem>>, vector<1x16xf32>,
        %parallel_loop3A_415 = vector.shape_cast %parallel_loop3A_414 : vector<1x16xf32> to vector<16xf32>
        %parallel_loop3A_416 = arith.addf %parallel_loop3A_410, %parallel_loop3A_415 : vector<16xf32>
        %parallel_loop3A_417 = arith.constant 5 : i32
        %parallel_loop3A_418 = arith.index_cast %parallel_loop3A_417 : i32 to index
        %parallel_loop3A_419 = arith.index_cast %parallel_loop3A_320 : i32 to index
        %parallel_loop3A_420 = tpu.vector_load %arg7[%parallel_loop3A_418, %parallel_loop3A_419] {strides = array<i32>} : memref<8x2048xf32, #tpu.memory_space<vmem>>, vector<1x16xf32>,
        %parallel_loop3A_421 = vector.shape_cast %parallel_loop3A_420 : vector<1x16xf32> to vector<16xf32>
        %parallel_loop3A_422 = vector.shape_cast %parallel_loop3A_416 : vector<16xf32> to vector<1x16xf32>
        tpu.vector_store %arg7[%parallel_loop3A_418, %parallel_loop3A_419], %parallel_loop3A_422 {strides = array<i32>} : memref<8x2048xf32, #tpu.memory_space<vmem>>, vector<1x16xf32>,
        %parallel_loop3A_423 = arith.constant 6 : i32
        %parallel_loop3A_424 = arith.index_cast %parallel_loop3A_423 : i32 to index
        %parallel_loop3A_425 = arith.index_cast %parallel_loop3A_320 : i32 to index
        %parallel_loop3A_426 = tpu.vector_load %arg5[%parallel_loop3A_424, %parallel_loop3A_425] {strides = array<i32>} : memref<8x2048xf32, #tpu.memory_space<vmem>>, vector<1x16xf32>,
        %parallel_loop3A_427 = vector.shape_cast %parallel_loop3A_426 : vector<1x16xf32> to vector<16xf32>
        %parallel_loop3A_428 = arith.constant 6 : i32
        %parallel_loop3A_429 = arith.index_cast %parallel_loop3A_428 : i32 to index
        %parallel_loop3A_430 = arith.index_cast %parallel_loop3A_320 : i32 to index
        %parallel_loop3A_431 = tpu.vector_load %arg10[%parallel_loop3A_429, %parallel_loop3A_430] {strides = array<i32>} : memref<8x2048xf32, #tpu.memory_space<vmem>>, vector<1x16xf32>,
        %parallel_loop3A_432 = vector.shape_cast %parallel_loop3A_431 : vector<1x16xf32> to vector<16xf32>
        %parallel_loop3A_433 = arith.addf %parallel_loop3A_427, %parallel_loop3A_432 : vector<16xf32>
        %parallel_loop3A_434 = arith.constant 6 : i32
        %parallel_loop3A_435 = arith.index_cast %parallel_loop3A_434 : i32 to index
        %parallel_loop3A_436 = arith.index_cast %parallel_loop3A_320 : i32 to index
        %parallel_loop3A_437 = tpu.vector_load %arg7[%parallel_loop3A_435, %parallel_loop3A_436] {strides = array<i32>} : memref<8x2048xf32, #tpu.memory_space<vmem>>, vector<1x16xf32>,
        %parallel_loop3A_438 = vector.shape_cast %parallel_loop3A_437 : vector<1x16xf32> to vector<16xf32>
        %parallel_loop3A_439 = vector.shape_cast %parallel_loop3A_433 : vector<16xf32> to vector<1x16xf32>
        tpu.vector_store %arg7[%parallel_loop3A_435, %parallel_loop3A_436], %parallel_loop3A_439 {strides = array<i32>} : memref<8x2048xf32, #tpu.memory_space<vmem>>, vector<1x16xf32>,
        %parallel_loop3A_440 = arith.constant 7 : i32
        %parallel_loop3A_441 = arith.index_cast %parallel_loop3A_440 : i32 to index
        %parallel_loop3A_442 = arith.index_cast %parallel_loop3A_320 : i32 to index
        %parallel_loop3A_443 = tpu.vector_load %arg5[%parallel_loop3A_441, %parallel_loop3A_442] {strides = array<i32>} : memref<8x2048xf32, #tpu.memory_space<vmem>>, vector<1x16xf32>,
        %parallel_loop3A_444 = vector.shape_cast %parallel_loop3A_443 : vector<1x16xf32> to vector<16xf32>
        %parallel_loop3A_445 = arith.constant 7 : i32
        %parallel_loop3A_446 = arith.index_cast %parallel_loop3A_445 : i32 to index
        %parallel_loop3A_447 = arith.index_cast %parallel_loop3A_320 : i32 to index
        %parallel_loop3A_448 = tpu.vector_load %arg10[%parallel_loop3A_446, %parallel_loop3A_447] {strides = array<i32>} : memref<8x2048xf32, #tpu.memory_space<vmem>>, vector<1x16xf32>,
        %parallel_loop3A_449 = vector.shape_cast %parallel_loop3A_448 : vector<1x16xf32> to vector<16xf32>
        %parallel_loop3A_450 = arith.addf %parallel_loop3A_444, %parallel_loop3A_449 : vector<16xf32>
        %parallel_loop3A_451 = arith.constant 7 : i32
        %parallel_loop3A_452 = arith.index_cast %parallel_loop3A_451 : i32 to index
        %parallel_loop3A_453 = arith.index_cast %parallel_loop3A_320 : i32 to index
        %parallel_loop3A_454 = tpu.vector_load %arg7[%parallel_loop3A_452, %parallel_loop3A_453] {strides = array<i32>} : memref<8x2048xf32, #tpu.memory_space<vmem>>, vector<1x16xf32>,
        %parallel_loop3A_455 = vector.shape_cast %parallel_loop3A_454 : vector<1x16xf32> to vector<16xf32>
        %parallel_loop3A_456 = vector.shape_cast %parallel_loop3A_450 : vector<16xf32> to vector<1x16xf32>
        tpu.vector_store %arg7[%parallel_loop3A_452, %parallel_loop3A_453], %parallel_loop3A_456 {strides = array<i32>} : memref<8x2048xf32, #tpu.memory_space<vmem>>, vector<1x16xf32>,
      } {sc.loop_unroll_factor = 2 : i64, sc.parallel_access}
      %add3A_205 = arith.constant 8192 : i32
      %add3A_206 = arith.addi %add3A_205, %mul3A_2 : i32
      %mul3A_207 = arith.constant 8 : i32
      %mul3A_208 = arith.muli %add3A_184, %mul3A_207 : i32
      %add3A_209 = arith.addi %add3A_206, %mul3A_208 : i32
      %dma_start3A_210 = arith.constant 0 : i32
      %dma_start3A_211 = tpu.memref_slice %arg2[%add3A_209, %dma_start3A_210] : memref<16384x2048xf32, #tpu.memory_space<hbm>> -> memref<8x2048xf32, #tpu.memory_space<hbm>>
      %dma_start3A_212 = arith.constant 0 : i32
      %dma_start3A_213 = tpu.memref_slice %arg2[%add3A_209, %dma_start3A_212] : memref<16384x2048xf32, #tpu.memory_space<hbm>> -> memref<8x2048xf32, #tpu.memory_space<hbm>>
      tpu.enqueue_dma source(%dma_start3A_213 : memref<8x2048xf32, #tpu.memory_space<hbm>>) target(%arg5 : memref<8x2048xf32, #tpu.memory_space<vmem>>) target_semaphore(%arg11 : memref<!tpu.dma_semaphore, #tpu.memory_space<semaphore_mem>>)
      %add3A_214 = arith.constant 0 : i32
      %add3A_215 = arith.addi %add3A_214, %mul3A_2 : i32
      %mul3A_216 = arith.constant 8 : i32
      %mul3A_217 = arith.muli %add3A_184, %mul3A_216 : i32
      %add3A_218 = arith.addi %add3A_215, %mul3A_217 : i32
      %dma_start3A_219 = arith.constant 0 : i32
      %dma_start3A_220 = tpu.memref_slice %arg4[%add3A_218, %dma_start3A_219] : memref<16384x2048xf32, #tpu.memory_space<hbm>> -> memref<8x2048xf32, #tpu.memory_space<hbm>>
      %dma_start3A_221 = arith.constant 0 : i32
      %dma_start3A_222 = tpu.memref_slice %arg4[%add3A_218, %dma_start3A_221] : memref<16384x2048xf32, #tpu.memory_space<hbm>> -> memref<8x2048xf32, #tpu.memory_space<hbm>>
      tpu.enqueue_dma source(%arg7 : memref<8x2048xf32, #tpu.memory_space<vmem>>) target(%dma_start3A_222 : memref<8x2048xf32, #tpu.memory_space<hbm>>) target_semaphore(%arg13 : memref<!tpu.dma_semaphore, #tpu.memory_space<semaphore_mem>>)
      %dma_wait3A_223 = arith.constant 0 : i32
      %dma_wait3A_224 = arith.constant 0 : i32
      %dma_wait3A_225 = tpu.memref_slice %arg2[%dma_wait3A_223, %dma_wait3A_224] : memref<16384x2048xf32, #tpu.memory_space<hbm>> -> memref<8x2048xf32, #tpu.memory_space<hbm>>
      %dma_wait3A_226 = arith.constant 0 : i32
      %dma_wait3A_227 = arith.constant 0 : i32
      %dma_wait3A_228 = tpu.memref_slice %arg2[%dma_wait3A_226, %dma_wait3A_227] : memref<16384x2048xf32, #tpu.memory_space<hbm>> -> memref<8x2048xf32, #tpu.memory_space<hbm>>
      tpu.wait_dma2 semaphore(%arg12 : memref<!tpu.dma_semaphore, #tpu.memory_space<semaphore_mem>>) src(%dma_wait3A_228 : memref<8x2048xf32, #tpu.memory_space<hbm>>) dst(%arg6 : memref<8x2048xf32, #tpu.memory_space<vmem>>)
      %gt3A_229 = arith.constant 0 : i32
      %gt3A_230 = arith.cmpi sgt, %add3A_184, %gt3A_229 : i32
      %convert_element_type3A_231 = arith.extui %gt3A_230 : i1 to i32
      %cond3A_232 = arith.constant 0 : i32
      %cond3A_233 = arith.cmpi ne, %convert_element_type3A_231, %cond3A_232 : i32
      scf.if %cond3A_233 {
        %dma_wait3A_320 = arith.constant 0 : i32
        %dma_wait3A_321 = arith.constant 0 : i32
        %dma_wait3A_322 = tpu.memref_slice %arg2[%dma_wait3A_320, %dma_wait3A_321] : memref<16384x2048xf32, #tpu.memory_space<hbm>> -> memref<8x2048xf32, #tpu.memory_space<hbm>>
        %dma_wait3A_323 = arith.constant 0 : i32
        %dma_wait3A_324 = arith.constant 0 : i32
        %dma_wait3A_325 = tpu.memref_slice %arg2[%dma_wait3A_323, %dma_wait3A_324] : memref<16384x2048xf32, #tpu.memory_space<hbm>> -> memref<8x2048xf32, #tpu.memory_space<hbm>>
        tpu.wait_dma2 semaphore(%arg14 : memref<!tpu.dma_semaphore, #tpu.memory_space<semaphore_mem>>) src(%dma_wait3A_325 : memref<8x2048xf32, #tpu.memory_space<hbm>>) dst(%arg8 : memref<8x2048xf32, #tpu.memory_space<vmem>>)
      } else {
      }
      %parallel_loop3A_234 = arith.constant 0 : i32
      %parallel_loop3A_235 = arith.constant 2048 : i32
      %parallel_loop3A_236 = arith.constant 16 : i32
      scf.for %parallel_loop3A_320 = %parallel_loop3A_234 to %parallel_loop3A_235 step %parallel_loop3A_236  : i32 {
        %parallel_loop3A_321 = arith.constant 0 : i32
        %parallel_loop3A_322 = arith.index_cast %parallel_loop3A_321 : i32 to index
        %parallel_loop3A_323 = arith.index_cast %parallel_loop3A_320 : i32 to index
        %parallel_loop3A_324 = tpu.vector_load %arg6[%parallel_loop3A_322, %parallel_loop3A_323] {strides = array<i32>} : memref<8x2048xf32, #tpu.memory_space<vmem>>, vector<1x16xf32>,
        %parallel_loop3A_325 = vector.shape_cast %parallel_loop3A_324 : vector<1x16xf32> to vector<16xf32>
        %parallel_loop3A_326 = arith.constant 0 : i32
        %parallel_loop3A_327 = arith.index_cast %parallel_loop3A_326 : i32 to index
        %parallel_loop3A_328 = arith.index_cast %parallel_loop3A_320 : i32 to index
        %parallel_loop3A_329 = tpu.vector_load %arg10[%parallel_loop3A_327, %parallel_loop3A_328] {strides = array<i32>} : memref<8x2048xf32, #tpu.memory_space<vmem>>, vector<1x16xf32>,
        %parallel_loop3A_330 = vector.shape_cast %parallel_loop3A_329 : vector<1x16xf32> to vector<16xf32>
        %parallel_loop3A_331 = arith.addf %parallel_loop3A_325, %parallel_loop3A_330 : vector<16xf32>
        %parallel_loop3A_332 = arith.constant 0 : i32
        %parallel_loop3A_333 = arith.index_cast %parallel_loop3A_332 : i32 to index
        %parallel_loop3A_334 = arith.index_cast %parallel_loop3A_320 : i32 to index
        %parallel_loop3A_335 = tpu.vector_load %arg8[%parallel_loop3A_333, %parallel_loop3A_334] {strides = array<i32>} : memref<8x2048xf32, #tpu.memory_space<vmem>>, vector<1x16xf32>,
        %parallel_loop3A_336 = vector.shape_cast %parallel_loop3A_335 : vector<1x16xf32> to vector<16xf32>
        %parallel_loop3A_337 = vector.shape_cast %parallel_loop3A_331 : vector<16xf32> to vector<1x16xf32>
        tpu.vector_store %arg8[%parallel_loop3A_333, %parallel_loop3A_334], %parallel_loop3A_337 {strides = array<i32>} : memref<8x2048xf32, #tpu.memory_space<vmem>>, vector<1x16xf32>,
        %parallel_loop3A_338 = arith.constant 1 : i32
        %parallel_loop3A_339 = arith.index_cast %parallel_loop3A_338 : i32 to index
        %parallel_loop3A_340 = arith.index_cast %parallel_loop3A_320 : i32 to index
        %parallel_loop3A_341 = tpu.vector_load %arg6[%parallel_loop3A_339, %parallel_loop3A_340] {strides = array<i32>} : memref<8x2048xf32, #tpu.memory_space<vmem>>, vector<1x16xf32>,
        %parallel_loop3A_342 = vector.shape_cast %parallel_loop3A_341 : vector<1x16xf32> to vector<16xf32>
        %parallel_loop3A_343 = arith.constant 1 : i32
        %parallel_loop3A_344 = arith.index_cast %parallel_loop3A_343 : i32 to index
        %parallel_loop3A_345 = arith.index_cast %parallel_loop3A_320 : i32 to index
        %parallel_loop3A_346 = tpu.vector_load %arg10[%parallel_loop3A_344, %parallel_loop3A_345] {strides = array<i32>} : memref<8x2048xf32, #tpu.memory_space<vmem>>, vector<1x16xf32>,
        %parallel_loop3A_347 = vector.shape_cast %parallel_loop3A_346 : vector<1x16xf32> to vector<16xf32>
        %parallel_loop3A_348 = arith.addf %parallel_loop3A_342, %parallel_loop3A_347 : vector<16xf32>
        %parallel_loop3A_349 = arith.constant 1 : i32
        %parallel_loop3A_350 = arith.index_cast %parallel_loop3A_349 : i32 to index
        %parallel_loop3A_351 = arith.index_cast %parallel_loop3A_320 : i32 to index
        %parallel_loop3A_352 = tpu.vector_load %arg8[%parallel_loop3A_350, %parallel_loop3A_351] {strides = array<i32>} : memref<8x2048xf32, #tpu.memory_space<vmem>>, vector<1x16xf32>,
        %parallel_loop3A_353 = vector.shape_cast %parallel_loop3A_352 : vector<1x16xf32> to vector<16xf32>
        %parallel_loop3A_354 = vector.shape_cast %parallel_loop3A_348 : vector<16xf32> to vector<1x16xf32>
        tpu.vector_store %arg8[%parallel_loop3A_350, %parallel_loop3A_351], %parallel_loop3A_354 {strides = array<i32>} : memref<8x2048xf32, #tpu.memory_space<vmem>>, vector<1x16xf32>,
        %parallel_loop3A_355 = arith.constant 2 : i32
        %parallel_loop3A_356 = arith.index_cast %parallel_loop3A_355 : i32 to index
        %parallel_loop3A_357 = arith.index_cast %parallel_loop3A_320 : i32 to index
        %parallel_loop3A_358 = tpu.vector_load %arg6[%parallel_loop3A_356, %parallel_loop3A_357] {strides = array<i32>} : memref<8x2048xf32, #tpu.memory_space<vmem>>, vector<1x16xf32>,
        %parallel_loop3A_359 = vector.shape_cast %parallel_loop3A_358 : vector<1x16xf32> to vector<16xf32>
        %parallel_loop3A_360 = arith.constant 2 : i32
        %parallel_loop3A_361 = arith.index_cast %parallel_loop3A_360 : i32 to index
        %parallel_loop3A_362 = arith.index_cast %parallel_loop3A_320 : i32 to index
        %parallel_loop3A_363 = tpu.vector_load %arg10[%parallel_loop3A_361, %parallel_loop3A_362] {strides = array<i32>} : memref<8x2048xf32, #tpu.memory_space<vmem>>, vector<1x16xf32>,
        %parallel_loop3A_364 = vector.shape_cast %parallel_loop3A_363 : vector<1x16xf32> to vector<16xf32>
        %parallel_loop3A_365 = arith.addf %parallel_loop3A_359, %parallel_loop3A_364 : vector<16xf32>
        %parallel_loop3A_366 = arith.constant 2 : i32
        %parallel_loop3A_367 = arith.index_cast %parallel_loop3A_366 : i32 to index
        %parallel_loop3A_368 = arith.index_cast %parallel_loop3A_320 : i32 to index
        %parallel_loop3A_369 = tpu.vector_load %arg8[%parallel_loop3A_367, %parallel_loop3A_368] {strides = array<i32>} : memref<8x2048xf32, #tpu.memory_space<vmem>>, vector<1x16xf32>,
        %parallel_loop3A_370 = vector.shape_cast %parallel_loop3A_369 : vector<1x16xf32> to vector<16xf32>
        %parallel_loop3A_371 = vector.shape_cast %parallel_loop3A_365 : vector<16xf32> to vector<1x16xf32>
        tpu.vector_store %arg8[%parallel_loop3A_367, %parallel_loop3A_368], %parallel_loop3A_371 {strides = array<i32>} : memref<8x2048xf32, #tpu.memory_space<vmem>>, vector<1x16xf32>,
        %parallel_loop3A_372 = arith.constant 3 : i32
        %parallel_loop3A_373 = arith.index_cast %parallel_loop3A_372 : i32 to index
        %parallel_loop3A_374 = arith.index_cast %parallel_loop3A_320 : i32 to index
        %parallel_loop3A_375 = tpu.vector_load %arg6[%parallel_loop3A_373, %parallel_loop3A_374] {strides = array<i32>} : memref<8x2048xf32, #tpu.memory_space<vmem>>, vector<1x16xf32>,
        %parallel_loop3A_376 = vector.shape_cast %parallel_loop3A_375 : vector<1x16xf32> to vector<16xf32>
        %parallel_loop3A_377 = arith.constant 3 : i32
        %parallel_loop3A_378 = arith.index_cast %parallel_loop3A_377 : i32 to index
        %parallel_loop3A_379 = arith.index_cast %parallel_loop3A_320 : i32 to index
        %parallel_loop3A_380 = tpu.vector_load %arg10[%parallel_loop3A_378, %parallel_loop3A_379] {strides = array<i32>} : memref<8x2048xf32, #tpu.memory_space<vmem>>, vector<1x16xf32>,
        %parallel_loop3A_381 = vector.shape_cast %parallel_loop3A_380 : vector<1x16xf32> to vector<16xf32>
        %parallel_loop3A_382 = arith.addf %parallel_loop3A_376, %parallel_loop3A_381 : vector<16xf32>
        %parallel_loop3A_383 = arith.constant 3 : i32
        %parallel_loop3A_384 = arith.index_cast %parallel_loop3A_383 : i32 to index
        %parallel_loop3A_385 = arith.index_cast %parallel_loop3A_320 : i32 to index
        %parallel_loop3A_386 = tpu.vector_load %arg8[%parallel_loop3A_384, %parallel_loop3A_385] {strides = array<i32>} : memref<8x2048xf32, #tpu.memory_space<vmem>>, vector<1x16xf32>,
        %parallel_loop3A_387 = vector.shape_cast %parallel_loop3A_386 : vector<1x16xf32> to vector<16xf32>
        %parallel_loop3A_388 = vector.shape_cast %parallel_loop3A_382 : vector<16xf32> to vector<1x16xf32>
        tpu.vector_store %arg8[%parallel_loop3A_384, %parallel_loop3A_385], %parallel_loop3A_388 {strides = array<i32>} : memref<8x2048xf32, #tpu.memory_space<vmem>>, vector<1x16xf32>,
        %parallel_loop3A_389 = arith.constant 4 : i32
        %parallel_loop3A_390 = arith.index_cast %parallel_loop3A_389 : i32 to index
        %parallel_loop3A_391 = arith.index_cast %parallel_loop3A_320 : i32 to index
        %parallel_loop3A_392 = tpu.vector_load %arg6[%parallel_loop3A_390, %parallel_loop3A_391] {strides = array<i32>} : memref<8x2048xf32, #tpu.memory_space<vmem>>, vector<1x16xf32>,
        %parallel_loop3A_393 = vector.shape_cast %parallel_loop3A_392 : vector<1x16xf32> to vector<16xf32>
        %parallel_loop3A_394 = arith.constant 4 : i32
        %parallel_loop3A_395 = arith.index_cast %parallel_loop3A_394 : i32 to index
        %parallel_loop3A_396 = arith.index_cast %parallel_loop3A_320 : i32 to index
        %parallel_loop3A_397 = tpu.vector_load %arg10[%parallel_loop3A_395, %parallel_loop3A_396] {strides = array<i32>} : memref<8x2048xf32, #tpu.memory_space<vmem>>, vector<1x16xf32>,
        %parallel_loop3A_398 = vector.shape_cast %parallel_loop3A_397 : vector<1x16xf32> to vector<16xf32>
        %parallel_loop3A_399 = arith.addf %parallel_loop3A_393, %parallel_loop3A_398 : vector<16xf32>
        %parallel_loop3A_400 = arith.constant 4 : i32
        %parallel_loop3A_401 = arith.index_cast %parallel_loop3A_400 : i32 to index
        %parallel_loop3A_402 = arith.index_cast %parallel_loop3A_320 : i32 to index
        %parallel_loop3A_403 = tpu.vector_load %arg8[%parallel_loop3A_401, %parallel_loop3A_402] {strides = array<i32>} : memref<8x2048xf32, #tpu.memory_space<vmem>>, vector<1x16xf32>,
        %parallel_loop3A_404 = vector.shape_cast %parallel_loop3A_403 : vector<1x16xf32> to vector<16xf32>
        %parallel_loop3A_405 = vector.shape_cast %parallel_loop3A_399 : vector<16xf32> to vector<1x16xf32>
        tpu.vector_store %arg8[%parallel_loop3A_401, %parallel_loop3A_402], %parallel_loop3A_405 {strides = array<i32>} : memref<8x2048xf32, #tpu.memory_space<vmem>>, vector<1x16xf32>,
        %parallel_loop3A_406 = arith.constant 5 : i32
        %parallel_loop3A_407 = arith.index_cast %parallel_loop3A_406 : i32 to index
        %parallel_loop3A_408 = arith.index_cast %parallel_loop3A_320 : i32 to index
        %parallel_loop3A_409 = tpu.vector_load %arg6[%parallel_loop3A_407, %parallel_loop3A_408] {strides = array<i32>} : memref<8x2048xf32, #tpu.memory_space<vmem>>, vector<1x16xf32>,
        %parallel_loop3A_410 = vector.shape_cast %parallel_loop3A_409 : vector<1x16xf32> to vector<16xf32>
        %parallel_loop3A_411 = arith.constant 5 : i32
        %parallel_loop3A_412 = arith.index_cast %parallel_loop3A_411 : i32 to index
        %parallel_loop3A_413 = arith.index_cast %parallel_loop3A_320 : i32 to index
        %parallel_loop3A_414 = tpu.vector_load %arg10[%parallel_loop3A_412, %parallel_loop3A_413] {strides = array<i32>} : memref<8x2048xf32, #tpu.memory_space<vmem>>, vector<1x16xf32>,
        %parallel_loop3A_415 = vector.shape_cast %parallel_loop3A_414 : vector<1x16xf32> to vector<16xf32>
        %parallel_loop3A_416 = arith.addf %parallel_loop3A_410, %parallel_loop3A_415 : vector<16xf32>
        %parallel_loop3A_417 = arith.constant 5 : i32
        %parallel_loop3A_418 = arith.index_cast %parallel_loop3A_417 : i32 to index
        %parallel_loop3A_419 = arith.index_cast %parallel_loop3A_320 : i32 to index
        %parallel_loop3A_420 = tpu.vector_load %arg8[%parallel_loop3A_418, %parallel_loop3A_419] {strides = array<i32>} : memref<8x2048xf32, #tpu.memory_space<vmem>>, vector<1x16xf32>,
        %parallel_loop3A_421 = vector.shape_cast %parallel_loop3A_420 : vector<1x16xf32> to vector<16xf32>
        %parallel_loop3A_422 = vector.shape_cast %parallel_loop3A_416 : vector<16xf32> to vector<1x16xf32>
        tpu.vector_store %arg8[%parallel_loop3A_418, %parallel_loop3A_419], %parallel_loop3A_422 {strides = array<i32>} : memref<8x2048xf32, #tpu.memory_space<vmem>>, vector<1x16xf32>,
        %parallel_loop3A_423 = arith.constant 6 : i32
        %parallel_loop3A_424 = arith.index_cast %parallel_loop3A_423 : i32 to index
        %parallel_loop3A_425 = arith.index_cast %parallel_loop3A_320 : i32 to index
        %parallel_loop3A_426 = tpu.vector_load %arg6[%parallel_loop3A_424, %parallel_loop3A_425] {strides = array<i32>} : memref<8x2048xf32, #tpu.memory_space<vmem>>, vector<1x16xf32>,
        %parallel_loop3A_427 = vector.shape_cast %parallel_loop3A_426 : vector<1x16xf32> to vector<16xf32>
        %parallel_loop3A_428 = arith.constant 6 : i32
        %parallel_loop3A_429 = arith.index_cast %parallel_loop3A_428 : i32 to index
        %parallel_loop3A_430 = arith.index_cast %parallel_loop3A_320 : i32 to index
        %parallel_loop3A_431 = tpu.vector_load %arg10[%parallel_loop3A_429, %parallel_loop3A_430] {strides = array<i32>} : memref<8x2048xf32, #tpu.memory_space<vmem>>, vector<1x16xf32>,
        %parallel_loop3A_432 = vector.shape_cast %parallel_loop3A_431 : vector<1x16xf32> to vector<16xf32>
        %parallel_loop3A_433 = arith.addf %parallel_loop3A_427, %parallel_loop3A_432 : vector<16xf32>
        %parallel_loop3A_434 = arith.constant 6 : i32
        %parallel_loop3A_435 = arith.index_cast %parallel_loop3A_434 : i32 to index
        %parallel_loop3A_436 = arith.index_cast %parallel_loop3A_320 : i32 to index
        %parallel_loop3A_437 = tpu.vector_load %arg8[%parallel_loop3A_435, %parallel_loop3A_436] {strides = array<i32>} : memref<8x2048xf32, #tpu.memory_space<vmem>>, vector<1x16xf32>,
        %parallel_loop3A_438 = vector.shape_cast %parallel_loop3A_437 : vector<1x16xf32> to vector<16xf32>
        %parallel_loop3A_439 = vector.shape_cast %parallel_loop3A_433 : vector<16xf32> to vector<1x16xf32>
        tpu.vector_store %arg8[%parallel_loop3A_435, %parallel_loop3A_436], %parallel_loop3A_439 {strides = array<i32>} : memref<8x2048xf32, #tpu.memory_space<vmem>>, vector<1x16xf32>,
        %parallel_loop3A_440 = arith.constant 7 : i32
        %parallel_loop3A_441 = arith.index_cast %parallel_loop3A_440 : i32 to index
        %parallel_loop3A_442 = arith.index_cast %parallel_loop3A_320 : i32 to index
        %parallel_loop3A_443 = tpu.vector_load %arg6[%parallel_loop3A_441, %parallel_loop3A_442] {strides = array<i32>} : memref<8x2048xf32, #tpu.memory_space<vmem>>, vector<1x16xf32>,
        %parallel_loop3A_444 = vector.shape_cast %parallel_loop3A_443 : vector<1x16xf32> to vector<16xf32>
        %parallel_loop3A_445 = arith.constant 7 : i32
        %parallel_loop3A_446 = arith.index_cast %parallel_loop3A_445 : i32 to index
        %parallel_loop3A_447 = arith.index_cast %parallel_loop3A_320 : i32 to index
        %parallel_loop3A_448 = tpu.vector_load %arg10[%parallel_loop3A_446, %parallel_loop3A_447] {strides = array<i32>} : memref<8x2048xf32, #tpu.memory_space<vmem>>, vector<1x16xf32>,
        %parallel_loop3A_449 = vector.shape_cast %parallel_loop3A_448 : vector<1x16xf32> to vector<16xf32>
        %parallel_loop3A_450 = arith.addf %parallel_loop3A_444, %parallel_loop3A_449 : vector<16xf32>
        %parallel_loop3A_451 = arith.constant 7 : i32
        %parallel_loop3A_452 = arith.index_cast %parallel_loop3A_451 : i32 to index
        %parallel_loop3A_453 = arith.index_cast %parallel_loop3A_320 : i32 to index
        %parallel_loop3A_454 = tpu.vector_load %arg8[%parallel_loop3A_452, %parallel_loop3A_453] {strides = array<i32>} : memref<8x2048xf32, #tpu.memory_space<vmem>>, vector<1x16xf32>,
        %parallel_loop3A_455 = vector.shape_cast %parallel_loop3A_454 : vector<1x16xf32> to vector<16xf32>
        %parallel_loop3A_456 = vector.shape_cast %parallel_loop3A_450 : vector<16xf32> to vector<1x16xf32>
        tpu.vector_store %arg8[%parallel_loop3A_452, %parallel_loop3A_453], %parallel_loop3A_456 {strides = array<i32>} : memref<8x2048xf32, #tpu.memory_space<vmem>>, vector<1x16xf32>,
      } {sc.loop_unroll_factor = 2 : i64, sc.parallel_access}
      %add3A_237 = arith.constant 12288 : i32
      %add3A_238 = arith.addi %add3A_237, %mul3A_2 : i32
      %mul3A_239 = arith.constant 8 : i32
      %mul3A_240 = arith.muli %add3A_184, %mul3A_239 : i32
      %add3A_241 = arith.addi %add3A_238, %mul3A_240 : i32
      %dma_start3A_242 = arith.constant 0 : i32
      %dma_start3A_243 = tpu.memref_slice %arg2[%add3A_241, %dma_start3A_242] : memref<16384x2048xf32, #tpu.memory_space<hbm>> -> memref<8x2048xf32, #tpu.memory_space<hbm>>
      %dma_start3A_244 = arith.constant 0 : i32
      %dma_start3A_245 = tpu.memref_slice %arg2[%add3A_241, %dma_start3A_244] : memref<16384x2048xf32, #tpu.memory_space<hbm>> -> memref<8x2048xf32, #tpu.memory_space<hbm>>
      tpu.enqueue_dma source(%dma_start3A_245 : memref<8x2048xf32, #tpu.memory_space<hbm>>) target(%arg6 : memref<8x2048xf32, #tpu.memory_space<vmem>>) target_semaphore(%arg12 : memref<!tpu.dma_semaphore, #tpu.memory_space<semaphore_mem>>)
      %add3A_246 = arith.constant 4096 : i32
      %add3A_247 = arith.addi %add3A_246, %mul3A_2 : i32
      %mul3A_248 = arith.constant 8 : i32
      %mul3A_249 = arith.muli %add3A_184, %mul3A_248 : i32
      %add3A_250 = arith.addi %add3A_247, %mul3A_249 : i32
      %dma_start3A_251 = arith.constant 0 : i32
      %dma_start3A_252 = tpu.memref_slice %arg4[%add3A_250, %dma_start3A_251] : memref<16384x2048xf32, #tpu.memory_space<hbm>> -> memref<8x2048xf32, #tpu.memory_space<hbm>>
      %dma_start3A_253 = arith.constant 0 : i32
      %dma_start3A_254 = tpu.memref_slice %arg4[%add3A_250, %dma_start3A_253] : memref<16384x2048xf32, #tpu.memory_space<hbm>> -> memref<8x2048xf32, #tpu.memory_space<hbm>>
      tpu.enqueue_dma source(%arg8 : memref<8x2048xf32, #tpu.memory_space<vmem>>) target(%dma_start3A_254 : memref<8x2048xf32, #tpu.memory_space<hbm>>) target_semaphore(%arg14 : memref<!tpu.dma_semaphore, #tpu.memory_space<semaphore_mem>>)
      %dma_wait3A_255 = arith.constant 0 : i32
      %dma_wait3A_256 = arith.constant 0 : i32
      %dma_wait3A_257 = tpu.memref_slice %arg2[%dma_wait3A_255, %dma_wait3A_256] : memref<16384x2048xf32, #tpu.memory_space<hbm>> -> memref<8x2048xf32, #tpu.memory_space<hbm>>
      %dma_wait3A_258 = arith.constant 0 : i32
      %dma_wait3A_259 = arith.constant 0 : i32
      %dma_wait3A_260 = tpu.memref_slice %arg2[%dma_wait3A_258, %dma_wait3A_259] : memref<16384x2048xf32, #tpu.memory_space<hbm>> -> memref<8x2048xf32, #tpu.memory_space<hbm>>
      tpu.wait_dma2 semaphore(%arg11 : memref<!tpu.dma_semaphore, #tpu.memory_space<semaphore_mem>>) src(%dma_wait3A_260 : memref<8x2048xf32, #tpu.memory_space<hbm>>) dst(%arg5 : memref<8x2048xf32, #tpu.memory_space<vmem>>)
      %dma_wait3A_261 = arith.constant 0 : i32
      %dma_wait3A_262 = arith.constant 0 : i32
      %dma_wait3A_263 = tpu.memref_slice %arg2[%dma_wait3A_261, %dma_wait3A_262] : memref<16384x2048xf32, #tpu.memory_space<hbm>> -> memref<8x2048xf32, #tpu.memory_space<hbm>>
      %dma_wait3A_264 = arith.constant 0 : i32
      %dma_wait3A_265 = arith.constant 0 : i32
      %dma_wait3A_266 = tpu.memref_slice %arg2[%dma_wait3A_264, %dma_wait3A_265] : memref<16384x2048xf32, #tpu.memory_space<hbm>> -> memref<8x2048xf32, #tpu.memory_space<hbm>>
      tpu.wait_dma2 semaphore(%arg13 : memref<!tpu.dma_semaphore, #tpu.memory_space<semaphore_mem>>) src(%dma_wait3A_266 : memref<8x2048xf32, #tpu.memory_space<hbm>>) dst(%arg7 : memref<8x2048xf32, #tpu.memory_space<vmem>>)
      %parallel_loop3A_267 = arith.constant 0 : i32
      %parallel_loop3A_268 = arith.constant 2048 : i32
      %parallel_loop3A_269 = arith.constant 16 : i32
      scf.for %parallel_loop3A_320 = %parallel_loop3A_267 to %parallel_loop3A_268 step %parallel_loop3A_269  : i32 {
        %parallel_loop3A_321 = arith.constant 0 : i32
        %parallel_loop3A_322 = arith.index_cast %parallel_loop3A_321 : i32 to index
        %parallel_loop3A_323 = arith.index_cast %parallel_loop3A_320 : i32 to index
        %parallel_loop3A_324 = tpu.vector_load %arg5[%parallel_loop3A_322, %parallel_loop3A_323] {strides = array<i32>} : memref<8x2048xf32, #tpu.memory_space<vmem>>, vector<1x16xf32>,
        %parallel_loop3A_325 = vector.shape_cast %parallel_loop3A_324 : vector<1x16xf32> to vector<16xf32>
        %parallel_loop3A_326 = arith.constant 0 : i32
        %parallel_loop3A_327 = arith.index_cast %parallel_loop3A_326 : i32 to index
        %parallel_loop3A_328 = arith.index_cast %parallel_loop3A_320 : i32 to index
        %parallel_loop3A_329 = tpu.vector_load %arg10[%parallel_loop3A_327, %parallel_loop3A_328] {strides = array<i32>} : memref<8x2048xf32, #tpu.memory_space<vmem>>, vector<1x16xf32>,
        %parallel_loop3A_330 = vector.shape_cast %parallel_loop3A_329 : vector<1x16xf32> to vector<16xf32>
        %parallel_loop3A_331 = arith.addf %parallel_loop3A_325, %parallel_loop3A_330 : vector<16xf32>
        %parallel_loop3A_332 = arith.constant 0 : i32
        %parallel_loop3A_333 = arith.index_cast %parallel_loop3A_332 : i32 to index
        %parallel_loop3A_334 = arith.index_cast %parallel_loop3A_320 : i32 to index
        %parallel_loop3A_335 = tpu.vector_load %arg7[%parallel_loop3A_333, %parallel_loop3A_334] {strides = array<i32>} : memref<8x2048xf32, #tpu.memory_space<vmem>>, vector<1x16xf32>,
        %parallel_loop3A_336 = vector.shape_cast %parallel_loop3A_335 : vector<1x16xf32> to vector<16xf32>
        %parallel_loop3A_337 = vector.shape_cast %parallel_loop3A_331 : vector<16xf32> to vector<1x16xf32>
        tpu.vector_store %arg7[%parallel_loop3A_333, %parallel_loop3A_334], %parallel_loop3A_337 {strides = array<i32>} : memref<8x2048xf32, #tpu.memory_space<vmem>>, vector<1x16xf32>,
        %parallel_loop3A_338 = arith.constant 1 : i32
        %parallel_loop3A_339 = arith.index_cast %parallel_loop3A_338 : i32 to index
        %parallel_loop3A_340 = arith.index_cast %parallel_loop3A_320 : i32 to index
        %parallel_loop3A_341 = tpu.vector_load %arg5[%parallel_loop3A_339, %parallel_loop3A_340] {strides = array<i32>} : memref<8x2048xf32, #tpu.memory_space<vmem>>, vector<1x16xf32>,
        %parallel_loop3A_342 = vector.shape_cast %parallel_loop3A_341 : vector<1x16xf32> to vector<16xf32>
        %parallel_loop3A_343 = arith.constant 1 : i32
        %parallel_loop3A_344 = arith.index_cast %parallel_loop3A_343 : i32 to index
        %parallel_loop3A_345 = arith.index_cast %parallel_loop3A_320 : i32 to index
        %parallel_loop3A_346 = tpu.vector_load %arg10[%parallel_loop3A_344, %parallel_loop3A_345] {strides = array<i32>} : memref<8x2048xf32, #tpu.memory_space<vmem>>, vector<1x16xf32>,
        %parallel_loop3A_347 = vector.shape_cast %parallel_loop3A_346 : vector<1x16xf32> to vector<16xf32>
        %parallel_loop3A_348 = arith.addf %parallel_loop3A_342, %parallel_loop3A_347 : vector<16xf32>
        %parallel_loop3A_349 = arith.constant 1 : i32
        %parallel_loop3A_350 = arith.index_cast %parallel_loop3A_349 : i32 to index
        %parallel_loop3A_351 = arith.index_cast %parallel_loop3A_320 : i32 to index
        %parallel_loop3A_352 = tpu.vector_load %arg7[%parallel_loop3A_350, %parallel_loop3A_351] {strides = array<i32>} : memref<8x2048xf32, #tpu.memory_space<vmem>>, vector<1x16xf32>,
        %parallel_loop3A_353 = vector.shape_cast %parallel_loop3A_352 : vector<1x16xf32> to vector<16xf32>
        %parallel_loop3A_354 = vector.shape_cast %parallel_loop3A_348 : vector<16xf32> to vector<1x16xf32>
        tpu.vector_store %arg7[%parallel_loop3A_350, %parallel_loop3A_351], %parallel_loop3A_354 {strides = array<i32>} : memref<8x2048xf32, #tpu.memory_space<vmem>>, vector<1x16xf32>,
        %parallel_loop3A_355 = arith.constant 2 : i32
        %parallel_loop3A_356 = arith.index_cast %parallel_loop3A_355 : i32 to index
        %parallel_loop3A_357 = arith.index_cast %parallel_loop3A_320 : i32 to index
        %parallel_loop3A_358 = tpu.vector_load %arg5[%parallel_loop3A_356, %parallel_loop3A_357] {strides = array<i32>} : memref<8x2048xf32, #tpu.memory_space<vmem>>, vector<1x16xf32>,
        %parallel_loop3A_359 = vector.shape_cast %parallel_loop3A_358 : vector<1x16xf32> to vector<16xf32>
        %parallel_loop3A_360 = arith.constant 2 : i32
        %parallel_loop3A_361 = arith.index_cast %parallel_loop3A_360 : i32 to index
        %parallel_loop3A_362 = arith.index_cast %parallel_loop3A_320 : i32 to index
        %parallel_loop3A_363 = tpu.vector_load %arg10[%parallel_loop3A_361, %parallel_loop3A_362] {strides = array<i32>} : memref<8x2048xf32, #tpu.memory_space<vmem>>, vector<1x16xf32>,
        %parallel_loop3A_364 = vector.shape_cast %parallel_loop3A_363 : vector<1x16xf32> to vector<16xf32>
        %parallel_loop3A_365 = arith.addf %parallel_loop3A_359, %parallel_loop3A_364 : vector<16xf32>
        %parallel_loop3A_366 = arith.constant 2 : i32
        %parallel_loop3A_367 = arith.index_cast %parallel_loop3A_366 : i32 to index
        %parallel_loop3A_368 = arith.index_cast %parallel_loop3A_320 : i32 to index
        %parallel_loop3A_369 = tpu.vector_load %arg7[%parallel_loop3A_367, %parallel_loop3A_368] {strides = array<i32>} : memref<8x2048xf32, #tpu.memory_space<vmem>>, vector<1x16xf32>,
        %parallel_loop3A_370 = vector.shape_cast %parallel_loop3A_369 : vector<1x16xf32> to vector<16xf32>
        %parallel_loop3A_371 = vector.shape_cast %parallel_loop3A_365 : vector<16xf32> to vector<1x16xf32>
        tpu.vector_store %arg7[%parallel_loop3A_367, %parallel_loop3A_368], %parallel_loop3A_371 {strides = array<i32>} : memref<8x2048xf32, #tpu.memory_space<vmem>>, vector<1x16xf32>,
        %parallel_loop3A_372 = arith.constant 3 : i32
        %parallel_loop3A_373 = arith.index_cast %parallel_loop3A_372 : i32 to index
        %parallel_loop3A_374 = arith.index_cast %parallel_loop3A_320 : i32 to index
        %parallel_loop3A_375 = tpu.vector_load %arg5[%parallel_loop3A_373, %parallel_loop3A_374] {strides = array<i32>} : memref<8x2048xf32, #tpu.memory_space<vmem>>, vector<1x16xf32>,
        %parallel_loop3A_376 = vector.shape_cast %parallel_loop3A_375 : vector<1x16xf32> to vector<16xf32>
        %parallel_loop3A_377 = arith.constant 3 : i32
        %parallel_loop3A_378 = arith.index_cast %parallel_loop3A_377 : i32 to index
        %parallel_loop3A_379 = arith.index_cast %parallel_loop3A_320 : i32 to index
        %parallel_loop3A_380 = tpu.vector_load %arg10[%parallel_loop3A_378, %parallel_loop3A_379] {strides = array<i32>} : memref<8x2048xf32, #tpu.memory_space<vmem>>, vector<1x16xf32>,
        %parallel_loop3A_381 = vector.shape_cast %parallel_loop3A_380 : vector<1x16xf32> to vector<16xf32>
        %parallel_loop3A_382 = arith.addf %parallel_loop3A_376, %parallel_loop3A_381 : vector<16xf32>
        %parallel_loop3A_383 = arith.constant 3 : i32
        %parallel_loop3A_384 = arith.index_cast %parallel_loop3A_383 : i32 to index
        %parallel_loop3A_385 = arith.index_cast %parallel_loop3A_320 : i32 to index
        %parallel_loop3A_386 = tpu.vector_load %arg7[%parallel_loop3A_384, %parallel_loop3A_385] {strides = array<i32>} : memref<8x2048xf32, #tpu.memory_space<vmem>>, vector<1x16xf32>,
        %parallel_loop3A_387 = vector.shape_cast %parallel_loop3A_386 : vector<1x16xf32> to vector<16xf32>
        %parallel_loop3A_388 = vector.shape_cast %parallel_loop3A_382 : vector<16xf32> to vector<1x16xf32>
        tpu.vector_store %arg7[%parallel_loop3A_384, %parallel_loop3A_385], %parallel_loop3A_388 {strides = array<i32>} : memref<8x2048xf32, #tpu.memory_space<vmem>>, vector<1x16xf32>,
        %parallel_loop3A_389 = arith.constant 4 : i32
        %parallel_loop3A_390 = arith.index_cast %parallel_loop3A_389 : i32 to index
        %parallel_loop3A_391 = arith.index_cast %parallel_loop3A_320 : i32 to index
        %parallel_loop3A_392 = tpu.vector_load %arg5[%parallel_loop3A_390, %parallel_loop3A_391] {strides = array<i32>} : memref<8x2048xf32, #tpu.memory_space<vmem>>, vector<1x16xf32>,
        %parallel_loop3A_393 = vector.shape_cast %parallel_loop3A_392 : vector<1x16xf32> to vector<16xf32>
        %parallel_loop3A_394 = arith.constant 4 : i32
        %parallel_loop3A_395 = arith.index_cast %parallel_loop3A_394 : i32 to index
        %parallel_loop3A_396 = arith.index_cast %parallel_loop3A_320 : i32 to index
        %parallel_loop3A_397 = tpu.vector_load %arg10[%parallel_loop3A_395, %parallel_loop3A_396] {strides = array<i32>} : memref<8x2048xf32, #tpu.memory_space<vmem>>, vector<1x16xf32>,
        %parallel_loop3A_398 = vector.shape_cast %parallel_loop3A_397 : vector<1x16xf32> to vector<16xf32>
        %parallel_loop3A_399 = arith.addf %parallel_loop3A_393, %parallel_loop3A_398 : vector<16xf32>
        %parallel_loop3A_400 = arith.constant 4 : i32
        %parallel_loop3A_401 = arith.index_cast %parallel_loop3A_400 : i32 to index
        %parallel_loop3A_402 = arith.index_cast %parallel_loop3A_320 : i32 to index
        %parallel_loop3A_403 = tpu.vector_load %arg7[%parallel_loop3A_401, %parallel_loop3A_402] {strides = array<i32>} : memref<8x2048xf32, #tpu.memory_space<vmem>>, vector<1x16xf32>,
        %parallel_loop3A_404 = vector.shape_cast %parallel_loop3A_403 : vector<1x16xf32> to vector<16xf32>
        %parallel_loop3A_405 = vector.shape_cast %parallel_loop3A_399 : vector<16xf32> to vector<1x16xf32>
        tpu.vector_store %arg7[%parallel_loop3A_401, %parallel_loop3A_402], %parallel_loop3A_405 {strides = array<i32>} : memref<8x2048xf32, #tpu.memory_space<vmem>>, vector<1x16xf32>,
        %parallel_loop3A_406 = arith.constant 5 : i32
        %parallel_loop3A_407 = arith.index_cast %parallel_loop3A_406 : i32 to index
        %parallel_loop3A_408 = arith.index_cast %parallel_loop3A_320 : i32 to index
        %parallel_loop3A_409 = tpu.vector_load %arg5[%parallel_loop3A_407, %parallel_loop3A_408] {strides = array<i32>} : memref<8x2048xf32, #tpu.memory_space<vmem>>, vector<1x16xf32>,
        %parallel_loop3A_410 = vector.shape_cast %parallel_loop3A_409 : vector<1x16xf32> to vector<16xf32>
        %parallel_loop3A_411 = arith.constant 5 : i32
        %parallel_loop3A_412 = arith.index_cast %parallel_loop3A_411 : i32 to index
        %parallel_loop3A_413 = arith.index_cast %parallel_loop3A_320 : i32 to index
        %parallel_loop3A_414 = tpu.vector_load %arg10[%parallel_loop3A_412, %parallel_loop3A_413] {strides = array<i32>} : memref<8x2048xf32, #tpu.memory_space<vmem>>, vector<1x16xf32>,
        %parallel_loop3A_415 = vector.shape_cast %parallel_loop3A_414 : vector<1x16xf32> to vector<16xf32>
        %parallel_loop3A_416 = arith.addf %parallel_loop3A_410, %parallel_loop3A_415 : vector<16xf32>
        %parallel_loop3A_417 = arith.constant 5 : i32
        %parallel_loop3A_418 = arith.index_cast %parallel_loop3A_417 : i32 to index
        %parallel_loop3A_419 = arith.index_cast %parallel_loop3A_320 : i32 to index
        %parallel_loop3A_420 = tpu.vector_load %arg7[%parallel_loop3A_418, %parallel_loop3A_419] {strides = array<i32>} : memref<8x2048xf32, #tpu.memory_space<vmem>>, vector<1x16xf32>,
        %parallel_loop3A_421 = vector.shape_cast %parallel_loop3A_420 : vector<1x16xf32> to vector<16xf32>
        %parallel_loop3A_422 = vector.shape_cast %parallel_loop3A_416 : vector<16xf32> to vector<1x16xf32>
        tpu.vector_store %arg7[%parallel_loop3A_418, %parallel_loop3A_419], %parallel_loop3A_422 {strides = array<i32>} : memref<8x2048xf32, #tpu.memory_space<vmem>>, vector<1x16xf32>,
        %parallel_loop3A_423 = arith.constant 6 : i32
        %parallel_loop3A_424 = arith.index_cast %parallel_loop3A_423 : i32 to index
        %parallel_loop3A_425 = arith.index_cast %parallel_loop3A_320 : i32 to index
        %parallel_loop3A_426 = tpu.vector_load %arg5[%parallel_loop3A_424, %parallel_loop3A_425] {strides = array<i32>} : memref<8x2048xf32, #tpu.memory_space<vmem>>, vector<1x16xf32>,
        %parallel_loop3A_427 = vector.shape_cast %parallel_loop3A_426 : vector<1x16xf32> to vector<16xf32>
        %parallel_loop3A_428 = arith.constant 6 : i32
        %parallel_loop3A_429 = arith.index_cast %parallel_loop3A_428 : i32 to index
        %parallel_loop3A_430 = arith.index_cast %parallel_loop3A_320 : i32 to index
        %parallel_loop3A_431 = tpu.vector_load %arg10[%parallel_loop3A_429, %parallel_loop3A_430] {strides = array<i32>} : memref<8x2048xf32, #tpu.memory_space<vmem>>, vector<1x16xf32>,
        %parallel_loop3A_432 = vector.shape_cast %parallel_loop3A_431 : vector<1x16xf32> to vector<16xf32>
        %parallel_loop3A_433 = arith.addf %parallel_loop3A_427, %parallel_loop3A_432 : vector<16xf32>
        %parallel_loop3A_434 = arith.constant 6 : i32
        %parallel_loop3A_435 = arith.index_cast %parallel_loop3A_434 : i32 to index
        %parallel_loop3A_436 = arith.index_cast %parallel_loop3A_320 : i32 to index
        %parallel_loop3A_437 = tpu.vector_load %arg7[%parallel_loop3A_435, %parallel_loop3A_436] {strides = array<i32>} : memref<8x2048xf32, #tpu.memory_space<vmem>>, vector<1x16xf32>,
        %parallel_loop3A_438 = vector.shape_cast %parallel_loop3A_437 : vector<1x16xf32> to vector<16xf32>
        %parallel_loop3A_439 = vector.shape_cast %parallel_loop3A_433 : vector<16xf32> to vector<1x16xf32>
        tpu.vector_store %arg7[%parallel_loop3A_435, %parallel_loop3A_436], %parallel_loop3A_439 {strides = array<i32>} : memref<8x2048xf32, #tpu.memory_space<vmem>>, vector<1x16xf32>,
        %parallel_loop3A_440 = arith.constant 7 : i32
        %parallel_loop3A_441 = arith.index_cast %parallel_loop3A_440 : i32 to index
        %parallel_loop3A_442 = arith.index_cast %parallel_loop3A_320 : i32 to index
        %parallel_loop3A_443 = tpu.vector_load %arg5[%parallel_loop3A_441, %parallel_loop3A_442] {strides = array<i32>} : memref<8x2048xf32, #tpu.memory_space<vmem>>, vector<1x16xf32>,
        %parallel_loop3A_444 = vector.shape_cast %parallel_loop3A_443 : vector<1x16xf32> to vector<16xf32>
        %parallel_loop3A_445 = arith.constant 7 : i32
        %parallel_loop3A_446 = arith.index_cast %parallel_loop3A_445 : i32 to index
        %parallel_loop3A_447 = arith.index_cast %parallel_loop3A_320 : i32 to index
        %parallel_loop3A_448 = tpu.vector_load %arg10[%parallel_loop3A_446, %parallel_loop3A_447] {strides = array<i32>} : memref<8x2048xf32, #tpu.memory_space<vmem>>, vector<1x16xf32>,
        %parallel_loop3A_449 = vector.shape_cast %parallel_loop3A_448 : vector<1x16xf32> to vector<16xf32>
        %parallel_loop3A_450 = arith.addf %parallel_loop3A_444, %parallel_loop3A_449 : vector<16xf32>
        %parallel_loop3A_451 = arith.constant 7 : i32
        %parallel_loop3A_452 = arith.index_cast %parallel_loop3A_451 : i32 to index
        %parallel_loop3A_453 = arith.index_cast %parallel_loop3A_320 : i32 to index
        %parallel_loop3A_454 = tpu.vector_load %arg7[%parallel_loop3A_452, %parallel_loop3A_453] {strides = array<i32>} : memref<8x2048xf32, #tpu.memory_space<vmem>>, vector<1x16xf32>,
        %parallel_loop3A_455 = vector.shape_cast %parallel_loop3A_454 : vector<1x16xf32> to vector<16xf32>
        %parallel_loop3A_456 = vector.shape_cast %parallel_loop3A_450 : vector<16xf32> to vector<1x16xf32>
        tpu.vector_store %arg7[%parallel_loop3A_452, %parallel_loop3A_453], %parallel_loop3A_456 {strides = array<i32>} : memref<8x2048xf32, #tpu.memory_space<vmem>>, vector<1x16xf32>,
      } {sc.loop_unroll_factor = 2 : i64, sc.parallel_access}
      %lt3A_270 = arith.constant 15 : i32
      %lt3A_271 = arith.cmpi slt, %add3A_184, %lt3A_270 : i32
      %convert_element_type3A_272 = arith.extui %lt3A_271 : i1 to i32
      %cond3A_273 = arith.constant 0 : i32
      %cond3A_274 = arith.cmpi ne, %convert_element_type3A_272, %cond3A_273 : i32
      scf.if %cond3A_274 {
        %add3A_320 = arith.constant 1 : i32
        %add3A_321 = arith.addi %add3A_184, %add3A_320 : i32
        %add3A_322 = arith.constant 0 : i32
        %add3A_323 = arith.addi %add3A_322, %mul3A_2 : i32
        %mul3A_324 = arith.constant 8 : i32
        %mul3A_325 = arith.muli %add3A_321, %mul3A_324 : i32
        %add3A_326 = arith.addi %add3A_323, %mul3A_325 : i32
        %dma_start3A_327 = arith.constant 0 : i32
        %dma_start3A_328 = tpu.memref_slice %arg2[%add3A_326, %dma_start3A_327] : memref<16384x2048xf32, #tpu.memory_space<hbm>> -> memref<8x2048xf32, #tpu.memory_space<hbm>>
        %dma_start3A_329 = arith.constant 0 : i32
        %dma_start3A_330 = tpu.memref_slice %arg2[%add3A_326, %dma_start3A_329] : memref<16384x2048xf32, #tpu.memory_space<hbm>> -> memref<8x2048xf32, #tpu.memory_space<hbm>>
        tpu.enqueue_dma source(%dma_start3A_330 : memref<8x2048xf32, #tpu.memory_space<hbm>>) target(%arg5 : memref<8x2048xf32, #tpu.memory_space<vmem>>) target_semaphore(%arg11 : memref<!tpu.dma_semaphore, #tpu.memory_space<semaphore_mem>>)
      } else {
      }
      %add3A_275 = arith.constant 8192 : i32
      %add3A_276 = arith.addi %add3A_275, %mul3A_2 : i32
      %mul3A_277 = arith.constant 8 : i32
      %mul3A_278 = arith.muli %add3A_184, %mul3A_277 : i32
      %add3A_279 = arith.addi %add3A_276, %mul3A_278 : i32
      %dma_start3A_280 = arith.constant 0 : i32
      %dma_start3A_281 = tpu.memref_slice %arg4[%add3A_279, %dma_start3A_280] : memref<16384x2048xf32, #tpu.memory_space<hbm>> -> memref<8x2048xf32, #tpu.memory_space<hbm>>
      %dma_start3A_282 = arith.constant 0 : i32
      %dma_start3A_283 = tpu.memref_slice %arg4[%add3A_279, %dma_start3A_282] : memref<16384x2048xf32, #tpu.memory_space<hbm>> -> memref<8x2048xf32, #tpu.memory_space<hbm>>
      tpu.enqueue_dma source(%arg7 : memref<8x2048xf32, #tpu.memory_space<vmem>>) target(%dma_start3A_283 : memref<8x2048xf32, #tpu.memory_space<hbm>>) target_semaphore(%arg13 : memref<!tpu.dma_semaphore, #tpu.memory_space<semaphore_mem>>)
      %dma_wait3A_284 = arith.constant 0 : i32
      %dma_wait3A_285 = arith.constant 0 : i32
      %dma_wait3A_286 = tpu.memref_slice %arg2[%dma_wait3A_284, %dma_wait3A_285] : memref<16384x2048xf32, #tpu.memory_space<hbm>> -> memref<8x2048xf32, #tpu.memory_space<hbm>>
      %dma_wait3A_287 = arith.constant 0 : i32
      %dma_wait3A_288 = arith.constant 0 : i32
      %dma_wait3A_289 = tpu.memref_slice %arg2[%dma_wait3A_287, %dma_wait3A_288] : memref<16384x2048xf32, #tpu.memory_space<hbm>> -> memref<8x2048xf32, #tpu.memory_space<hbm>>
      tpu.wait_dma2 semaphore(%arg12 : memref<!tpu.dma_semaphore, #tpu.memory_space<semaphore_mem>>) src(%dma_wait3A_289 : memref<8x2048xf32, #tpu.memory_space<hbm>>) dst(%arg6 : memref<8x2048xf32, #tpu.memory_space<vmem>>)
      %dma_wait3A_290 = arith.constant 0 : i32
      %dma_wait3A_291 = arith.constant 0 : i32
      %dma_wait3A_292 = tpu.memref_slice %arg2[%dma_wait3A_290, %dma_wait3A_291] : memref<16384x2048xf32, #tpu.memory_space<hbm>> -> memref<8x2048xf32, #tpu.memory_space<hbm>>
      %dma_wait3A_293 = arith.constant 0 : i32
      %dma_wait3A_294 = arith.constant 0 : i32
      %dma_wait3A_295 = tpu.memref_slice %arg2[%dma_wait3A_293, %dma_wait3A_294] : memref<16384x2048xf32, #tpu.memory_space<hbm>> -> memref<8x2048xf32, #tpu.memory_space<hbm>>
      tpu.wait_dma2 semaphore(%arg14 : memref<!tpu.dma_semaphore, #tpu.memory_space<semaphore_mem>>) src(%dma_wait3A_295 : memref<8x2048xf32, #tpu.memory_space<hbm>>) dst(%arg8 : memref<8x2048xf32, #tpu.memory_space<vmem>>)
      %parallel_loop3A_296 = arith.constant 0 : i32
      %parallel_loop3A_297 = arith.constant 2048 : i32
      %parallel_loop3A_298 = arith.constant 16 : i32
      scf.for %parallel_loop3A_320 = %parallel_loop3A_296 to %parallel_loop3A_297 step %parallel_loop3A_298  : i32 {
        %parallel_loop3A_321 = arith.constant 0 : i32
        %parallel_loop3A_322 = arith.index_cast %parallel_loop3A_321 : i32 to index
        %parallel_loop3A_323 = arith.index_cast %parallel_loop3A_320 : i32 to index
        %parallel_loop3A_324 = tpu.vector_load %arg6[%parallel_loop3A_322, %parallel_loop3A_323] {strides = array<i32>} : memref<8x2048xf32, #tpu.memory_space<vmem>>, vector<1x16xf32>,
        %parallel_loop3A_325 = vector.shape_cast %parallel_loop3A_324 : vector<1x16xf32> to vector<16xf32>
        %parallel_loop3A_326 = arith.constant 0 : i32
        %parallel_loop3A_327 = arith.index_cast %parallel_loop3A_326 : i32 to index
        %parallel_loop3A_328 = arith.index_cast %parallel_loop3A_320 : i32 to index
        %parallel_loop3A_329 = tpu.vector_load %arg10[%parallel_loop3A_327, %parallel_loop3A_328] {strides = array<i32>} : memref<8x2048xf32, #tpu.memory_space<vmem>>, vector<1x16xf32>,
        %parallel_loop3A_330 = vector.shape_cast %parallel_loop3A_329 : vector<1x16xf32> to vector<16xf32>
        %parallel_loop3A_331 = arith.addf %parallel_loop3A_325, %parallel_loop3A_330 : vector<16xf32>
        %parallel_loop3A_332 = arith.constant 0 : i32
        %parallel_loop3A_333 = arith.index_cast %parallel_loop3A_332 : i32 to index
        %parallel_loop3A_334 = arith.index_cast %parallel_loop3A_320 : i32 to index
        %parallel_loop3A_335 = tpu.vector_load %arg8[%parallel_loop3A_333, %parallel_loop3A_334] {strides = array<i32>} : memref<8x2048xf32, #tpu.memory_space<vmem>>, vector<1x16xf32>,
        %parallel_loop3A_336 = vector.shape_cast %parallel_loop3A_335 : vector<1x16xf32> to vector<16xf32>
        %parallel_loop3A_337 = vector.shape_cast %parallel_loop3A_331 : vector<16xf32> to vector<1x16xf32>
        tpu.vector_store %arg8[%parallel_loop3A_333, %parallel_loop3A_334], %parallel_loop3A_337 {strides = array<i32>} : memref<8x2048xf32, #tpu.memory_space<vmem>>, vector<1x16xf32>,
        %parallel_loop3A_338 = arith.constant 1 : i32
        %parallel_loop3A_339 = arith.index_cast %parallel_loop3A_338 : i32 to index
        %parallel_loop3A_340 = arith.index_cast %parallel_loop3A_320 : i32 to index
        %parallel_loop3A_341 = tpu.vector_load %arg6[%parallel_loop3A_339, %parallel_loop3A_340] {strides = array<i32>} : memref<8x2048xf32, #tpu.memory_space<vmem>>, vector<1x16xf32>,
        %parallel_loop3A_342 = vector.shape_cast %parallel_loop3A_341 : vector<1x16xf32> to vector<16xf32>
        %parallel_loop3A_343 = arith.constant 1 : i32
        %parallel_loop3A_344 = arith.index_cast %parallel_loop3A_343 : i32 to index
        %parallel_loop3A_345 = arith.index_cast %parallel_loop3A_320 : i32 to index
        %parallel_loop3A_346 = tpu.vector_load %arg10[%parallel_loop3A_344, %parallel_loop3A_345] {strides = array<i32>} : memref<8x2048xf32, #tpu.memory_space<vmem>>, vector<1x16xf32>,
        %parallel_loop3A_347 = vector.shape_cast %parallel_loop3A_346 : vector<1x16xf32> to vector<16xf32>
        %parallel_loop3A_348 = arith.addf %parallel_loop3A_342, %parallel_loop3A_347 : vector<16xf32>
        %parallel_loop3A_349 = arith.constant 1 : i32
        %parallel_loop3A_350 = arith.index_cast %parallel_loop3A_349 : i32 to index
        %parallel_loop3A_351 = arith.index_cast %parallel_loop3A_320 : i32 to index
        %parallel_loop3A_352 = tpu.vector_load %arg8[%parallel_loop3A_350, %parallel_loop3A_351] {strides = array<i32>} : memref<8x2048xf32, #tpu.memory_space<vmem>>, vector<1x16xf32>,
        %parallel_loop3A_353 = vector.shape_cast %parallel_loop3A_352 : vector<1x16xf32> to vector<16xf32>
        %parallel_loop3A_354 = vector.shape_cast %parallel_loop3A_348 : vector<16xf32> to vector<1x16xf32>
        tpu.vector_store %arg8[%parallel_loop3A_350, %parallel_loop3A_351], %parallel_loop3A_354 {strides = array<i32>} : memref<8x2048xf32, #tpu.memory_space<vmem>>, vector<1x16xf32>,
        %parallel_loop3A_355 = arith.constant 2 : i32
        %parallel_loop3A_356 = arith.index_cast %parallel_loop3A_355 : i32 to index
        %parallel_loop3A_357 = arith.index_cast %parallel_loop3A_320 : i32 to index
        %parallel_loop3A_358 = tpu.vector_load %arg6[%parallel_loop3A_356, %parallel_loop3A_357] {strides = array<i32>} : memref<8x2048xf32, #tpu.memory_space<vmem>>, vector<1x16xf32>,
        %parallel_loop3A_359 = vector.shape_cast %parallel_loop3A_358 : vector<1x16xf32> to vector<16xf32>
        %parallel_loop3A_360 = arith.constant 2 : i32
        %parallel_loop3A_361 = arith.index_cast %parallel_loop3A_360 : i32 to index
        %parallel_loop3A_362 = arith.index_cast %parallel_loop3A_320 : i32 to index
        %parallel_loop3A_363 = tpu.vector_load %arg10[%parallel_loop3A_361, %parallel_loop3A_362] {strides = array<i32>} : memref<8x2048xf32, #tpu.memory_space<vmem>>, vector<1x16xf32>,
        %parallel_loop3A_364 = vector.shape_cast %parallel_loop3A_363 : vector<1x16xf32> to vector<16xf32>
        %parallel_loop3A_365 = arith.addf %parallel_loop3A_359, %parallel_loop3A_364 : vector<16xf32>
        %parallel_loop3A_366 = arith.constant 2 : i32
        %parallel_loop3A_367 = arith.index_cast %parallel_loop3A_366 : i32 to index
        %parallel_loop3A_368 = arith.index_cast %parallel_loop3A_320 : i32 to index
        %parallel_loop3A_369 = tpu.vector_load %arg8[%parallel_loop3A_367, %parallel_loop3A_368] {strides = array<i32>} : memref<8x2048xf32, #tpu.memory_space<vmem>>, vector<1x16xf32>,
        %parallel_loop3A_370 = vector.shape_cast %parallel_loop3A_369 : vector<1x16xf32> to vector<16xf32>
        %parallel_loop3A_371 = vector.shape_cast %parallel_loop3A_365 : vector<16xf32> to vector<1x16xf32>
        tpu.vector_store %arg8[%parallel_loop3A_367, %parallel_loop3A_368], %parallel_loop3A_371 {strides = array<i32>} : memref<8x2048xf32, #tpu.memory_space<vmem>>, vector<1x16xf32>,
        %parallel_loop3A_372 = arith.constant 3 : i32
        %parallel_loop3A_373 = arith.index_cast %parallel_loop3A_372 : i32 to index
        %parallel_loop3A_374 = arith.index_cast %parallel_loop3A_320 : i32 to index
        %parallel_loop3A_375 = tpu.vector_load %arg6[%parallel_loop3A_373, %parallel_loop3A_374] {strides = array<i32>} : memref<8x2048xf32, #tpu.memory_space<vmem>>, vector<1x16xf32>,
        %parallel_loop3A_376 = vector.shape_cast %parallel_loop3A_375 : vector<1x16xf32> to vector<16xf32>
        %parallel_loop3A_377 = arith.constant 3 : i32
        %parallel_loop3A_378 = arith.index_cast %parallel_loop3A_377 : i32 to index
        %parallel_loop3A_379 = arith.index_cast %parallel_loop3A_320 : i32 to index
        %parallel_loop3A_380 = tpu.vector_load %arg10[%parallel_loop3A_378, %parallel_loop3A_379] {strides = array<i32>} : memref<8x2048xf32, #tpu.memory_space<vmem>>, vector<1x16xf32>,
        %parallel_loop3A_381 = vector.shape_cast %parallel_loop3A_380 : vector<1x16xf32> to vector<16xf32>
        %parallel_loop3A_382 = arith.addf %parallel_loop3A_376, %parallel_loop3A_381 : vector<16xf32>
        %parallel_loop3A_383 = arith.constant 3 : i32
        %parallel_loop3A_384 = arith.index_cast %parallel_loop3A_383 : i32 to index
        %parallel_loop3A_385 = arith.index_cast %parallel_loop3A_320 : i32 to index
        %parallel_loop3A_386 = tpu.vector_load %arg8[%parallel_loop3A_384, %parallel_loop3A_385] {strides = array<i32>} : memref<8x2048xf32, #tpu.memory_space<vmem>>, vector<1x16xf32>,
        %parallel_loop3A_387 = vector.shape_cast %parallel_loop3A_386 : vector<1x16xf32> to vector<16xf32>
        %parallel_loop3A_388 = vector.shape_cast %parallel_loop3A_382 : vector<16xf32> to vector<1x16xf32>
        tpu.vector_store %arg8[%parallel_loop3A_384, %parallel_loop3A_385], %parallel_loop3A_388 {strides = array<i32>} : memref<8x2048xf32, #tpu.memory_space<vmem>>, vector<1x16xf32>,
        %parallel_loop3A_389 = arith.constant 4 : i32
        %parallel_loop3A_390 = arith.index_cast %parallel_loop3A_389 : i32 to index
        %parallel_loop3A_391 = arith.index_cast %parallel_loop3A_320 : i32 to index
        %parallel_loop3A_392 = tpu.vector_load %arg6[%parallel_loop3A_390, %parallel_loop3A_391] {strides = array<i32>} : memref<8x2048xf32, #tpu.memory_space<vmem>>, vector<1x16xf32>,
        %parallel_loop3A_393 = vector.shape_cast %parallel_loop3A_392 : vector<1x16xf32> to vector<16xf32>
        %parallel_loop3A_394 = arith.constant 4 : i32
        %parallel_loop3A_395 = arith.index_cast %parallel_loop3A_394 : i32 to index
        %parallel_loop3A_396 = arith.index_cast %parallel_loop3A_320 : i32 to index
        %parallel_loop3A_397 = tpu.vector_load %arg10[%parallel_loop3A_395, %parallel_loop3A_396] {strides = array<i32>} : memref<8x2048xf32, #tpu.memory_space<vmem>>, vector<1x16xf32>,
        %parallel_loop3A_398 = vector.shape_cast %parallel_loop3A_397 : vector<1x16xf32> to vector<16xf32>
        %parallel_loop3A_399 = arith.addf %parallel_loop3A_393, %parallel_loop3A_398 : vector<16xf32>
        %parallel_loop3A_400 = arith.constant 4 : i32
        %parallel_loop3A_401 = arith.index_cast %parallel_loop3A_400 : i32 to index
        %parallel_loop3A_402 = arith.index_cast %parallel_loop3A_320 : i32 to index
        %parallel_loop3A_403 = tpu.vector_load %arg8[%parallel_loop3A_401, %parallel_loop3A_402] {strides = array<i32>} : memref<8x2048xf32, #tpu.memory_space<vmem>>, vector<1x16xf32>,
        %parallel_loop3A_404 = vector.shape_cast %parallel_loop3A_403 : vector<1x16xf32> to vector<16xf32>
        %parallel_loop3A_405 = vector.shape_cast %parallel_loop3A_399 : vector<16xf32> to vector<1x16xf32>
        tpu.vector_store %arg8[%parallel_loop3A_401, %parallel_loop3A_402], %parallel_loop3A_405 {strides = array<i32>} : memref<8x2048xf32, #tpu.memory_space<vmem>>, vector<1x16xf32>,
        %parallel_loop3A_406 = arith.constant 5 : i32
        %parallel_loop3A_407 = arith.index_cast %parallel_loop3A_406 : i32 to index
        %parallel_loop3A_408 = arith.index_cast %parallel_loop3A_320 : i32 to index
        %parallel_loop3A_409 = tpu.vector_load %arg6[%parallel_loop3A_407, %parallel_loop3A_408] {strides = array<i32>} : memref<8x2048xf32, #tpu.memory_space<vmem>>, vector<1x16xf32>,
        %parallel_loop3A_410 = vector.shape_cast %parallel_loop3A_409 : vector<1x16xf32> to vector<16xf32>
        %parallel_loop3A_411 = arith.constant 5 : i32
        %parallel_loop3A_412 = arith.index_cast %parallel_loop3A_411 : i32 to index
        %parallel_loop3A_413 = arith.index_cast %parallel_loop3A_320 : i32 to index
        %parallel_loop3A_414 = tpu.vector_load %arg10[%parallel_loop3A_412, %parallel_loop3A_413] {strides = array<i32>} : memref<8x2048xf32, #tpu.memory_space<vmem>>, vector<1x16xf32>,
        %parallel_loop3A_415 = vector.shape_cast %parallel_loop3A_414 : vector<1x16xf32> to vector<16xf32>
        %parallel_loop3A_416 = arith.addf %parallel_loop3A_410, %parallel_loop3A_415 : vector<16xf32>
        %parallel_loop3A_417 = arith.constant 5 : i32
        %parallel_loop3A_418 = arith.index_cast %parallel_loop3A_417 : i32 to index
        %parallel_loop3A_419 = arith.index_cast %parallel_loop3A_320 : i32 to index
        %parallel_loop3A_420 = tpu.vector_load %arg8[%parallel_loop3A_418, %parallel_loop3A_419] {strides = array<i32>} : memref<8x2048xf32, #tpu.memory_space<vmem>>, vector<1x16xf32>,
        %parallel_loop3A_421 = vector.shape_cast %parallel_loop3A_420 : vector<1x16xf32> to vector<16xf32>
        %parallel_loop3A_422 = vector.shape_cast %parallel_loop3A_416 : vector<16xf32> to vector<1x16xf32>
        tpu.vector_store %arg8[%parallel_loop3A_418, %parallel_loop3A_419], %parallel_loop3A_422 {strides = array<i32>} : memref<8x2048xf32, #tpu.memory_space<vmem>>, vector<1x16xf32>,
        %parallel_loop3A_423 = arith.constant 6 : i32
        %parallel_loop3A_424 = arith.index_cast %parallel_loop3A_423 : i32 to index
        %parallel_loop3A_425 = arith.index_cast %parallel_loop3A_320 : i32 to index
        %parallel_loop3A_426 = tpu.vector_load %arg6[%parallel_loop3A_424, %parallel_loop3A_425] {strides = array<i32>} : memref<8x2048xf32, #tpu.memory_space<vmem>>, vector<1x16xf32>,
        %parallel_loop3A_427 = vector.shape_cast %parallel_loop3A_426 : vector<1x16xf32> to vector<16xf32>
        %parallel_loop3A_428 = arith.constant 6 : i32
        %parallel_loop3A_429 = arith.index_cast %parallel_loop3A_428 : i32 to index
        %parallel_loop3A_430 = arith.index_cast %parallel_loop3A_320 : i32 to index
        %parallel_loop3A_431 = tpu.vector_load %arg10[%parallel_loop3A_429, %parallel_loop3A_430] {strides = array<i32>} : memref<8x2048xf32, #tpu.memory_space<vmem>>, vector<1x16xf32>,
        %parallel_loop3A_432 = vector.shape_cast %parallel_loop3A_431 : vector<1x16xf32> to vector<16xf32>
        %parallel_loop3A_433 = arith.addf %parallel_loop3A_427, %parallel_loop3A_432 : vector<16xf32>
        %parallel_loop3A_434 = arith.constant 6 : i32
        %parallel_loop3A_435 = arith.index_cast %parallel_loop3A_434 : i32 to index
        %parallel_loop3A_436 = arith.index_cast %parallel_loop3A_320 : i32 to index
        %parallel_loop3A_437 = tpu.vector_load %arg8[%parallel_loop3A_435, %parallel_loop3A_436] {strides = array<i32>} : memref<8x2048xf32, #tpu.memory_space<vmem>>, vector<1x16xf32>,
        %parallel_loop3A_438 = vector.shape_cast %parallel_loop3A_437 : vector<1x16xf32> to vector<16xf32>
        %parallel_loop3A_439 = vector.shape_cast %parallel_loop3A_433 : vector<16xf32> to vector<1x16xf32>
        tpu.vector_store %arg8[%parallel_loop3A_435, %parallel_loop3A_436], %parallel_loop3A_439 {strides = array<i32>} : memref<8x2048xf32, #tpu.memory_space<vmem>>, vector<1x16xf32>,
        %parallel_loop3A_440 = arith.constant 7 : i32
        %parallel_loop3A_441 = arith.index_cast %parallel_loop3A_440 : i32 to index
        %parallel_loop3A_442 = arith.index_cast %parallel_loop3A_320 : i32 to index
        %parallel_loop3A_443 = tpu.vector_load %arg6[%parallel_loop3A_441, %parallel_loop3A_442] {strides = array<i32>} : memref<8x2048xf32, #tpu.memory_space<vmem>>, vector<1x16xf32>,
        %parallel_loop3A_444 = vector.shape_cast %parallel_loop3A_443 : vector<1x16xf32> to vector<16xf32>
        %parallel_loop3A_445 = arith.constant 7 : i32
        %parallel_loop3A_446 = arith.index_cast %parallel_loop3A_445 : i32 to index
        %parallel_loop3A_447 = arith.index_cast %parallel_loop3A_320 : i32 to index
        %parallel_loop3A_448 = tpu.vector_load %arg10[%parallel_loop3A_446, %parallel_loop3A_447] {strides = array<i32>} : memref<8x2048xf32, #tpu.memory_space<vmem>>, vector<1x16xf32>,
        %parallel_loop3A_449 = vector.shape_cast %parallel_loop3A_448 : vector<1x16xf32> to vector<16xf32>
        %parallel_loop3A_450 = arith.addf %parallel_loop3A_444, %parallel_loop3A_449 : vector<16xf32>
        %parallel_loop3A_451 = arith.constant 7 : i32
        %parallel_loop3A_452 = arith.index_cast %parallel_loop3A_451 : i32 to index
        %parallel_loop3A_453 = arith.index_cast %parallel_loop3A_320 : i32 to index
        %parallel_loop3A_454 = tpu.vector_load %arg8[%parallel_loop3A_452, %parallel_loop3A_453] {strides = array<i32>} : memref<8x2048xf32, #tpu.memory_space<vmem>>, vector<1x16xf32>,
        %parallel_loop3A_455 = vector.shape_cast %parallel_loop3A_454 : vector<1x16xf32> to vector<16xf32>
        %parallel_loop3A_456 = vector.shape_cast %parallel_loop3A_450 : vector<16xf32> to vector<1x16xf32>
        tpu.vector_store %arg8[%parallel_loop3A_452, %parallel_loop3A_453], %parallel_loop3A_456 {strides = array<i32>} : memref<8x2048xf32, #tpu.memory_space<vmem>>, vector<1x16xf32>,
      } {sc.loop_unroll_factor = 2 : i64, sc.parallel_access}
      %lt3A_299 = arith.constant 15 : i32
      %lt3A_300 = arith.cmpi slt, %add3A_184, %lt3A_299 : i32
      %convert_element_type3A_301 = arith.extui %lt3A_300 : i1 to i32
      %cond3A_302 = arith.constant 0 : i32
      %cond3A_303 = arith.cmpi ne, %convert_element_type3A_301, %cond3A_302 : i32
      scf.if %cond3A_303 {
        %add3A_320 = arith.constant 1 : i32
        %add3A_321 = arith.addi %add3A_184, %add3A_320 : i32
        %add3A_322 = arith.constant 4096 : i32
        %add3A_323 = arith.addi %add3A_322, %mul3A_2 : i32
        %mul3A_324 = arith.constant 8 : i32
        %mul3A_325 = arith.muli %add3A_321, %mul3A_324 : i32
        %add3A_326 = arith.addi %add3A_323, %mul3A_325 : i32
        %dma_start3A_327 = arith.constant 0 : i32
        %dma_start3A_328 = tpu.memref_slice %arg2[%add3A_326, %dma_start3A_327] : memref<16384x2048xf32, #tpu.memory_space<hbm>> -> memref<8x2048xf32, #tpu.memory_space<hbm>>
        %dma_start3A_329 = arith.constant 0 : i32
        %dma_start3A_330 = tpu.memref_slice %arg2[%add3A_326, %dma_start3A_329] : memref<16384x2048xf32, #tpu.memory_space<hbm>> -> memref<8x2048xf32, #tpu.memory_space<hbm>>
        tpu.enqueue_dma source(%dma_start3A_330 : memref<8x2048xf32, #tpu.memory_space<hbm>>) target(%arg6 : memref<8x2048xf32, #tpu.memory_space<vmem>>) target_semaphore(%arg12 : memref<!tpu.dma_semaphore, #tpu.memory_space<semaphore_mem>>)
      } else {
      }
      %add3A_304 = arith.constant 12288 : i32
      %add3A_305 = arith.addi %add3A_304, %mul3A_2 : i32
      %mul3A_306 = arith.constant 8 : i32
      %mul3A_307 = arith.muli %add3A_184, %mul3A_306 : i32
      %add3A_308 = arith.addi %add3A_305, %mul3A_307 : i32
      %dma_start3A_309 = arith.constant 0 : i32
      %dma_start3A_310 = tpu.memref_slice %arg4[%add3A_308, %dma_start3A_309] : memref<16384x2048xf32, #tpu.memory_space<hbm>> -> memref<8x2048xf32, #tpu.memory_space<hbm>>
      %dma_start3A_311 = arith.constant 0 : i32
      %dma_start3A_312 = tpu.memref_slice %arg4[%add3A_308, %dma_start3A_311] : memref<16384x2048xf32, #tpu.memory_space<hbm>> -> memref<8x2048xf32, #tpu.memory_space<hbm>>
      tpu.enqueue_dma source(%arg8 : memref<8x2048xf32, #tpu.memory_space<vmem>>) target(%dma_start3A_312 : memref<8x2048xf32, #tpu.memory_space<hbm>>) target_semaphore(%arg14 : memref<!tpu.dma_semaphore, #tpu.memory_space<semaphore_mem>>)
      %add3A_313 = arith.constant 2 : i32
      %add3A_314 = arith.addi %add3A_184, %add3A_313 : i32
      %lt3A_315 = arith.constant 16 : i32
      %lt3A_316 = arith.cmpi slt, %add3A_314, %lt3A_315 : i32
      %convert_element_type3A_317 = arith.extui %lt3A_316 : i1 to i32
      %cond3A_318 = arith.constant 0 : i32
      %cond3A_319 = arith.cmpi ne, %convert_element_type3A_317, %cond3A_318 : i32
      scf.if %cond3A_319 {
        %add3A_320 = arith.constant 2 : i32
        %add3A_321 = arith.addi %add3A_184, %add3A_320 : i32
        %mul3A_322 = arith.constant 8 : i32
        %mul3A_323 = arith.muli %add3A_321, %mul3A_322 : i32
        %add3A_324 = arith.addi %mul3A_2, %mul3A_323 : i32
        %dma_start3A_325 = arith.constant 0 : i32
        %dma_start3A_326 = tpu.memref_slice %arg3[%add3A_324, %dma_start3A_325] : memref<8192x2048xf32, #tpu.memory_space<hbm>> -> memref<8x2048xf32, #tpu.memory_space<hbm>>
        %dma_start3A_327 = arith.constant 0 : i32
        %dma_start3A_328 = tpu.memref_slice %arg3[%add3A_324, %dma_start3A_327] : memref<8192x2048xf32, #tpu.memory_space<hbm>> -> memref<8x2048xf32, #tpu.memory_space<hbm>>
        tpu.enqueue_dma source(%dma_start3A_328 : memref<8x2048xf32, #tpu.memory_space<hbm>>) target(%arg10 : memref<8x2048xf32, #tpu.memory_space<vmem>>) target_semaphore(%arg16 : memref<!tpu.dma_semaphore, #tpu.memory_space<semaphore_mem>>)
      } else {
      }
    }
    %scan3A_34 = arith.constant 8 : i32
    %dma_wait3A = arith.constant 0 : i32
    %dma_wait3A_35 = arith.constant 0 : i32
    %dma_wait3A_36 = tpu.memref_slice %arg2[%dma_wait3A, %dma_wait3A_35] : memref<16384x2048xf32, #tpu.memory_space<hbm>> -> memref<8x2048xf32, #tpu.memory_space<hbm>>
    %dma_wait3A_37 = arith.constant 0 : i32
    %dma_wait3A_38 = arith.constant 0 : i32
    %dma_wait3A_39 = tpu.memref_slice %arg2[%dma_wait3A_37, %dma_wait3A_38] : memref<16384x2048xf32, #tpu.memory_space<hbm>> -> memref<8x2048xf32, #tpu.memory_space<hbm>>
    tpu.wait_dma2 semaphore(%arg13 : memref<!tpu.dma_semaphore, #tpu.memory_space<semaphore_mem>>) src(%dma_wait3A_39 : memref<8x2048xf32, #tpu.memory_space<hbm>>) dst(%arg7 : memref<8x2048xf32, #tpu.memory_space<vmem>>)
    %dma_wait3A_40 = arith.constant 0 : i32
    %dma_wait3A_41 = arith.constant 0 : i32
    %dma_wait3A_42 = tpu.memref_slice %arg2[%dma_wait3A_40, %dma_wait3A_41] : memref<16384x2048xf32, #tpu.memory_space<hbm>> -> memref<8x2048xf32, #tpu.memory_space<hbm>>
    %dma_wait3A_43 = arith.constant 0 : i32
    %dma_wait3A_44 = arith.constant 0 : i32
    %dma_wait3A_45 = tpu.memref_slice %arg2[%dma_wait3A_43, %dma_wait3A_44] : memref<16384x2048xf32, #tpu.memory_space<hbm>> -> memref<8x2048xf32, #tpu.memory_space<hbm>>
    tpu.wait_dma2 semaphore(%arg14 : memref<!tpu.dma_semaphore, #tpu.memory_space<semaphore_mem>>) src(%dma_wait3A_45 : memref<8x2048xf32, #tpu.memory_space<hbm>>) dst(%arg8 : memref<8x2048xf32, #tpu.memory_space<vmem>>)
    return
  }
}

</mosaic_0001>

<sc_bundles>
// kernel: kernel.3.cloned.1.call-start
scs
__scs_entry_jumppad:
0x0: {  	(pc) =	sbr.rel $0x88, $3  }
0x1: {  	(tag) =	ssettag $0x0;
	lr =	simm.s32 $0x1  }
0x2: {  	[smem:$0x3F9F] =	sst lr;
	_ =	strace $0xD0000000  }
0x3: {  	_ = 	snop  }
0x4: {  	_ = 	snop  }
0x5: {  	_ = 	snop  }
0x6: {  	_ = 	snop  }
0x7: {  	_ = 	snop  }
__scs_overlays_trampoline_lowered:
0x8: {  	[smem:$0x3FAE] =	sst s0  }
0x9: {  	[smem:$0x3FAF] =	sst s1  }
0xa: {  	[smem:$0x3FB0] =	sst s2  }
0xb: {  	[smem:$0x3FB1] =	sst s3  }
0xc: {  	[smem:$0x3FB2] =	sst s4  }
0xd: {  	[smem:$0x3FB3] =	sst s5  }
0xe: {  	[smem:$0x3FB4] =	sst s6  }
0xf: {  	[smem:$0x3FB5] =	sst s7  }
0x10: {  	[smem:$0x3FB6] =	sst s8  }
0x11: {  	[smem:$0x3FB7] =	sst s9;
	s0 =	simm.s32 @!p0 $0x0  }
0x12: {  	s1 =	sld [smem:$0x3F9D];
	s0 =	simm.s32 @p0 $0x1  }
0x13: {  	[smem:$0x3FB8] =	sst s0;
	s0 =	simm.s32 @!p1 $0x0  }
0x14: {  	s2 =	sld [smem:$0x3F9C];
	s0 =	simm.s32 @p1 $0x1  }
0x15: {  	[smem:$0x3FB9] =	sst s0;
	s0 =	simm.s32 @!p2 $0x0  }
0x16: {  	s3 =	sld [smem:$0x3FDB];
	s0 =	simm.s32 @p2 $0x1  }
0x17: {  	s4 =	simm.s32 $0x1BF5;
	[smem:$0x3FBB] =	sst s0  }
0x18: {  	s0 =	sld [smem:$0x3F9E];
	_ =	swait.ge [sflag:s4], $0x0  }
0x19: {  	s7 =	sld [smem:$0x3F9F]  }
0x1a: {  	s8 =	sadd.s32 $0xFFFFE003, lr  }
0x1b: {  	s9 =	sadd.s32 $0xFFFFFEF7, lr;
	s5 =	simm.s32 $0xFFFFFFFF;
	p2 =	slt.u32 s8, $0xFFFFF086  }
0x1c: {  	p1 =	slt.u32 s9, $0xF7A;
	s5 =	simm.s32 @!p2 $0x0  }
0x1d: {  	s5 =	simm.s32 @p1 $0x1;
	p0 =	seq.s32 s7, s2  }
0x1e: {  	s7 =	smul.u32 @!p0 $0xF7A, s2;
	p2 =	seq.s32 @!p0 s5, $0x0  }
0x1f: {  	s9 =	smul.u32 $0xF7A, s1;
	s8 =	simm.s32 @!p0 $0x1BF5;
	p2 =	por !p2, p0  }
0x20: {  	[sflag:s8] =	ssyncset.s32 @!p0 $0xFFFFF086;
	s6 =	sadd.s32 @!p0 s3, s7;
	s7 =	simm.s32 @!p0 $0x108  }
0x21: {  	s3 =	sadd.s32 s3, s9;
	s6 =	sadd.s32 @!p0 $0x88, s6;
	s7 =	simm.s32 @p2 $0x1082  }
0x22: {  	[simem:s7], [sflag:s8] =	dma.local @!p0 [hbm:s6], $0xF7A  }
0x23: {  	s9 =	sor.u32 $0xD0000000, s2;
	s6 =	simm.s32 $0x108;
	_ =	swait.ge @!p0 [sflag:s8], $0x0  }
0x24: {  	s3 =	sadd.s32 $0x88, s3;
	s6 =	simm.s32 @!p1 $0x1082;
	[sflag:s4] =	ssyncset.s32 $0xFFFFF086  }
0x25: {  	[simem:s6], [sflag:s4] =	dma.local [hbm:s3], $0xF7A  }
0x26: {  	[smem:$0x3F9F] =	sst s1;
	(tag) =	ssettag s2;
	_ =	strace s9  }
0x27: {  	s1 =	sld [smem:$0x3FAF]  }
0x28: {  	s2 =	sld [smem:$0x3FB0]  }
0x29: {  	s4 =	sld [smem:$0x3FB2]  }
0x2a: {  	p0 =	seq.s32 s5, $0x0;
	s5 =	sld [smem:$0x3FB3]  }
0x2b: {  	s6 =	sld [smem:$0x3FB4]  }
0x2c: {  	s7 =	sld [smem:$0x3FB5]  }
0x2d: {  	s3 =	simm.s32 $0x108;
	s8 =	sld [smem:$0x3FB6]  }
0x2e: {  	s3 =	simm.s32 @!p0 $0x1082;
	s9 =	sld [smem:$0x3FB7]  }
0x2f: {  	lr =	sadd.s32 s0, s3;
	s0 =	sld [smem:$0x3FAE]  }
0x30: {  	s3 =	sld [smem:$0x3FB1]  }
0x31: {  	[smem:$0x3FBA] =	sst s10  }
0x32: {  	s10 =	sld [smem:$0x3FB8];
	_ =	sdelay $0x3  }
0x33: {  	p0 =	seq.s32 s10, $0x1;
	s10 =	sld [smem:$0x3FBA];
	_ =	sdelay $0x3  }
0x34: {  	[smem:$0x3FBA] =	sst s10  }
0x35: {  	s10 =	sld [smem:$0x3FB9];
	_ =	sdelay $0x3  }
0x36: {  	p1 =	seq.s32 s10, $0x1;
	s10 =	sld [smem:$0x3FBA];
	_ =	sdelay $0x3  }
0x37: {  	[smem:$0x3FBA] =	sst s10  }
0x38: {  	s10 =	sld [smem:$0x3FBB]  }
0x39: {  	_ = 	snop;
	(pc) =	sbr.ind lr, $3  }
0x3a: {  	_ = 	snop  }
0x3b: {  	_ = 	snop  }
0x3c: {  	p2 =	seq.s32 s10, $0x1;
	s10 =	sld [smem:$0x3FBA]  }
0x3d: {  	_ =	shalt  }
0x3e: {  	_ =	shalt  }
0x3f: {  	_ =	shalt  }
0x40: {  	_ =	shalt  }
0x41: {  	_ =	shalt  }
0x42: {  	_ =	shalt  }
0x43: {  	_ =	shalt  }
0x44: {  	_ =	shalt  }
0x45: {  	_ =	shalt  }
0x46: {  	_ =	shalt  }
0x47: {  	_ =	shalt  }
0x48: {  	_ =	shalt  }
0x49: {  	_ =	shalt  }
0x4a: {  	_ =	shalt  }
0x4b: {  	_ =	shalt  }
0x4c: {  	_ =	shalt  }
0x4d: {  	_ =	shalt  }
0x4e: {  	_ =	shalt  }
0x4f: {  	_ =	shalt  }
0x50: {  	_ =	shalt  }
0x51: {  	_ =	shalt  }
0x52: {  	_ =	shalt  }
0x53: {  	_ =	shalt  }
0x54: {  	_ =	shalt  }
0x55: {  	_ =	shalt  }
0x56: {  	_ =	shalt  }
0x57: {  	_ =	shalt  }
0x58: {  	_ =	shalt  }
0x59: {  	_ =	shalt  }
0x5a: {  	_ =	shalt  }
0x5b: {  	_ =	shalt  }
0x5c: {  	_ =	shalt  }
0x5d: {  	_ =	shalt  }
0x5e: {  	_ =	shalt  }
0x5f: {  	_ =	shalt  }
0x60: {  	_ =	shalt  }
0x61: {  	_ =	shalt  }
0x62: {  	_ =	shalt  }
0x63: {  	_ =	shalt  }
0x64: {  	_ =	shalt  }
0x65: {  	_ =	shalt  }
0x66: {  	_ =	shalt  }
0x67: {  	_ =	shalt  }
0x68: {  	_ =	shalt  }
0x69: {  	_ =	shalt  }
0x6a: {  	_ =	shalt  }
0x6b: {  	_ =	shalt  }
0x6c: {  	_ =	shalt  }
0x6d: {  	_ =	shalt  }
0x6e: {  	_ =	shalt  }
0x6f: {  	_ =	shalt  }
0x70: {  	_ =	shalt  }
0x71: {  	_ =	shalt  }
0x72: {  	_ =	shalt  }
0x73: {  	_ =	shalt  }
0x74: {  	_ =	shalt  }
0x75: {  	_ =	shalt  }
0x76: {  	_ =	shalt  }
0x77: {  	_ =	shalt  }
0x78: {  	_ =	shalt  }
0x79: {  	_ =	shalt  }
0x7a: {  	_ =	shalt  }
0x7b: {  	_ =	shalt  }
0x7c: {  	_ =	shalt  }
0x7d: {  	_ =	shalt  }
0x7e: {  	_ =	shalt  }
0x7f: {  	_ =	shalt  }
0x80: {  	_ =	shalt  }
0x81: {  	_ =	shalt  }
0x82: {  	_ =	shalt  }
0x83: {  	_ =	shalt  }
0x84: {  	_ =	shalt  }
0x85: {  	_ =	shalt  }
0x86: {  	_ =	shalt  }
0x87: {  	_ =	shalt  }
.Lfunc_end0:
.L_simem_size_0:
called_computation_lowered:
.L_overlay_start_0:
0x88: {  	s2 =	sld [smem:$0x3FD9]  }
0x89: {  	s3 =	sld [smem:$0x3FFE];
	_ =	sdelay $0x1  }
0x8a: {  	s1 =	srdreg.scid  }
0x8b: {  	s0 =	sand.u32 $0x1, s1  }
0x8c: {  	s18 =	sshll.u32 s0, $0xA;
	s2 =	sadd.s32 s3, s2  }
0x8d: {  	s2 =	sadd.s32 s2, s18  }
0x8e: {  	[smem:$0x3FC6] =	sst s2  }
0x8f: {  	_ = 	snop  }
0x90: {  	s2 =	sld [smem:$0x3FC9]  }
0x91: {  	s19 =	sld [smem:$0x3FC8]  }
0x92: {  	s4 =	sld [smem:$0x3FD0];
	(tm) =	ssettm $0x1  }
0x93: {  	s5 =	sld [smem:$0x3FFB];
	_ =	sdelay $0x3  }
0x94: {  	_ =	strace s5  }
0x95: {  	s5 =	sld [smem:$0x3FFC];
	_ =	sdelay $0x3  }
0x96: {  	_ =	strace s5  }
0x97: {  	s5 =	sld [smem:$0x3FFD];
	_ =	sdelay $0x3  }
0x98: {  	_ =	strace s5  }
0x99: {  	_ =	strace $0x8FFFFFFF  }
0x9a: {  	s20 =	sld [smem:$0x3FDB];
	_ =	sdelay $0x1  }
0x9b: {  	s6 =	simm.s32 $_scs_section_size  }
0x9c: {  	s7 =	simm.s32 $_size__tile_overlayer_lowered;
	s8 =	simm.s32 $_tile_overlayer_lowered  }
0x9d: {  	s23 =	simm.s32 $0x1BFF;
	s22 =	sshll.u32 s8, $0x1;
	s5 =	sadd.s32 s6, s20  }
0x9e: {  	s9 =	simm.s32 $0x0;
	s21 =	sshll.u32 s7, $0x1;
	s7 =	sadd.s32 s22, s5  }
0x9f: {  	[timem:s9], [sflag:s23] =	dma.local [hbm:s7], s21  }
0xa0: {  	_ =	swait.ge [sflag:s23], s21  }
0xa1: {  	s6 =	ssub.s32 $0x0, s21;
	[sflag:s23] =	ssyncset.done $0x0  }
0xa2: {  	[sflag:s23] =	ssyncadd.s32 s6;
	_ =	sdelay $0x1  }
0xa3: {  	s24 =	simm.s32 $0x1B8B  }
0xa4: {  	_ =	swait.ge [sflag:s24], $0x1  }
0xa5: {  	[sflag:s24] =	ssyncset.done $0x0  }
0xa6: {  	s25 =	simm.s32 $0x1B8E;
	[sflag:s24] =	ssyncadd.s32 $0xFFFFFFFF  }
0xa7: {  	s26 =	simm.s32 $execute0_lowered;
	[smem:$0x3FD2] =	sst s25  }
0xa8: {  	s6 =	sshll.u32 s26, $0x1;
	_ =	strace $0x80000046;
	[dreg:$0x1] =	wrdreg $0xFFFFFFFF  }
0xa9: {  	s28 =	simm.s32 $_size_execute0_lowered;
	s5 =	sadd.s32 s5, s6;
	[dreg:$0x0] =	wrdreg $0x0  }
0xaa: {  	s6 =	sshll.u32 s28, $0x1;
	[dreg:$0x2] =	wrdreg s5  }
0xab: {  	[dreg:$0x3] =	wrdreg s6  }
0xac: {  	[dreg:$0x4] =	wrdreg $0xC0  }
0xad: {  	_ =	task [dreg:s9], $0x5FFFF  }
0xae: {  	[dreg:$0x1] =	wrdreg $0xFFFFFFFF  }
0xaf: {  	[dreg:$0x0] =	wrdreg $0x60  }
0xb0: {  	[dreg:$0x2] =	wrdreg s2  }
0xb1: {  	[dreg:$0x3] =	wrdreg s19  }
0xb2: {  	[dreg:$0x4] =	wrdreg s4  }
0xb3: {  	[dreg:$0x5] =	wrdreg $0x9  }
0xb4: {  	_ =	task.clear_ibuf [dreg:s9], $0x6FFFF;
	_ =	strace $0x90000046  }
0xb5: {  	s29 =	simm.s32 $0x9;
	_ =	strace $0x80000048  }
0xb6: {  	_ =	swait.ge [sflag:s29], $0x1  }
0xb7: {  	[sflag:s29] =	ssyncadd.s32 $0xFFFFFFFF  }
0xb8: {  	_ =	strace $0x90000048  }
0xb9: {  	_ =	sfence  }
0xba: {  	s30 =	sld [smem:$0x0];
	_ =	sdelay $0x2  }
0xbb: {  	s31 =	sshll.u32 s1, $0xD;
	s1 =	sshrl.u32 s1, $0x2  }
0xbc: {  	s3 =	sand.u32 $0x4000, s31;
	s1 =	sadd.s32 s1, s30  }
0xbd: {  	s0 =	sor.u32 s3, s0;
	s1 =	sshll.u32 s1, $0x11  }
0xbe: {  	s0 =	sor.u32 s1, s0  }
0xbf: {  	s0 =	sadd.s32 $0x8F2B, s0  }
0xc0: {  	[sflag:s0] =	ssyncadd.remote.s32 $0x1  }
0xc1: {  	_ =	sfence.sel $0xFFFF  }
0xc2: {  	[dreg:$0x0] =	wrdreg $0xFFFFFFFF;
	(pc) =	sbr.abs _section_cstart, $3  }
0xc3: {  	[dreg:$0x1] =	wrdreg $0xFFFFFFFF  }
0xc4: {  	_ =	task.clear_ibuf [dreg:s9], $0x2FFFF;
	_ =	strace $0x9FFFFFFF  }
0xc5: {  	(tm) =	ssettm $0x7FFFFFFF  }
tec
execute0_lowered:
.L_overlay_start_1:
0x0: {  	(tag) =	ssettag $0x1  }
0x1: {  	s1 =	rddreg [dreg:$0x0]  }
0x2: {  	s8 =	rddreg [dreg:$0x1]  }
0x3: {  	s4 =	rddreg [dreg:$0x2];
	s0 =	srdreg.scid  }
0x4: {  	s5 =	simm.s32 $0x0;
	s2 =	stileid.u32;
	s22 =	simm.s32 $0x1  }
0x5: {  	s13 =	simm.s32 $0x8000;
	s28 =	simm.s32 $0x4;
	s0 =	sand.u32 $0x1, s0  }
0x6: {  	s23 =	simm.s32 $0xC000;
	s2 =	sshll.u32 s2, $0x8;
	s3 =	sshll.u32 s0, $0x7  }
0x7: {  	[smem:$0x7FF] =	sst s5;
	s0 =	ssub.s32 $0x2, s0;
	s6 =	sor.u32 s3, s2  }
0x8: {  	_ =	strace $0x80000047;
	s24 =	sshrl.u32 s0, $0x1;
	s29 =	sor.u32 $0x3000, s6  }
0x9: {  	s3 =	sshll.u32 s6, $0x8;
	s30 =	sshrl.u32 s6, $0x3;
	[dreg:$0x8] =	wrdreg s29  }
0xa: {  	s8 =	sadd.s32 s8, s3;
	s3 =	sadd.s32 s1, s3;
	[dreg:$0xc] =	wrdreg s30  }
0xb: {  	s7 =	sor.u32 $0x1000, s6;
	s0 =	ssub.s32 s0, s24;
	[dreg:$0x5] =	wrdreg s3  }
0xc: {  	s25 =	sshll.u32 s7, $0x8;
	s31 =	sshrl.u32 s7, $0x3;
	[dreg:$0x4] =	wrdreg s8  }
.Ltmp0:
0xd: {  	s0 =	smax.u32 s0, $0x1;
	[dreg:$0x9] =	wrdreg s31;
	(pc) =	sbr.rel .LBB2_1-.Ltmp0, $4  }
0xe: {  	s12 =	sor.u32 $0x2000, s6;
	s2 =	sadd.s32 s1, s25;
	[dreg:$0xb] =	wrdreg s0  }
0xf: {  	s24 =	simm.s32 $0x2;
	s26 =	sadd.s32 $0x800, s8;
	[dreg:$0x6] =	wrdreg s2  }
0x10: {  	s25 =	simm.s32 $0xC000;
	[dreg:$0x7] =	wrdreg s26;
	s2 =	sor.u32 $0x3, s30  }
0x11: {  	s26 =	simm.s32 $0x3;
	[dreg:$0xa] =	wrdreg s2;
	s2 =	simm.s32 $0x0  }
.LBB2_20:
0x12: {  	_ =	swait.ge [sflag:s26], $0x4000  }
0x13: {  	[sflag:s26] =	ssyncset.done $0x0  }
0x14: {  	[sflag:s26] =	ssyncadd.s32 $0xFFFFC000  }
0x15: {  	_ =	swait.ge [sflag:s28], $0x4000  }
0x16: {  	s2 =	rddreg [dreg:$0xd]  }
0x17: {  	s0 =	rddreg [dreg:$0xb];
	s2 =	sadd.s32 $0x1, s2  }
0x18: {  	p0 =	sne.s32 s2, s0  }
.Ltmp1:
0x19: {  	_ = 	snop;
	(pc) =	sbr.rel @!p0 .LBB2_21-.Ltmp1, $3  }
0x1a: {  	_ =	sdelay $0x1  }
0x1b: {  	[sflag:s28] =	ssyncset.done $0x0  }
0x1c: {  	s12 =	smov.u32 s14;
	s13 =	simm.s32 $0x8000;
	[sflag:s28] =	ssyncadd.s32 $0xFFFFC000  }
.LBB2_1:
0x1d: {  	[dreg:$0xd] =	wrdreg s2  }
0x1e: {  	s0 =	rddreg [dreg:$0x5]  }
0x1f: {  	[tilespmem:s5], [sflag:$0x1] =	stream.linear.gather [hbm4b:s0+s5], $0x4000, $0x38;
	[tilespmem:$0x18000] =	vst v63  }
0x20: {  	s18 =	rddreg [dreg:$0x6];
	s19 =	simm.s32 $0x4000  }
0x21: {  	[tilespmem:s19], [sflag:$0x2] =	stream.linear.gather [hbm4b:s18+s5], $0x4000, $0x38;
	[tilespmem:$0x18000] =	vst v63  }
0x22: {  	s20 =	rddreg [dreg:$0x4];
	s21 =	simm.s32 $0x10000  }
0x23: {  	[tilespmem:s21], [sflag:$0x5] =	stream.linear.gather [hbm4b:s20+s5], $0x4000, $0x38;
	[tilespmem:$0x18000] =	vst v63  }
0x24: {  	s29 =	rddreg [dreg:$0x7];
	s30 =	simm.s32 $0x14000;
	s31 =	simm.s32 $0x0  }
0x25: {  	[tilespmem:s30], [sflag:$0x6] =	stream.linear.gather [hbm4b:s29+s5], $0x4000, $0x38;
	[tilespmem:$0x18000] =	vst v63  }
.LBB2_2:
0x26: {  	s0 =	simm.s32 $0x5  }
0x27: {  	_ =	swait.ge [sflag:s0], $0x4000  }
0x28: {  	[sflag:s0] =	ssyncset.done $0x0  }
0x29: {  	[sflag:s0] =	ssyncadd.s32 $0xFFFFC000  }
0x2a: {  	_ =	swait.ge [sflag:s22], $0x4000  }
0x2b: {  	p0 =	seq.s32 s31, $0x0;
	[sflag:s22] =	ssyncset.done $0x0  }
0x2c: {  	s0 =	simm.s32 @!p0 $0x3;
	[sflag:s22] =	ssyncadd.s32 $0xFFFFC000  }
0x2d: {  	s2 =	simm.s32 $0x0;
	s3 =	simm.s32 $0x0;
	_ =	swait.ge @!p0 [sflag:s0], $0x4000  }
0x2e: {  	s3 =	sand.u32 $0x60, s3;
	s8 =	sand.u32 $0x3C00, s2;
	[sflag:s0] =	ssyncset.done @!p0 $0x0  }
0x2f: {  	s3 =	sor.u32 s3, s8;
	[sflag:s0] =	ssyncadd.s32 @!p0 $0xFFFFC000  }
0x30: {  	v0 =	vld [tilespmem:s3+$0x10]  }
0x31: {  	v1 =	vld [tilespmem:s3+$0x10010]  }
0x32: {  	v2 =	vld [tilespmem:s3+$0x90]  }
0x33: {  	v3 =	vld [tilespmem:s3+$0x10090]  }
0x34: {  	v4 =	vld [tilespmem:s3+$0x110]  }
0x35: {  	v5 =	vld [tilespmem:s3+$0x10110]  }
0x36: {  	v6 =	vld [tilespmem:s3+$0x190]  }
0x37: {  	v7 =	vld [tilespmem:s3+$0x10190]  }
0x38: {  	v8 =	vld [tilespmem:s3+$0x210]  }
0x39: {  	v9 =	vld [tilespmem:s3+$0x10210]  }
0x3a: {  	s9 =	sand.u32 $0x3, s2;
	v10 =	vld [tilespmem:s3+$0x290]  }
0x3b: {  	s0 =	sshll.u32 s9, $0x5;
	v59 =	vld [tilespmem:s3+$0x180]  }
0x3c: {  	s16 =	simm.s32 $0x100;
	s11 =	sadd.s32 $0x0, s0;
	v60 =	vld [tilespmem:s3+$0x10180]  }
0x3d: {  	s15 =	simm.s32 $0x20;
	s2 =	sand.u32 $0x3C00, s16;
	v61 =	vld [tilespmem:s3+$0x200];
	s0 =	sadd.s32 $0x10, s11  }
0x3e: {  	v11 =	vld [tilespmem:s3+$0x10200];
	s10 =	sor.u32 $0x300, s0;
	s14 =	sor.u32 $0x380, s0;
	s0 =	sand.u32 $0x60, s15  }
0x3f: {  	v12 =	vld [tilespmem:s3+$0x10280];
	s0 =	sor.u32 s0, s2  }
0x40: {  	v14 =	vld [tilespmem:s0+$0x10]  }
0x41: {  	v15 =	vld [tilespmem:s0+$0x10010]  }
0x42: {  	v16 =	vld [tilespmem:s0+$0x90]  }
0x43: {  	v17 =	vld [tilespmem:s0+$0x10090]  }
0x44: {  	v18 =	vld [tilespmem:s0+$0x110]  }
0x45: {  	v19 =	vld [tilespmem:s0+$0x10110]  }
0x46: {  	v20 =	vld [tilespmem:s0+$0x190]  }
0x47: {  	v21 =	vld [tilespmem:s0+$0x10190]  }
0x48: {  	v22 =	vld [tilespmem:s0+$0x210]  }
0x49: {  	v23 =	vld [tilespmem:s0+$0x10210]  }
0x4a: {  	v24 =	vld [tilespmem:s0+$0x290]  }
0x4b: {  	v62 =	vld [tilespmem:s0+$0x10290]  }
0x4c: {  	v25 =	vld [tilespmem:s0+$0x0]  }
0x4d: {  	v63 =	vld [tilespmem:s0+$0x10000]  }
0x4e: {  	v0 =	vadd.f32 v1, v0;
	v1 =	vld [tilespmem:s3+$0x10290]  }
0x4f: {  	v29 =	vld [tilespmem:s0+$0x80];
	v2 =	vadd.f32 v3, v2  }
0x50: {  	v31 =	vld [tilespmem:s0+$0x10080];
	[tilespmem:s3+$0x8010] =	vst v0;
	v0 =	vadd.f32 v5, v4  }
0x51: {  	v33 =	vld [tilespmem:s0+$0x100];
	[tilespmem:s3+$0x8090] =	vst v2;
	v2 =	vadd.f32 v7, v6  }
0x52: {  	v3 =	vld [tilespmem:s3+$0x0];
	[tilespmem:s3+$0x8110] =	vst v0;
	v0 =	vadd.f32 v9, v8  }
0x53: {  	v4 =	vld [tilespmem:s3+$0x10000];
	[tilespmem:s3+$0x8190] =	vst v2;
	v1 =	vadd.f32 v1, v10  }
0x54: {  	v7 =	vld [tilespmem:s3+$0x10100];
	[tilespmem:s3+$0x8210] =	vst v0  }
0x55: {  	v14 =	vadd.f32 v15, v14;
	v0 =	vld [tilespmem:s3+$0x100];
	[tilespmem:s3+$0x8290] =	vst v1  }
0x56: {  	v16 =	vadd.f32 v17, v16;
	v1 =	vld [tilespmem:s10+$0x0]  }
0x57: {  	v28 =	vadd.f32 v19, v18;
	[tilespmem:s0+$0x8010] =	vst v14;
	v6 =	vld [tilespmem:s10+$0x10000]  }
0x58: {  	v5 =	vld [tilespmem:s3+$0x80];
	v30 =	vadd.f32 v21, v20;
	[tilespmem:s0+$0x8090] =	vst v16  }
0x59: {  	v2 =	vld [tilespmem:s3+$0x10080];
	v32 =	vadd.f32 v23, v22;
	[tilespmem:s0+$0x8110] =	vst v28  }
0x5a: {  	s17 =	simm.s32 $0x1;
	v34 =	vld [tilespmem:s0+$0x10100];
	v15 =	vadd.f32 v62, v24;
	[tilespmem:s0+$0x8190] =	vst v30  }
0x5b: {  	s2 =	sand.u32 $0x3, s17;
	v35 =	vld [tilespmem:s0+$0x200];
	[tilespmem:s0+$0x8210] =	vst v32;
	v0 =	vadd.f32 v7, v0  }
0x5c: {  	s2 =	sshll.u32 s2, $0x5;
	[tilespmem:s0+$0x8290] =	vst v15;
	v3 =	vadd.f32 v4, v3;
	v4 =	vld [tilespmem:s0+$0x180];
	v1 =	vadd.f32 v6, v1  }
0x5d: {  	s2 =	sadd.s32 $0x100, s2;
	v6 =	vld [tilespmem:s3+$0x280];
	[tilespmem:s3+$0x8100] =	vst v0;
	v0 =	vadd.f32 v11, v61  }
0x5e: {  	v2 =	vadd.f32 v2, v5;
	v7 =	vld [tilespmem:s0+$0x10180];
	[tilespmem:s10+$0x8000] =	vst v1;
	s10 =	sadd.s32 $0x10, s2  }
0x5f: {  	[tilespmem:s3+$0x8200] =	vst v0;
	v0 =	vld [tilespmem:s0+$0x280];
	s16 =	sor.u32 $0x300, s10  }
0x60: {  	[tilespmem:s3+$0x8080] =	vst v2;
	v2 =	vadd.f32 v60, v59;
	v5 =	vld [tilespmem:s16+$0x0]  }
0x61: {  	[tilespmem:s3+$0x8000] =	vst v3;
	v3 =	vld [tilespmem:s16+$0x10000]  }
0x62: {  	[tilespmem:s3+$0x8180] =	vst v2;
	v1 =	vld [tilespmem:s14+$0x0];
	v2 =	vadd.f32 v12, v6  }
0x63: {  	v13 =	vld [tilespmem:s14+$0x10000]  }
0x64: {  	s9 =	simm.s32 $0x200;
	v6 =	vld [tilespmem:s0+$0x10200];
	[tilespmem:s3+$0x8280] =	vst v2;
	s3 =	simm.s32 $0x40  }
0x65: {  	s15 =	sor.u32 $0x300, s11;
	s17 =	sand.u32 $0x3C00, s9;
	v2 =	vld [tilespmem:s0+$0x10280];
	s29 =	sand.u32 $0x60, s3  }
0x66: {  	s18 =	sor.u32 $0x380, s10;
	v3 =	vadd.f32 v3, v5;
	v5 =	vld [tilespmem:s15+$0x0];
	s10 =	sor.u32 s29, s17  }
0x67: {  	v37 =	vld [tilespmem:s10+$0x10]  }
0x68: {  	v38 =	vld [tilespmem:s10+$0x10010]  }
0x69: {  	v39 =	vld [tilespmem:s10+$0x90]  }
0x6a: {  	v40 =	vld [tilespmem:s10+$0x10090]  }
0x6b: {  	v41 =	vld [tilespmem:s10+$0x110]  }
0x6c: {  	v42 =	vld [tilespmem:s10+$0x10110]  }
0x6d: {  	v43 =	vld [tilespmem:s10+$0x190]  }
0x6e: {  	v44 =	vld [tilespmem:s10+$0x10190]  }
0x6f: {  	v45 =	vld [tilespmem:s10+$0x210]  }
0x70: {  	v17 =	vadd.f32 v63, v25;
	v46 =	vld [tilespmem:s10+$0x10210]  }
0x71: {  	v59 =	vadd.f32 v34, v33;
	v47 =	vld [tilespmem:s10+$0x290]  }
0x72: {  	[tilespmem:s0+$0x8000] =	vst v17;
	v1 =	vadd.f32 v13, v1;
	v48 =	vld [tilespmem:s10+$0x10290]  }
0x73: {  	[tilespmem:s0+$0x8100] =	vst v59;
	v49 =	vld [tilespmem:s10+$0x0]  }
0x74: {  	[tilespmem:s14+$0x8000] =	vst v1;
	v1 =	vadd.f32 v31, v29;
	v50 =	vld [tilespmem:s10+$0x10000]  }
0x75: {  	v52 =	vld [tilespmem:s10+$0x80];
	[tilespmem:s16+$0x8000] =	vst v3;
	v10 =	vadd.f32 v38, v37  }
0x76: {  	v53 =	vld [tilespmem:s10+$0x10080];
	[tilespmem:s0+$0x8080] =	vst v1;
	v1 =	vadd.f32 v40, v39  }
0x77: {  	s8 =	simm.s32 $0x2;
	v56 =	vld [tilespmem:s10+$0x100];
	v51 =	vadd.f32 v42, v41;
	[tilespmem:s10+$0x8010] =	vst v10  }
0x78: {  	s30 =	sand.u32 $0x3, s8;
	v58 =	vld [tilespmem:s10+$0x10100];
	[tilespmem:s10+$0x8090] =	vst v1;
	v1 =	vadd.f32 v44, v43  }
0x79: {  	s17 =	sshll.u32 s30, $0x5;
	v60 =	vld [tilespmem:s10+$0x180];
	v54 =	vadd.f32 v46, v45;
	[tilespmem:s10+$0x8110] =	vst v51  }
0x7a: {  	s20 =	sadd.s32 $0x200, s17;
	v3 =	vld [tilespmem:s15+$0x10000];
	[tilespmem:s10+$0x8190] =	vst v1;
	v1 =	vadd.f32 v48, v47  }
0x7b: {  	v4 =	vadd.f32 v7, v4;
	s19 =	sadd.s32 $0x10, s20;
	v36 =	vld [tilespmem:s18+$0x0];
	[tilespmem:s10+$0x8210] =	vst v54  }
0x7c: {  	v6 =	vadd.f32 v6, v35;
	v55 =	vld [tilespmem:s18+$0x10000];
	s21 =	sor.u32 $0x300, s19;
	[tilespmem:s10+$0x8290] =	vst v1  }
0x7d: {  	[tilespmem:s0+$0x8180] =	vst v4;
	v0 =	vadd.f32 v2, v0;
	v61 =	vld [tilespmem:s21+$0x0]  }
0x7e: {  	[tilespmem:s0+$0x8200] =	vst v6;
	v57 =	vadd.f32 v50, v49;
	v62 =	vld [tilespmem:s21+$0x10000]  }
0x7f: {  	v7 =	vld [tilespmem:s10+$0x10180];
	[tilespmem:s0+$0x8280] =	vst v0;
	v1 =	vadd.f32 v53, v52  }
0x80: {  	v63 =	vld [tilespmem:s10+$0x200];
	v3 =	vadd.f32 v3, v5;
	[tilespmem:s10+$0x8000] =	vst v57  }
0x81: {  	v2 =	vld [tilespmem:s10+$0x10200];
	[tilespmem:s10+$0x8080] =	vst v1;
	v1 =	vadd.f32 v58, v56  }
0x82: {  	v0 =	vadd.f32 v55, v36;
	[tilespmem:s15+$0x8000] =	vst v3;
	v3 =	vld [tilespmem:s10+$0x10280]  }
0x83: {  	s17 =	sor.u32 $0x300, s2;
	[tilespmem:s10+$0x8100] =	vst v1;
	v1 =	vld [tilespmem:s10+$0x280];
	v4 =	vadd.f32 v62, v61  }
0x84: {  	v5 =	vadd.f32 v7, v60;
	[tilespmem:s18+$0x8000] =	vst v0;
	v0 =	vld [tilespmem:s17+$0x0]  }
0x85: {  	s11 =	sor.u32 $0x380, s11;
	s16 =	sor.u32 $0x380, s2;
	s19 =	sor.u32 $0x380, s19;
	[tilespmem:s21+$0x8000] =	vst v4;
	v4 =	vld [tilespmem:s17+$0x10000]  }
0x86: {  	s2 =	sor.u32 $0x380, s20;
	s0 =	sshll.u32 s31, $0x1;
	s15 =	sor.u32 $0x300, s20;
	[tilespmem:s10+$0x8180] =	vst v5;
	v5 =	vadd.f32 v2, v63;
	v2 =	vld [tilespmem:s19+$0x0]  }
.LBB2_3:
0x87: {  	s3 =	sadd.s32 $0x20, s3;
	v6 =	vld [tilespmem:s19+$0x10000];
	s9 =	sadd.s32 $0x100, s9  }
0x88: {  	s20 =	sand.u32 $0x60, s3;
	s21 =	sand.u32 $0x3C00, s9;
	p1 =	slt.u32 s3, $0x7E0;
	[tilespmem:s10+$0x8200] =	vst v5;
	v1 =	vadd.f32 v3, v1;
	v3 =	vld [tilespmem:s11+$0x0]  }
0x89: {  	s20 =	sor.u32 s20, s21;
	v5 =	vld [tilespmem:s11+$0x10000]  }
0x8a: {  	v7 =	vld [tilespmem:s20+$0x10];
	[tilespmem:s10+$0x8280] =	vst v1;
	v0 =	vadd.f32 v4, v0;
	s10 =	smov.u32 s20  }
0x8b: {  	v1 =	vld [tilespmem:s10+$0x10010]  }
0x8c: {  	v4 =	vld [tilespmem:s10+$0x90];
	v2 =	vadd.f32 v6, v2;
	[tilespmem:s17+$0x8000] =	vst v0;
	s17 =	smov.u32 s15  }
0x8d: {  	v0 =	vld [tilespmem:s10+$0x10090]  }
0x8e: {  	v6 =	vld [tilespmem:s10+$0x110];
	[tilespmem:s19+$0x8000] =	vst v2;
	v2 =	vadd.f32 v5, v3  }
0x8f: {  	v3 =	vld [tilespmem:s10+$0x10110]  }
0x90: {  	v5 =	vld [tilespmem:s10+$0x190];
	[tilespmem:s11+$0x8000] =	vst v2;
	s11 =	smov.u32 s16;
	s16 =	smov.u32 s2  }
0x91: {  	v2 =	vld [tilespmem:s10+$0x10190]  }
0x92: {  	v8 =	vld [tilespmem:s10+$0x210]  }
0x93: {  	v9 =	vld [tilespmem:s10+$0x10210]  }
0x94: {  	v10 =	vld [tilespmem:s10+$0x290]  }
0x95: {  	v1 =	vadd.f32 v1, v7;
	v7 =	vld [tilespmem:s10+$0x10290]  }
0x96: {  	v0 =	vadd.f32 v0, v4;
	v11 =	vld [tilespmem:s10+$0x0]  }
0x97: {  	s8 =	sadd.s32 $0x1, s8;
	v4 =	vld [tilespmem:s10+$0x10000];
	[tilespmem:s10+$0x8010] =	vst v1;
	v1 =	vadd.f32 v3, v6  }
0x98: {  	s2 =	sand.u32 $0x3, s8;
	v3 =	vld [tilespmem:s10+$0x80];
	[tilespmem:s10+$0x8090] =	vst v0;
	v0 =	vadd.f32 v2, v5  }
0x99: {  	s2 =	sshll.u32 s2, $0x5;
	v2 =	vld [tilespmem:s10+$0x10080];
	[tilespmem:s10+$0x8110] =	vst v1;
	v1 =	vadd.f32 v9, v8  }
0x9a: {  	s19 =	sadd.s32 s2, s9;
	v5 =	vld [tilespmem:s10+$0x100];
	[tilespmem:s10+$0x8190] =	vst v0;
	v0 =	vadd.f32 v7, v10  }
0x9b: {  	s15 =	sor.u32 $0x300, s19;
	s2 =	sor.u32 $0x380, s19;
	s19 =	sadd.s32 $0x10, s19;
	v6 =	vld [tilespmem:s10+$0x10100];
	[tilespmem:s10+$0x8210] =	vst v1  }
0x9c: {  	s20 =	sor.u32 $0x300, s19;
	v1 =	vadd.f32 v4, v11;
	v4 =	vld [tilespmem:s10+$0x180];
	[tilespmem:s10+$0x8290] =	vst v0  }
0x9d: {  	v0 =	vld [tilespmem:s20+$0x0]  }
0x9e: {  	[tilespmem:s10+$0x8000] =	vst v1;
	v1 =	vadd.f32 v2, v3;
	v2 =	vld [tilespmem:s20+$0x10000]  }
0x9f: {  	v7 =	vld [tilespmem:s10+$0x10180]  }
0xa0: {  	[tilespmem:s10+$0x8080] =	vst v1;
	v1 =	vadd.f32 v6, v5;
	v5 =	vld [tilespmem:s10+$0x200]  }
0xa1: {  	v6 =	vld [tilespmem:s10+$0x10200]  }
.Ltmp2:
0xa2: {  	[tilespmem:s10+$0x8100] =	vst v1;
	v1 =	vld [tilespmem:s10+$0x280];
	(pc) =	sbr.rel @p1 .LBB2_3-.Ltmp2, $4  }
0xa3: {  	v3 =	vld [tilespmem:s10+$0x10280];
	v2 =	vadd.f32 v2, v0  }
0xa4: {  	v7 =	vadd.f32 v7, v4;
	v0 =	vld [tilespmem:s17+$0x0]  }
0xa5: {  	s19 =	sor.u32 $0x380, s19;
	[tilespmem:s20+$0x8000] =	vst v2;
	v4 =	vld [tilespmem:s17+$0x10000]  }
0xa6: {  	[tilespmem:s10+$0x8180] =	vst v7;
	v5 =	vadd.f32 v6, v5;
	v2 =	vld [tilespmem:s19+$0x0]  }
0xa7: {  	_ = 	snop  }
0xa8: {  	v1 =	vadd.f32 v3, v1  }
0xa9: {  	[tilespmem:s10+$0x8200] =	vst v5  }
0xaa: {  	[tilespmem:s10+$0x8280] =	vst v1  }
0xab: {  	v1 =	vld [tilespmem:s15+$0x0]  }
0xac: {  	v3 =	vld [tilespmem:s15+$0x10000];
	_ =	sdelay $0x2  }
0xad: {  	v6 =	vld [tilespmem:s11+$0x10000];
	v0 =	vadd.f32 v4, v0  }
0xae: {  	v5 =	vld [tilespmem:s19+$0x10000]  }
0xaf: {  	v4 =	vld [tilespmem:s11+$0x0];
	[tilespmem:s17+$0x8000] =	vst v0;
	v0 =	vadd.f32 v3, v1  }
0xb0: {  	v1 =	vld [tilespmem:s16+$0x0]  }
0xb1: {  	v3 =	vld [tilespmem:s16+$0x10000];
	[tilespmem:s15+$0x8000] =	vst v0  }
0xb2: {  	v0 =	vld [tilespmem:s2+$0x0]  }
0xb3: {  	v7 =	vld [tilespmem:s2+$0x10000];
	_ =	sdelay $0x1  }
0xb4: {  	v2 =	vadd.f32 v5, v2  }
0xb5: {  	v4 =	vadd.f32 v6, v4  }
0xb6: {  	[tilespmem:s19+$0x8000] =	vst v2;
	s19 =	sshll.u32 s31, $0x4;
	v1 =	vadd.f32 v3, v1  }
0xb7: {  	s3 =	sor.u32 s12, s19;
	[tilespmem:s11+$0x8000] =	vst v4;
	v0 =	vadd.f32 v7, v0  }
0xb8: {  	s10 =	sadd.s32 s6, s19;
	s3 =	sshll.u32 s3, $0x8;
	[tilespmem:s16+$0x8000] =	vst v1  }
0xb9: {  	s9 =	sadd.s32 s1, s3;
	[tilespmem:s2+$0x8000] =	vst v0;
	s2 =	sshll.u32 s10, $0x8  }
0xba: {  	[tilespmem:s5], [sflag:$0x1] =	stream.linear.gather [hbm4b:s9+s5], $0x4000, $0x38;
	[tilespmem:$0x18000] =	vst v63  }
0xbb: {  	s2 =	sadd.s32 s4, s2  }
0xbc: {  	[hbm4b:s2+s5] =	stream.linear.scatter [tilespmem:s13], [sflag:$0x3], $0x4000, $0x38;
	[tilespmem:$0x18000] =	vst v63  }
0xbd: {  	_ =	swait.ge [sflag:s24], $0x4000  }
0xbe: {  	[sflag:s24] =	ssyncset.done $0x0  }
0xbf: {  	s2 =	simm.s32 @!p0 $0x4;
	[sflag:s24] =	ssyncadd.s32 $0xFFFFC000  }
0xc0: {  	s8 =	simm.s32 $0x0;
	s9 =	simm.s32 $0x0;
	_ =	swait.ge @!p0 [sflag:s2], $0x4000  }
0xc1: {  	s8 =	sand.u32 $0x60, s8;
	s11 =	sand.u32 $0x3C00, s9;
	[sflag:s2] =	ssyncset.done @!p0 $0x0  }
0xc2: {  	s8 =	sor.u32 s8, s11;
	[sflag:s2] =	ssyncadd.s32 @!p0 $0xFFFFC000  }
0xc3: {  	v0 =	vld [tilespmem:s8+$0x4010]  }
0xc4: {  	v1 =	vld [tilespmem:s8+$0x10010]  }
0xc5: {  	v2 =	vld [tilespmem:s8+$0x4090]  }
0xc6: {  	v3 =	vld [tilespmem:s8+$0x10090]  }
0xc7: {  	v4 =	vld [tilespmem:s8+$0x4110]  }
0xc8: {  	v5 =	vld [tilespmem:s8+$0x10110]  }
0xc9: {  	v6 =	vld [tilespmem:s8+$0x4190]  }
0xca: {  	v7 =	vld [tilespmem:s8+$0x10190]  }
0xcb: {  	v8 =	vld [tilespmem:s8+$0x4210]  }
0xcc: {  	v9 =	vld [tilespmem:s8+$0x10210]  }
0xcd: {  	s14 =	sand.u32 $0x3, s9;
	v10 =	vld [tilespmem:s8+$0x4290]  }
0xce: {  	s2 =	sshll.u32 s14, $0x5;
	v59 =	vld [tilespmem:s8+$0x4180]  }
0xcf: {  	s20 =	simm.s32 $0x100;
	s17 =	sadd.s32 $0x0, s2;
	v60 =	vld [tilespmem:s8+$0x10180]  }
0xd0: {  	s18 =	simm.s32 $0x20;
	s9 =	sand.u32 $0x3C00, s20;
	v61 =	vld [tilespmem:s8+$0x4200];
	s2 =	sadd.s32 $0x10, s17  }
0xd1: {  	v11 =	vld [tilespmem:s8+$0x10200];
	s15 =	sor.u32 $0x300, s2;
	s16 =	sor.u32 $0x380, s2;
	s2 =	sand.u32 $0x60, s18  }
0xd2: {  	v12 =	vld [tilespmem:s8+$0x10280];
	s2 =	sor.u32 s2, s9  }
0xd3: {  	v14 =	vld [tilespmem:s2+$0x4010]  }
0xd4: {  	v15 =	vld [tilespmem:s2+$0x10010]  }
0xd5: {  	v16 =	vld [tilespmem:s2+$0x4090]  }
0xd6: {  	v17 =	vld [tilespmem:s2+$0x10090]  }
0xd7: {  	v18 =	vld [tilespmem:s2+$0x4110]  }
0xd8: {  	v19 =	vld [tilespmem:s2+$0x10110]  }
0xd9: {  	v20 =	vld [tilespmem:s2+$0x4190]  }
0xda: {  	v21 =	vld [tilespmem:s2+$0x10190]  }
0xdb: {  	v22 =	vld [tilespmem:s2+$0x4210]  }
0xdc: {  	v23 =	vld [tilespmem:s2+$0x10210]  }
0xdd: {  	v24 =	vld [tilespmem:s2+$0x4290]  }
0xde: {  	v62 =	vld [tilespmem:s2+$0x10290]  }
0xdf: {  	v25 =	vld [tilespmem:s2+$0x4000]  }
0xe0: {  	v63 =	vld [tilespmem:s2+$0x10000];
	v0 =	vadd.f32 v1, v0  }
0xe1: {  	v29 =	vld [tilespmem:s2+$0x4080];
	v2 =	vadd.f32 v3, v2  }
0xe2: {  	v31 =	vld [tilespmem:s2+$0x10080];
	[tilespmem:s8+$0xC010] =	vst v0;
	v0 =	vadd.f32 v5, v4  }
0xe3: {  	v1 =	vld [tilespmem:s8+$0x10290];
	[tilespmem:s8+$0xC090] =	vst v2;
	v2 =	vadd.f32 v7, v6  }
0xe4: {  	v33 =	vld [tilespmem:s2+$0x4100];
	[tilespmem:s8+$0xC110] =	vst v0;
	v0 =	vadd.f32 v9, v8  }
0xe5: {  	v3 =	vld [tilespmem:s8+$0x4000];
	[tilespmem:s8+$0xC190] =	vst v2;
	v14 =	vadd.f32 v15, v14  }
0xe6: {  	v4 =	vld [tilespmem:s8+$0x10000];
	v16 =	vadd.f32 v17, v16;
	[tilespmem:s8+$0xC210] =	vst v0  }
0xe7: {  	v5 =	vld [tilespmem:s8+$0x4080];
	v28 =	vadd.f32 v19, v18;
	[tilespmem:s2+$0xC010] =	vst v14  }
0xe8: {  	s21 =	simm.s32 $0x1;
	v7 =	vld [tilespmem:s8+$0x10100];
	v1 =	vadd.f32 v1, v10;
	[tilespmem:s2+$0xC090] =	vst v16  }
0xe9: {  	s9 =	sand.u32 $0x3, s21;
	v2 =	vld [tilespmem:s8+$0x10080];
	v30 =	vadd.f32 v21, v20;
	[tilespmem:s2+$0xC110] =	vst v28  }
0xea: {  	s9 =	sshll.u32 s9, $0x5;
	v32 =	vadd.f32 v23, v22;
	v0 =	vld [tilespmem:s8+$0x4100];
	[tilespmem:s8+$0xC290] =	vst v1  }
0xeb: {  	s30 =	sadd.s32 $0x100, s9;
	v15 =	vadd.f32 v62, v24;
	[tilespmem:s2+$0xC190] =	vst v30;
	v1 =	vld [tilespmem:s15+$0x4000]  }
0xec: {  	s29 =	sadd.s32 $0x10, s30;
	[tilespmem:s2+$0xC210] =	vst v32;
	v6 =	vld [tilespmem:s15+$0x10000]  }
0xed: {  	v34 =	vld [tilespmem:s2+$0x10100];
	s20 =	sor.u32 $0x300, s29;
	[tilespmem:s2+$0xC290] =	vst v15;
	v3 =	vadd.f32 v4, v3  }
0xee: {  	v2 =	vadd.f32 v2, v5;
	v5 =	vld [tilespmem:s20+$0x4000]  }
0xef: {  	[tilespmem:s8+$0xC000] =	vst v3;
	v3 =	vld [tilespmem:s20+$0x10000]  }
0xf0: {  	v35 =	vld [tilespmem:s2+$0x4200];
	v0 =	vadd.f32 v7, v0  }
0xf1: {  	v4 =	vld [tilespmem:s2+$0x4180];
	v1 =	vadd.f32 v6, v1  }
0xf2: {  	v7 =	vld [tilespmem:s2+$0x10180];
	[tilespmem:s8+$0xC100] =	vst v0;
	v0 =	vadd.f32 v11, v61  }
0xf3: {  	v6 =	vld [tilespmem:s8+$0x4280];
	[tilespmem:s15+$0xC000] =	vst v1  }
0xf4: {  	v3 =	vadd.f32 v3, v5;
	[tilespmem:s8+$0xC200] =	vst v0;
	v0 =	vld [tilespmem:s2+$0x4280]  }
0xf5: {  	v1 =	vld [tilespmem:s16+$0x4000]  }
0xf6: {  	s21 =	sor.u32 $0x380, s29;
	v13 =	vld [tilespmem:s16+$0x10000];
	[tilespmem:s20+$0xC000] =	vst v3  }
0xf7: {  	s10 =	simm.s32 $0x200;
	s9 =	simm.s32 $0x40;
	[tilespmem:s8+$0xC080] =	vst v2;
	v2 =	vadd.f32 v60, v59;
	v36 =	vld [tilespmem:s21+$0x4000]  }
0xf8: {  	s18 =	sand.u32 $0x60, s9;
	s20 =	sand.u32 $0x3C00, s10;
	v55 =	vld [tilespmem:s21+$0x10000]  }
0xf9: {  	[tilespmem:s8+$0xC180] =	vst v2;
	s11 =	sor.u32 s18, s20;
	v2 =	vadd.f32 v12, v6;
	v6 =	vld [tilespmem:s2+$0x10200]  }
0xfa: {  	v37 =	vld [tilespmem:s11+$0x4010]  }
0xfb: {  	v38 =	vld [tilespmem:s11+$0x10010]  }
0xfc: {  	v39 =	vld [tilespmem:s11+$0x4090]  }
0xfd: {  	v40 =	vld [tilespmem:s11+$0x10090]  }
0xfe: {  	v41 =	vld [tilespmem:s11+$0x4110]  }
0xff: {  	v42 =	vld [tilespmem:s11+$0x10110]  }
0x100: {  	v43 =	vld [tilespmem:s11+$0x4190]  }
0x101: {  	v44 =	vld [tilespmem:s11+$0x10190]  }
0x102: {  	v45 =	vld [tilespmem:s11+$0x4210]  }
0x103: {  	v17 =	vadd.f32 v63, v25;
	v46 =	vld [tilespmem:s11+$0x10210]  }
0x104: {  	v59 =	vadd.f32 v34, v33;
	v47 =	vld [tilespmem:s11+$0x4290]  }
0x105: {  	[tilespmem:s2+$0xC000] =	vst v17;
	v48 =	vld [tilespmem:s11+$0x10290];
	v1 =	vadd.f32 v13, v1  }
0x106: {  	[tilespmem:s2+$0xC100] =	vst v59;
	v49 =	vld [tilespmem:s11+$0x4000]  }
0x107: {  	v50 =	vld [tilespmem:s11+$0x10000];
	[tilespmem:s16+$0xC000] =	vst v1;
	v1 =	vadd.f32 v31, v29  }
0x108: {  	v52 =	vld [tilespmem:s11+$0x4080];
	[tilespmem:s8+$0xC280] =	vst v2;
	v10 =	vadd.f32 v38, v37  }
0x109: {  	v53 =	vld [tilespmem:s11+$0x10080];
	[tilespmem:s2+$0xC080] =	vst v1;
	v1 =	vadd.f32 v40, v39  }
0x10a: {  	v56 =	vld [tilespmem:s11+$0x4100];
	s8 =	simm.s32 $0x2;
	v51 =	vadd.f32 v42, v41;
	[tilespmem:s11+$0xC010] =	vst v10  }
0x10b: {  	v58 =	vld [tilespmem:s11+$0x10100];
	s29 =	sand.u32 $0x3, s8;
	[tilespmem:s11+$0xC090] =	vst v1;
	v1 =	vadd.f32 v44, v43  }
0x10c: {  	s14 =	sor.u32 $0x300, s17;
	v2 =	vld [tilespmem:s2+$0x10280];
	s15 =	sshll.u32 s29, $0x5;
	v54 =	vadd.f32 v46, v45;
	[tilespmem:s11+$0xC110] =	vst v51  }
0x10d: {  	v5 =	vld [tilespmem:s14+$0x4000];
	s29 =	sadd.s32 $0x200, s15;
	[tilespmem:s11+$0xC190] =	vst v1;
	v1 =	vadd.f32 v48, v47  }
0x10e: {  	v4 =	vadd.f32 v7, v4;
	v3 =	vld [tilespmem:s14+$0x10000];
	s15 =	sadd.s32 $0x10, s29;
	[tilespmem:s11+$0xC210] =	vst v54  }
0x10f: {  	v60 =	vld [tilespmem:s11+$0x4180];
	v57 =	vadd.f32 v50, v49;
	s18 =	sor.u32 $0x300, s15;
	[tilespmem:s11+$0xC290] =	vst v1  }
0x110: {  	[tilespmem:s2+$0xC180] =	vst v4;
	v6 =	vadd.f32 v6, v35;
	v61 =	vld [tilespmem:s18+$0x4000]  }
0x111: {  	[tilespmem:s11+$0xC000] =	vst v57;
	v0 =	vadd.f32 v2, v0;
	v62 =	vld [tilespmem:s18+$0x10000]  }
0x112: {  	v7 =	vld [tilespmem:s11+$0x10180];
	[tilespmem:s2+$0xC200] =	vst v6;
	v1 =	vadd.f32 v53, v52  }
0x113: {  	v63 =	vld [tilespmem:s11+$0x4200];
	v3 =	vadd.f32 v3, v5;
	[tilespmem:s2+$0xC280] =	vst v0  }
0x114: {  	v2 =	vld [tilespmem:s11+$0x10200];
	[tilespmem:s11+$0xC080] =	vst v1;
	v1 =	vadd.f32 v58, v56  }
0x115: {  	v0 =	vadd.f32 v55, v36;
	[tilespmem:s14+$0xC000] =	vst v3;
	v3 =	vld [tilespmem:s11+$0x10280]  }
0x116: {  	s20 =	sor.u32 $0x300, s30;
	[tilespmem:s11+$0xC100] =	vst v1;
	v1 =	vld [tilespmem:s11+$0x4280];
	v4 =	vadd.f32 v62, v61  }
0x117: {  	v5 =	vadd.f32 v7, v60;
	[tilespmem:s21+$0xC000] =	vst v0;
	v0 =	vld [tilespmem:s20+$0x4000]  }
0x118: {  	s16 =	sor.u32 $0x380, s17;
	s21 =	sor.u32 $0x380, s15;
	[tilespmem:s18+$0xC000] =	vst v4;
	v4 =	vld [tilespmem:s20+$0x10000]  }
0x119: {  	s17 =	sor.u32 $0x380, s30;
	s2 =	sor.u32 $0x380, s29;
	[tilespmem:s11+$0xC180] =	vst v5;
	s15 =	sor.u32 $0x300, s29;
	v5 =	vadd.f32 v2, v63;
	v2 =	vld [tilespmem:s21+$0x4000]  }
.LBB2_5:
0x11a: {  	s9 =	sadd.s32 $0x20, s9;
	v6 =	vld [tilespmem:s21+$0x10000];
	s10 =	sadd.s32 $0x100, s10  }
0x11b: {  	s18 =	sand.u32 $0x60, s9;
	s29 =	sand.u32 $0x3C00, s10;
	p0 =	slt.u32 s9, $0x7E0;
	[tilespmem:s11+$0xC200] =	vst v5;
	v1 =	vadd.f32 v3, v1;
	v3 =	vld [tilespmem:s16+$0x4000]  }
0x11c: {  	s18 =	sor.u32 s18, s29;
	v5 =	vld [tilespmem:s16+$0x10000]  }
0x11d: {  	v7 =	vld [tilespmem:s18+$0x4010];
	[tilespmem:s11+$0xC280] =	vst v1;
	v0 =	vadd.f32 v4, v0;
	s11 =	smov.u32 s18  }
0x11e: {  	v1 =	vld [tilespmem:s11+$0x10010]  }
0x11f: {  	v4 =	vld [tilespmem:s11+$0x4090];
	v2 =	vadd.f32 v6, v2;
	[tilespmem:s20+$0xC000] =	vst v0;
	s20 =	smov.u32 s15  }
0x120: {  	v0 =	vld [tilespmem:s11+$0x10090]  }
0x121: {  	v6 =	vld [tilespmem:s11+$0x4110];
	[tilespmem:s21+$0xC000] =	vst v2;
	v2 =	vadd.f32 v5, v3  }
0x122: {  	v3 =	vld [tilespmem:s11+$0x10110]  }
0x123: {  	v5 =	vld [tilespmem:s11+$0x4190];
	[tilespmem:s16+$0xC000] =	vst v2;
	s16 =	smov.u32 s17;
	s17 =	smov.u32 s2  }
0x124: {  	v2 =	vld [tilespmem:s11+$0x10190]  }
0x125: {  	v8 =	vld [tilespmem:s11+$0x4210]  }
0x126: {  	v9 =	vld [tilespmem:s11+$0x10210]  }
0x127: {  	v10 =	vld [tilespmem:s11+$0x4290]  }
0x128: {  	v1 =	vadd.f32 v1, v7;
	v7 =	vld [tilespmem:s11+$0x10290]  }
0x129: {  	v0 =	vadd.f32 v0, v4;
	v11 =	vld [tilespmem:s11+$0x4000]  }
0x12a: {  	s8 =	sadd.s32 $0x1, s8;
	v4 =	vld [tilespmem:s11+$0x10000];
	[tilespmem:s11+$0xC010] =	vst v1;
	v1 =	vadd.f32 v3, v6  }
0x12b: {  	s2 =	sand.u32 $0x3, s8;
	v3 =	vld [tilespmem:s11+$0x4080];
	[tilespmem:s11+$0xC090] =	vst v0;
	v0 =	vadd.f32 v2, v5  }
0x12c: {  	s2 =	sshll.u32 s2, $0x5;
	v2 =	vld [tilespmem:s11+$0x10080];
	[tilespmem:s11+$0xC110] =	vst v1;
	v1 =	vadd.f32 v9, v8  }
0x12d: {  	s18 =	sadd.s32 s2, s10;
	v5 =	vld [tilespmem:s11+$0x4100];
	[tilespmem:s11+$0xC190] =	vst v0;
	v0 =	vadd.f32 v7, v10  }
0x12e: {  	s15 =	sor.u32 $0x300, s18;
	s2 =	sor.u32 $0x380, s18;
	s18 =	sadd.s32 $0x10, s18;
	v6 =	vld [tilespmem:s11+$0x10100];
	[tilespmem:s11+$0xC210] =	vst v1  }
0x12f: {  	s21 =	sor.u32 $0x300, s18;
	v1 =	vadd.f32 v4, v11;
	v4 =	vld [tilespmem:s11+$0x4180];
	[tilespmem:s11+$0xC290] =	vst v0  }
0x130: {  	v0 =	vld [tilespmem:s21+$0x4000]  }
0x131: {  	[tilespmem:s11+$0xC000] =	vst v1;
	v1 =	vadd.f32 v2, v3;
	v2 =	vld [tilespmem:s21+$0x10000]  }
0x132: {  	v7 =	vld [tilespmem:s11+$0x10180]  }
0x133: {  	[tilespmem:s11+$0xC080] =	vst v1;
	v1 =	vadd.f32 v6, v5;
	v5 =	vld [tilespmem:s11+$0x4200]  }
0x134: {  	v6 =	vld [tilespmem:s11+$0x10200]  }
.Ltmp3:
0x135: {  	[tilespmem:s11+$0xC100] =	vst v1;
	v1 =	vld [tilespmem:s11+$0x4280];
	(pc) =	sbr.rel @p0 .LBB2_5-.Ltmp3, $4  }
0x136: {  	v3 =	vld [tilespmem:s11+$0x10280];
	v2 =	vadd.f32 v2, v0  }
0x137: {  	v7 =	vadd.f32 v7, v4;
	v0 =	vld [tilespmem:s20+$0x4000]  }
0x138: {  	[tilespmem:s21+$0xC000] =	vst v2;
	s21 =	sor.u32 $0x380, s18;
	v4 =	vld [tilespmem:s20+$0x10000]  }
0x139: {  	[tilespmem:s11+$0xC180] =	vst v7;
	v5 =	vadd.f32 v6, v5;
	v2 =	vld [tilespmem:s21+$0x4000]  }
0x13a: {  	_ = 	snop  }
0x13b: {  	v1 =	vadd.f32 v3, v1  }
0x13c: {  	[tilespmem:s11+$0xC200] =	vst v5  }
0x13d: {  	[tilespmem:s11+$0xC280] =	vst v1  }
0x13e: {  	v1 =	vld [tilespmem:s15+$0x4000]  }
0x13f: {  	v3 =	vld [tilespmem:s15+$0x10000];
	_ =	sdelay $0x2  }
0x140: {  	v6 =	vld [tilespmem:s16+$0x10000];
	v0 =	vadd.f32 v4, v0  }
0x141: {  	v5 =	vld [tilespmem:s21+$0x10000]  }
0x142: {  	v4 =	vld [tilespmem:s16+$0x4000];
	[tilespmem:s20+$0xC000] =	vst v0;
	v0 =	vadd.f32 v3, v1  }
0x143: {  	v1 =	vld [tilespmem:s17+$0x4000]  }
0x144: {  	v3 =	vld [tilespmem:s17+$0x10000];
	[tilespmem:s15+$0xC000] =	vst v0  }
0x145: {  	v0 =	vld [tilespmem:s2+$0x4000]  }
0x146: {  	v2 =	vadd.f32 v5, v2;
	v7 =	vld [tilespmem:s2+$0x10000]  }
0x147: {  	v4 =	vadd.f32 v6, v4  }
0x148: {  	[tilespmem:s21+$0xC000] =	vst v2  }
0x149: {  	[tilespmem:s16+$0xC000] =	vst v4  }
0x14a: {  	s8 =	rddreg [dreg:$0x8];
	v1 =	vadd.f32 v3, v1  }
0x14b: {  	s8 =	sor.u32 s8, s19;
	v0 =	vadd.f32 v7, v0  }
0x14c: {  	s10 =	simm.s32 $0x0;
	s15 =	sadd.s32 s7, s19;
	s9 =	sshll.u32 s8, $0x8;
	[tilespmem:s17+$0xC000] =	vst v1  }
0x14d: {  	s14 =	simm.s32 $0x4000;
	s11 =	sadd.s32 s1, s9;
	[tilespmem:s2+$0xC000] =	vst v0;
	s2 =	sshll.u32 s15, $0x8  }
0x14e: {  	[tilespmem:s14], [sflag:$0x2] =	stream.linear.gather [hbm4b:s11+s10], $0x4000, $0x38;
	[tilespmem:$0x18000] =	vst v63  }
0x14f: {  	s2 =	sadd.s32 s4, s2  }
0x150: {  	[hbm4b:s2+s10] =	stream.linear.scatter [tilespmem:s25], [sflag:$0x4], $0x4000, $0x38;
	[tilespmem:$0x18000] =	vst v63  }
0x151: {  	_ =	swait.ge [sflag:s22], $0x4000  }
0x152: {  	[sflag:s22] =	ssyncset.done $0x0  }
0x153: {  	[sflag:s22] =	ssyncadd.s32 $0xFFFFC000  }
0x154: {  	s16 =	simm.s32 $0x0;
	_ =	swait.ge [sflag:s26], $0x4000  }
0x155: {  	s17 =	sand.u32 $0x3C00, s10;
	s2 =	sand.u32 $0x60, s16;
	[sflag:s26] =	ssyncset.done $0x0  }
0x156: {  	s8 =	sor.u32 s2, s17;
	[sflag:s26] =	ssyncadd.s32 $0xFFFFC000  }
0x157: {  	v0 =	vld [tilespmem:s8+$0x10]  }
0x158: {  	v1 =	vld [tilespmem:s8+$0x10010]  }
0x159: {  	v2 =	vld [tilespmem:s8+$0x90]  }
0x15a: {  	v3 =	vld [tilespmem:s8+$0x10090]  }
0x15b: {  	v4 =	vld [tilespmem:s8+$0x110]  }
0x15c: {  	v5 =	vld [tilespmem:s8+$0x10110]  }
0x15d: {  	v6 =	vld [tilespmem:s8+$0x190]  }
0x15e: {  	v7 =	vld [tilespmem:s8+$0x10190]  }
0x15f: {  	v8 =	vld [tilespmem:s8+$0x210]  }
0x160: {  	v9 =	vld [tilespmem:s8+$0x10210]  }
0x161: {  	s18 =	sand.u32 $0x3, s10;
	v10 =	vld [tilespmem:s8+$0x290]  }
0x162: {  	s2 =	sshll.u32 s18, $0x5;
	v59 =	vld [tilespmem:s8+$0x180]  }
0x163: {  	s29 =	simm.s32 $0x100;
	s30 =	sadd.s32 $0x0, s2;
	v60 =	vld [tilespmem:s8+$0x10180]  }
0x164: {  	s21 =	simm.s32 $0x20;
	s10 =	sand.u32 $0x3C00, s29;
	s2 =	sadd.s32 $0x10, s30;
	v61 =	vld [tilespmem:s8+$0x200]  }
0x165: {  	s20 =	sor.u32 $0x300, s2;
	s15 =	sor.u32 $0x380, s2;
	s2 =	sand.u32 $0x60, s21;
	v11 =	vld [tilespmem:s8+$0x10200]  }
0x166: {  	s2 =	sor.u32 s2, s10;
	v12 =	vld [tilespmem:s8+$0x10280]  }
0x167: {  	v14 =	vld [tilespmem:s2+$0x10]  }
0x168: {  	v15 =	vld [tilespmem:s2+$0x10010]  }
0x169: {  	v16 =	vld [tilespmem:s2+$0x90]  }
0x16a: {  	v17 =	vld [tilespmem:s2+$0x10090]  }
0x16b: {  	v18 =	vld [tilespmem:s2+$0x110]  }
0x16c: {  	v19 =	vld [tilespmem:s2+$0x10110]  }
0x16d: {  	v20 =	vld [tilespmem:s2+$0x190]  }
0x16e: {  	v21 =	vld [tilespmem:s2+$0x10190]  }
0x16f: {  	v22 =	vld [tilespmem:s2+$0x210]  }
0x170: {  	v23 =	vld [tilespmem:s2+$0x10210]  }
0x171: {  	v24 =	vld [tilespmem:s2+$0x290]  }
0x172: {  	v62 =	vld [tilespmem:s2+$0x10290]  }
0x173: {  	v25 =	vld [tilespmem:s2+$0x0]  }
0x174: {  	v63 =	vld [tilespmem:s2+$0x10000];
	v0 =	vadd.f32 v1, v0  }
0x175: {  	v29 =	vld [tilespmem:s2+$0x80];
	v2 =	vadd.f32 v3, v2  }
0x176: {  	v31 =	vld [tilespmem:s2+$0x10080];
	v14 =	vadd.f32 v15, v14;
	[tilespmem:s8+$0x8010] =	vst v0  }
0x177: {  	v1 =	vld [tilespmem:s8+$0x10290];
	v16 =	vadd.f32 v17, v16;
	[tilespmem:s8+$0x8090] =	vst v2  }
0x178: {  	v33 =	vld [tilespmem:s2+$0x100];
	v28 =	vadd.f32 v19, v18;
	[tilespmem:s2+$0x8010] =	vst v14  }
0x179: {  	v3 =	vld [tilespmem:s8+$0x0];
	v0 =	vadd.f32 v5, v4;
	[tilespmem:s2+$0x8090] =	vst v16  }
0x17a: {  	v2 =	vadd.f32 v7, v6;
	v4 =	vld [tilespmem:s8+$0x10000];
	[tilespmem:s2+$0x8110] =	vst v28  }
0x17b: {  	v5 =	vld [tilespmem:s8+$0x80];
	[tilespmem:s8+$0x8110] =	vst v0;
	v0 =	vadd.f32 v9, v8  }
0x17c: {  	s11 =	simm.s32 $0x1;
	v7 =	vld [tilespmem:s8+$0x10100];
	[tilespmem:s8+$0x8190] =	vst v2;
	v1 =	vadd.f32 v1, v10  }
0x17d: {  	s10 =	sand.u32 $0x3, s11;
	v30 =	vadd.f32 v21, v20;
	v2 =	vld [tilespmem:s8+$0x10080];
	[tilespmem:s8+$0x8210] =	vst v0  }
0x17e: {  	s10 =	sshll.u32 s10, $0x5;
	v32 =	vadd.f32 v23, v22;
	v0 =	vld [tilespmem:s8+$0x100];
	[tilespmem:s8+$0x8290] =	vst v1  }
0x17f: {  	s16 =	sadd.s32 $0x100, s10;
	v15 =	vadd.f32 v62, v24;
	[tilespmem:s2+$0x8190] =	vst v30;
	v1 =	vld [tilespmem:s20+$0x0]  }
0x180: {  	s14 =	sadd.s32 $0x10, s16;
	[tilespmem:s2+$0x8210] =	vst v32;
	v6 =	vld [tilespmem:s20+$0x10000]  }
0x181: {  	v34 =	vld [tilespmem:s2+$0x10100];
	s18 =	sor.u32 $0x300, s14;
	[tilespmem:s2+$0x8290] =	vst v15;
	v3 =	vadd.f32 v4, v3  }
0x182: {  	v2 =	vadd.f32 v2, v5;
	v5 =	vld [tilespmem:s18+$0x0]  }
0x183: {  	[tilespmem:s8+$0x8000] =	vst v3;
	v3 =	vld [tilespmem:s18+$0x10000]  }
0x184: {  	v35 =	vld [tilespmem:s2+$0x200];
	v0 =	vadd.f32 v7, v0  }
0x185: {  	v4 =	vld [tilespmem:s2+$0x180];
	v1 =	vadd.f32 v6, v1  }
0x186: {  	v7 =	vld [tilespmem:s2+$0x10180];
	[tilespmem:s8+$0x8100] =	vst v0;
	v0 =	vadd.f32 v11, v61  }
0x187: {  	v6 =	vld [tilespmem:s8+$0x280];
	[tilespmem:s20+$0x8000] =	vst v1  }
0x188: {  	v3 =	vadd.f32 v3, v5;
	[tilespmem:s8+$0x8200] =	vst v0;
	v0 =	vld [tilespmem:s2+$0x280]  }
0x189: {  	v1 =	vld [tilespmem:s15+$0x0]  }
0x18a: {  	s21 =	sor.u32 $0x380, s14;
	v13 =	vld [tilespmem:s15+$0x10000];
	[tilespmem:s18+$0x8000] =	vst v3  }
0x18b: {  	s11 =	simm.s32 $0x200;
	s10 =	simm.s32 $0x40;
	[tilespmem:s8+$0x8080] =	vst v2;
	v2 =	vadd.f32 v60, v59;
	v36 =	vld [tilespmem:s21+$0x0]  }
0x18c: {  	s17 =	sand.u32 $0x60, s10;
	s18 =	sand.u32 $0x3C00, s11;
	v55 =	vld [tilespmem:s21+$0x10000]  }
0x18d: {  	[tilespmem:s8+$0x8180] =	vst v2;
	s17 =	sor.u32 s17, s18;
	v2 =	vadd.f32 v12, v6;
	v6 =	vld [tilespmem:s2+$0x10200]  }
0x18e: {  	v37 =	vld [tilespmem:s17+$0x10]  }
0x18f: {  	v38 =	vld [tilespmem:s17+$0x10010]  }
0x190: {  	v39 =	vld [tilespmem:s17+$0x90]  }
0x191: {  	v40 =	vld [tilespmem:s17+$0x10090]  }
0x192: {  	v41 =	vld [tilespmem:s17+$0x110]  }
0x193: {  	v42 =	vld [tilespmem:s17+$0x10110]  }
0x194: {  	v43 =	vld [tilespmem:s17+$0x190]  }
0x195: {  	v44 =	vld [tilespmem:s17+$0x10190]  }
0x196: {  	v45 =	vld [tilespmem:s17+$0x210]  }
0x197: {  	v17 =	vadd.f32 v63, v25;
	v46 =	vld [tilespmem:s17+$0x10210]  }
0x198: {  	v59 =	vadd.f32 v34, v33;
	v47 =	vld [tilespmem:s17+$0x290]  }
0x199: {  	[tilespmem:s2+$0x8000] =	vst v17;
	v48 =	vld [tilespmem:s17+$0x10290];
	v1 =	vadd.f32 v13, v1  }
0x19a: {  	[tilespmem:s2+$0x8100] =	vst v59;
	v49 =	vld [tilespmem:s17+$0x0]  }
0x19b: {  	v50 =	vld [tilespmem:s17+$0x10000];
	[tilespmem:s15+$0x8000] =	vst v1;
	v1 =	vadd.f32 v31, v29  }
0x19c: {  	v52 =	vld [tilespmem:s17+$0x80];
	[tilespmem:s8+$0x8280] =	vst v2;
	v10 =	vadd.f32 v38, v37  }
0x19d: {  	v53 =	vld [tilespmem:s17+$0x10080];
	[tilespmem:s2+$0x8080] =	vst v1;
	v1 =	vadd.f32 v40, v39  }
0x19e: {  	v56 =	vld [tilespmem:s17+$0x100];
	s8 =	simm.s32 $0x2;
	v51 =	vadd.f32 v42, v41;
	[tilespmem:s17+$0x8010] =	vst v10  }
0x19f: {  	v58 =	vld [tilespmem:s17+$0x10100];
	s29 =	sand.u32 $0x3, s8;
	[tilespmem:s17+$0x8090] =	vst v1;
	v1 =	vadd.f32 v44, v43  }
0x1a0: {  	s20 =	sor.u32 $0x300, s30;
	v2 =	vld [tilespmem:s2+$0x10280];
	v54 =	vadd.f32 v46, v45;
	s15 =	sshll.u32 s29, $0x5;
	[tilespmem:s17+$0x8110] =	vst v51  }
0x1a1: {  	v5 =	vld [tilespmem:s20+$0x0];
	s15 =	sadd.s32 $0x200, s15;
	[tilespmem:s17+$0x8190] =	vst v1;
	v1 =	vadd.f32 v48, v47  }
0x1a2: {  	v4 =	vadd.f32 v7, v4;
	v3 =	vld [tilespmem:s20+$0x10000];
	[tilespmem:s17+$0x8210] =	vst v54;
	s14 =	sadd.s32 $0x10, s15  }
0x1a3: {  	v60 =	vld [tilespmem:s17+$0x180];
	v57 =	vadd.f32 v50, v49;
	s29 =	sor.u32 $0x300, s14;
	[tilespmem:s17+$0x8290] =	vst v1  }
0x1a4: {  	[tilespmem:s2+$0x8180] =	vst v4;
	v6 =	vadd.f32 v6, v35;
	v61 =	vld [tilespmem:s29+$0x0]  }
0x1a5: {  	[tilespmem:s17+$0x8000] =	vst v57;
	v0 =	vadd.f32 v2, v0;
	v62 =	vld [tilespmem:s29+$0x10000]  }
0x1a6: {  	v7 =	vld [tilespmem:s17+$0x10180];
	[tilespmem:s2+$0x8200] =	vst v6;
	v1 =	vadd.f32 v53, v52  }
0x1a7: {  	v63 =	vld [tilespmem:s17+$0x200];
	v3 =	vadd.f32 v3, v5;
	[tilespmem:s2+$0x8280] =	vst v0  }
0x1a8: {  	v2 =	vld [tilespmem:s17+$0x10200];
	[tilespmem:s17+$0x8080] =	vst v1;
	v1 =	vadd.f32 v58, v56  }
0x1a9: {  	v0 =	vadd.f32 v55, v36;
	[tilespmem:s20+$0x8000] =	vst v3;
	v3 =	vld [tilespmem:s17+$0x10280]  }
0x1aa: {  	s2 =	sor.u32 $0x300, s16;
	[tilespmem:s17+$0x8100] =	vst v1;
	v1 =	vld [tilespmem:s17+$0x280];
	v4 =	vadd.f32 v62, v61  }
0x1ab: {  	v5 =	vadd.f32 v7, v60;
	[tilespmem:s21+$0x8000] =	vst v0;
	v0 =	vld [tilespmem:s2+$0x0]  }
0x1ac: {  	s16 =	sor.u32 $0x380, s16;
	s21 =	sor.u32 $0x380, s14;
	[tilespmem:s29+$0x8000] =	vst v4;
	v4 =	vld [tilespmem:s2+$0x10000]  }
0x1ad: {  	s20 =	sor.u32 $0x380, s30;
	s30 =	sor.u32 $0x300, s15;
	s15 =	sor.u32 $0x380, s15;
	[tilespmem:s17+$0x8180] =	vst v5;
	v5 =	vadd.f32 v2, v63;
	v2 =	vld [tilespmem:s21+$0x0]  }
.LBB2_7:
0x1ae: {  	s10 =	sadd.s32 $0x20, s10;
	v6 =	vld [tilespmem:s21+$0x10000];
	s11 =	sadd.s32 $0x100, s11  }
0x1af: {  	s18 =	sand.u32 $0x60, s10;
	s29 =	sand.u32 $0x3C00, s11;
	p0 =	slt.u32 s10, $0x7E0;
	[tilespmem:s17+$0x8200] =	vst v5;
	v1 =	vadd.f32 v3, v1;
	v3 =	vld [tilespmem:s20+$0x0]  }
0x1b0: {  	s18 =	sor.u32 s18, s29;
	v5 =	vld [tilespmem:s20+$0x10000]  }
0x1b1: {  	v7 =	vld [tilespmem:s18+$0x10];
	[tilespmem:s17+$0x8280] =	vst v1;
	v0 =	vadd.f32 v4, v0;
	s17 =	smov.u32 s18  }
0x1b2: {  	v1 =	vld [tilespmem:s17+$0x10010]  }
0x1b3: {  	v4 =	vld [tilespmem:s17+$0x90];
	v2 =	vadd.f32 v6, v2;
	[tilespmem:s2+$0x8000] =	vst v0;
	s2 =	smov.u32 s30  }
0x1b4: {  	v0 =	vld [tilespmem:s17+$0x10090]  }
0x1b5: {  	v6 =	vld [tilespmem:s17+$0x110];
	[tilespmem:s21+$0x8000] =	vst v2;
	v2 =	vadd.f32 v5, v3  }
0x1b6: {  	v3 =	vld [tilespmem:s17+$0x10110]  }
0x1b7: {  	v5 =	vld [tilespmem:s17+$0x190];
	[tilespmem:s20+$0x8000] =	vst v2;
	s20 =	smov.u32 s16;
	s16 =	smov.u32 s15  }
0x1b8: {  	v2 =	vld [tilespmem:s17+$0x10190]  }
0x1b9: {  	v8 =	vld [tilespmem:s17+$0x210]  }
0x1ba: {  	v9 =	vld [tilespmem:s17+$0x10210]  }
0x1bb: {  	v10 =	vld [tilespmem:s17+$0x290]  }
0x1bc: {  	v1 =	vadd.f32 v1, v7;
	v7 =	vld [tilespmem:s17+$0x10290]  }
0x1bd: {  	v0 =	vadd.f32 v0, v4;
	v11 =	vld [tilespmem:s17+$0x0]  }
0x1be: {  	s8 =	sadd.s32 $0x1, s8;
	v4 =	vld [tilespmem:s17+$0x10000];
	[tilespmem:s17+$0x8010] =	vst v1;
	v1 =	vadd.f32 v3, v6  }
0x1bf: {  	s15 =	sand.u32 $0x3, s8;
	v3 =	vld [tilespmem:s17+$0x80];
	[tilespmem:s17+$0x8090] =	vst v0;
	v0 =	vadd.f32 v2, v5  }
0x1c0: {  	s15 =	sshll.u32 s15, $0x5;
	v2 =	vld [tilespmem:s17+$0x10080];
	[tilespmem:s17+$0x8110] =	vst v1;
	v1 =	vadd.f32 v9, v8  }
0x1c1: {  	s18 =	sadd.s32 s15, s11;
	v5 =	vld [tilespmem:s17+$0x100];
	[tilespmem:s17+$0x8190] =	vst v0;
	v0 =	vadd.f32 v7, v10  }
0x1c2: {  	s30 =	sor.u32 $0x300, s18;
	s15 =	sor.u32 $0x380, s18;
	s18 =	sadd.s32 $0x10, s18;
	v6 =	vld [tilespmem:s17+$0x10100];
	[tilespmem:s17+$0x8210] =	vst v1  }
0x1c3: {  	s21 =	sor.u32 $0x300, s18;
	v1 =	vadd.f32 v4, v11;
	v4 =	vld [tilespmem:s17+$0x180];
	[tilespmem:s17+$0x8290] =	vst v0  }
0x1c4: {  	v0 =	vld [tilespmem:s21+$0x0]  }
0x1c5: {  	[tilespmem:s17+$0x8000] =	vst v1;
	v1 =	vadd.f32 v2, v3;
	v2 =	vld [tilespmem:s21+$0x10000]  }
0x1c6: {  	v7 =	vld [tilespmem:s17+$0x10180]  }
0x1c7: {  	[tilespmem:s17+$0x8080] =	vst v1;
	v1 =	vadd.f32 v6, v5;
	v5 =	vld [tilespmem:s17+$0x200]  }
0x1c8: {  	v6 =	vld [tilespmem:s17+$0x10200]  }
.Ltmp4:
0x1c9: {  	[tilespmem:s17+$0x8100] =	vst v1;
	v1 =	vld [tilespmem:s17+$0x280];
	(pc) =	sbr.rel @p0 .LBB2_7-.Ltmp4, $4  }
0x1ca: {  	v3 =	vld [tilespmem:s17+$0x10280];
	v2 =	vadd.f32 v2, v0  }
0x1cb: {  	v7 =	vadd.f32 v7, v4;
	v0 =	vld [tilespmem:s2+$0x0]  }
0x1cc: {  	[tilespmem:s21+$0x8000] =	vst v2;
	s21 =	sor.u32 $0x380, s18;
	v4 =	vld [tilespmem:s2+$0x10000]  }
0x1cd: {  	[tilespmem:s17+$0x8180] =	vst v7;
	v5 =	vadd.f32 v6, v5;
	v2 =	vld [tilespmem:s21+$0x0]  }
0x1ce: {  	_ = 	snop  }
0x1cf: {  	v1 =	vadd.f32 v3, v1  }
0x1d0: {  	[tilespmem:s17+$0x8200] =	vst v5  }
0x1d1: {  	[tilespmem:s17+$0x8280] =	vst v1  }
0x1d2: {  	v1 =	vld [tilespmem:s30+$0x0]  }
0x1d3: {  	v3 =	vld [tilespmem:s30+$0x10000];
	_ =	sdelay $0x2  }
0x1d4: {  	v6 =	vld [tilespmem:s20+$0x10000];
	v0 =	vadd.f32 v4, v0  }
0x1d5: {  	v5 =	vld [tilespmem:s21+$0x10000]  }
0x1d6: {  	v4 =	vld [tilespmem:s20+$0x0];
	[tilespmem:s2+$0x8000] =	vst v0;
	v0 =	vadd.f32 v3, v1  }
0x1d7: {  	v1 =	vld [tilespmem:s16+$0x0]  }
0x1d8: {  	v3 =	vld [tilespmem:s16+$0x10000];
	[tilespmem:s30+$0x8000] =	vst v0  }
0x1d9: {  	v0 =	vld [tilespmem:s15+$0x0]  }
0x1da: {  	v7 =	vld [tilespmem:s15+$0x10000];
	_ =	sdelay $0x1  }
0x1db: {  	v2 =	vadd.f32 v5, v2  }
0x1dc: {  	v4 =	vadd.f32 v6, v4  }
0x1dd: {  	s10 =	sor.u32 $0x8, s19;
	[tilespmem:s21+$0x8000] =	vst v2;
	v1 =	vadd.f32 v3, v1  }
0x1de: {  	[tilespmem:s20+$0x8000] =	vst v4;
	s20 =	sadd.s32 s6, s10;
	v0 =	vadd.f32 v7, v0  }
0x1df: {  	s2 =	sshll.u32 s20, $0x8;
	[tilespmem:s16+$0x8000] =	vst v1  }
0x1e0: {  	s8 =	simm.s32 $0x0;
	s2 =	sadd.s32 s1, s2;
	[tilespmem:s15+$0x8000] =	vst v0  }
0x1e1: {  	[tilespmem:s8], [sflag:$0x1] =	stream.linear.gather [hbm4b:s2+s8], $0x4000, $0x38;
	[tilespmem:$0x18000] =	vst v63  }
0x1e2: {  	s21 =	sadd.s32 s4, s3  }
0x1e3: {  	[hbm4b:s21+s8] =	stream.linear.scatter [tilespmem:s13], [sflag:$0x3], $0x4000, $0x38;
	[tilespmem:$0x18000] =	vst v63  }
0x1e4: {  	_ =	swait.ge [sflag:s24], $0x4000  }
0x1e5: {  	[sflag:s24] =	ssyncset.done $0x0  }
0x1e6: {  	[sflag:s24] =	ssyncadd.s32 $0xFFFFC000  }
0x1e7: {  	s29 =	simm.s32 $0x0;
	_ =	swait.ge [sflag:s28], $0x4000  }
0x1e8: {  	s30 =	sand.u32 $0x3C00, s8;
	s2 =	sand.u32 $0x60, s29;
	[sflag:s28] =	ssyncset.done $0x0  }
0x1e9: {  	s3 =	sor.u32 s2, s30;
	[sflag:s28] =	ssyncadd.s32 $0xFFFFC000  }
0x1ea: {  	v0 =	vld [tilespmem:s3+$0x4010]  }
0x1eb: {  	v1 =	vld [tilespmem:s3+$0x10010]  }
0x1ec: {  	v2 =	vld [tilespmem:s3+$0x4090]  }
0x1ed: {  	v3 =	vld [tilespmem:s3+$0x10090]  }
0x1ee: {  	v4 =	vld [tilespmem:s3+$0x4110]  }
0x1ef: {  	v5 =	vld [tilespmem:s3+$0x10110]  }
0x1f0: {  	v6 =	vld [tilespmem:s3+$0x4190]  }
0x1f1: {  	v7 =	vld [tilespmem:s3+$0x10190]  }
0x1f2: {  	v8 =	vld [tilespmem:s3+$0x4210]  }
0x1f3: {  	v9 =	vld [tilespmem:s3+$0x10210]  }
0x1f4: {  	s11 =	sand.u32 $0x3, s8;
	v10 =	vld [tilespmem:s3+$0x4290]  }
0x1f5: {  	s2 =	sshll.u32 s11, $0x5;
	v59 =	vld [tilespmem:s3+$0x4180]  }
0x1f6: {  	s11 =	simm.s32 $0x100;
	s19 =	sadd.s32 $0x0, s2;
	v60 =	vld [tilespmem:s3+$0x10180]  }
0x1f7: {  	s20 =	simm.s32 $0x20;
	s11 =	sand.u32 $0x3C00, s11;
	s2 =	sadd.s32 $0x10, s19;
	v61 =	vld [tilespmem:s3+$0x4200]  }
0x1f8: {  	s14 =	sor.u32 $0x300, s2;
	s15 =	sor.u32 $0x380, s2;
	s2 =	sand.u32 $0x60, s20;
	v11 =	vld [tilespmem:s3+$0x10200]  }
0x1f9: {  	s2 =	sor.u32 s2, s11;
	v12 =	vld [tilespmem:s3+$0x10280]  }
0x1fa: {  	v14 =	vld [tilespmem:s2+$0x4010]  }
0x1fb: {  	v15 =	vld [tilespmem:s2+$0x10010]  }
0x1fc: {  	v16 =	vld [tilespmem:s2+$0x4090]  }
0x1fd: {  	v17 =	vld [tilespmem:s2+$0x10090]  }
0x1fe: {  	v18 =	vld [tilespmem:s2+$0x4110]  }
0x1ff: {  	v19 =	vld [tilespmem:s2+$0x10110]  }
0x200: {  	v20 =	vld [tilespmem:s2+$0x4190]  }
0x201: {  	v21 =	vld [tilespmem:s2+$0x10190]  }
0x202: {  	v22 =	vld [tilespmem:s2+$0x4210]  }
0x203: {  	v23 =	vld [tilespmem:s2+$0x10210]  }
0x204: {  	v24 =	vld [tilespmem:s2+$0x4290]  }
0x205: {  	v62 =	vld [tilespmem:s2+$0x10290]  }
0x206: {  	v25 =	vld [tilespmem:s2+$0x4000]  }
0x207: {  	v63 =	vld [tilespmem:s2+$0x10000];
	v0 =	vadd.f32 v1, v0  }
0x208: {  	v29 =	vld [tilespmem:s2+$0x4080];
	v2 =	vadd.f32 v3, v2  }
0x209: {  	v31 =	vld [tilespmem:s2+$0x10080];
	v14 =	vadd.f32 v15, v14;
	[tilespmem:s3+$0xC010] =	vst v0  }
0x20a: {  	v1 =	vld [tilespmem:s3+$0x10290];
	v16 =	vadd.f32 v17, v16;
	[tilespmem:s3+$0xC090] =	vst v2  }
0x20b: {  	v33 =	vld [tilespmem:s2+$0x4100];
	v28 =	vadd.f32 v19, v18;
	[tilespmem:s2+$0xC010] =	vst v14  }
0x20c: {  	v3 =	vld [tilespmem:s3+$0x4000];
	v0 =	vadd.f32 v5, v4;
	[tilespmem:s2+$0xC090] =	vst v16  }
0x20d: {  	v2 =	vadd.f32 v7, v6;
	v4 =	vld [tilespmem:s3+$0x10000];
	[tilespmem:s2+$0xC110] =	vst v28  }
0x20e: {  	v5 =	vld [tilespmem:s3+$0x4080];
	[tilespmem:s3+$0xC110] =	vst v0;
	v0 =	vadd.f32 v9, v8  }
0x20f: {  	s21 =	simm.s32 $0x1;
	v7 =	vld [tilespmem:s3+$0x10100];
	[tilespmem:s3+$0xC190] =	vst v2;
	v1 =	vadd.f32 v1, v10  }
0x210: {  	s11 =	sand.u32 $0x3, s21;
	v30 =	vadd.f32 v21, v20;
	v2 =	vld [tilespmem:s3+$0x10080];
	[tilespmem:s3+$0xC210] =	vst v0  }
0x211: {  	s11 =	sshll.u32 s11, $0x5;
	v32 =	vadd.f32 v23, v22;
	v0 =	vld [tilespmem:s3+$0x4100];
	[tilespmem:s3+$0xC290] =	vst v1  }
0x212: {  	s20 =	sadd.s32 $0x100, s11;
	v15 =	vadd.f32 v62, v24;
	[tilespmem:s2+$0xC190] =	vst v30;
	v1 =	vld [tilespmem:s14+$0x4000]  }
0x213: {  	s29 =	sadd.s32 $0x10, s20;
	[tilespmem:s2+$0xC210] =	vst v32;
	v6 =	vld [tilespmem:s14+$0x10000]  }
0x214: {  	v34 =	vld [tilespmem:s2+$0x10100];
	s30 =	sor.u32 $0x300, s29;
	[tilespmem:s2+$0xC290] =	vst v15;
	v3 =	vadd.f32 v4, v3  }
0x215: {  	v2 =	vadd.f32 v2, v5;
	v5 =	vld [tilespmem:s30+$0x4000]  }
0x216: {  	[tilespmem:s3+$0xC000] =	vst v3;
	v3 =	vld [tilespmem:s30+$0x10000]  }
0x217: {  	v35 =	vld [tilespmem:s2+$0x4200];
	v0 =	vadd.f32 v7, v0  }
0x218: {  	v4 =	vld [tilespmem:s2+$0x4180];
	v1 =	vadd.f32 v6, v1  }
0x219: {  	v7 =	vld [tilespmem:s2+$0x10180];
	[tilespmem:s3+$0xC100] =	vst v0;
	v0 =	vadd.f32 v11, v61  }
0x21a: {  	v6 =	vld [tilespmem:s3+$0x4280];
	[tilespmem:s14+$0xC000] =	vst v1  }
0x21b: {  	v3 =	vadd.f32 v3, v5;
	[tilespmem:s3+$0xC200] =	vst v0;
	v0 =	vld [tilespmem:s2+$0x4280]  }
0x21c: {  	[tilespmem:s3+$0xC080] =	vst v2;
	v1 =	vld [tilespmem:s15+$0x4000]  }
0x21d: {  	s16 =	sor.u32 $0x380, s29;
	v2 =	vadd.f32 v60, v59;
	v13 =	vld [tilespmem:s15+$0x10000];
	[tilespmem:s30+$0xC000] =	vst v3  }
0x21e: {  	v36 =	vld [tilespmem:s16+$0x4000]  }
0x21f: {  	[tilespmem:s3+$0xC180] =	vst v2;
	v55 =	vld [tilespmem:s16+$0x10000];
	v2 =	vadd.f32 v12, v6  }
0x220: {  	v6 =	vld [tilespmem:s2+$0x10200]  }
0x221: {  	s11 =	simm.s32 $0x200;
	s14 =	sor.u32 $0x300, s19;
	[tilespmem:s3+$0xC280] =	vst v2;
	v2 =	vld [tilespmem:s2+$0x10280];
	s3 =	simm.s32 $0x40  }
0x222: {  	s18 =	sand.u32 $0x3C00, s11;
	v5 =	vld [tilespmem:s14+$0x4000];
	s21 =	sand.u32 $0x60, s3  }
0x223: {  	v3 =	vld [tilespmem:s14+$0x10000];
	s17 =	sor.u32 s21, s18  }
0x224: {  	v37 =	vld [tilespmem:s17+$0x4010]  }
0x225: {  	v38 =	vld [tilespmem:s17+$0x10010]  }
0x226: {  	v39 =	vld [tilespmem:s17+$0x4090]  }
0x227: {  	v40 =	vld [tilespmem:s17+$0x10090]  }
0x228: {  	v41 =	vld [tilespmem:s17+$0x4110]  }
0x229: {  	v42 =	vld [tilespmem:s17+$0x10110]  }
0x22a: {  	v43 =	vld [tilespmem:s17+$0x4190]  }
0x22b: {  	v17 =	vadd.f32 v63, v25;
	v44 =	vld [tilespmem:s17+$0x10190]  }
0x22c: {  	v1 =	vadd.f32 v13, v1;
	v45 =	vld [tilespmem:s17+$0x4210]  }
0x22d: {  	[tilespmem:s2+$0xC000] =	vst v17;
	v59 =	vadd.f32 v34, v33;
	v46 =	vld [tilespmem:s17+$0x10210]  }
0x22e: {  	v47 =	vld [tilespmem:s17+$0x4290];
	[tilespmem:s15+$0xC000] =	vst v1;
	v1 =	vadd.f32 v31, v29  }
0x22f: {  	[tilespmem:s2+$0xC100] =	vst v59;
	v48 =	vld [tilespmem:s17+$0x10290];
	v10 =	vadd.f32 v38, v37  }
0x230: {  	v49 =	vld [tilespmem:s17+$0x4000];
	[tilespmem:s2+$0xC080] =	vst v1;
	v1 =	vadd.f32 v40, v39  }
0x231: {  	s8 =	simm.s32 $0x2;
	v50 =	vld [tilespmem:s17+$0x10000];
	v51 =	vadd.f32 v42, v41;
	[tilespmem:s17+$0xC010] =	vst v10  }
0x232: {  	s29 =	sand.u32 $0x3, s8;
	v52 =	vld [tilespmem:s17+$0x4080];
	[tilespmem:s17+$0xC090] =	vst v1;
	v1 =	vadd.f32 v44, v43  }
0x233: {  	s18 =	sshll.u32 s29, $0x5;
	v53 =	vld [tilespmem:s17+$0x10080];
	v54 =	vadd.f32 v46, v45;
	[tilespmem:s17+$0xC110] =	vst v51  }
0x234: {  	s18 =	sadd.s32 $0x200, s18;
	v56 =	vld [tilespmem:s17+$0x4100];
	[tilespmem:s17+$0xC190] =	vst v1;
	v1 =	vadd.f32 v48, v47  }
0x235: {  	v4 =	vadd.f32 v7, v4;
	v58 =	vld [tilespmem:s17+$0x10100];
	s30 =	sadd.s32 $0x10, s18;
	[tilespmem:s17+$0xC210] =	vst v54  }
0x236: {  	v60 =	vld [tilespmem:s17+$0x4180];
	v6 =	vadd.f32 v6, v35;
	s29 =	sor.u32 $0x300, s30;
	[tilespmem:s17+$0xC290] =	vst v1  }
0x237: {  	[tilespmem:s2+$0xC180] =	vst v4;
	v0 =	vadd.f32 v2, v0;
	v61 =	vld [tilespmem:s29+$0x4000]  }
0x238: {  	[tilespmem:s2+$0xC200] =	vst v6;
	v3 =	vadd.f32 v3, v5;
	v62 =	vld [tilespmem:s29+$0x10000]  }
0x239: {  	v7 =	vld [tilespmem:s17+$0x10180];
	[tilespmem:s2+$0xC280] =	vst v0;
	v1 =	vadd.f32 v53, v52  }
0x23a: {  	v63 =	vld [tilespmem:s17+$0x4200];
	v0 =	vadd.f32 v55, v36;
	[tilespmem:s14+$0xC000] =	vst v3  }
0x23b: {  	v2 =	vld [tilespmem:s17+$0x10200];
	[tilespmem:s17+$0xC080] =	vst v1;
	v1 =	vadd.f32 v58, v56  }
0x23c: {  	v57 =	vadd.f32 v50, v49;
	v3 =	vld [tilespmem:s17+$0x10280];
	[tilespmem:s16+$0xC000] =	vst v0  }
0x23d: {  	s2 =	sor.u32 $0x300, s20;
	[tilespmem:s17+$0xC100] =	vst v1;
	v1 =	vld [tilespmem:s17+$0x4280];
	v4 =	vadd.f32 v62, v61  }
0x23e: {  	v5 =	vadd.f32 v7, v60;
	v0 =	vld [tilespmem:s2+$0x4000];
	[tilespmem:s17+$0xC000] =	vst v57  }
0x23f: {  	s15 =	sor.u32 $0x380, s18;
	s21 =	sor.u32 $0x380, s30;
	[tilespmem:s29+$0xC000] =	vst v4;
	v4 =	vld [tilespmem:s2+$0x10000]  }
0x240: {  	s16 =	sor.u32 $0x380, s19;
	s19 =	sor.u32 $0x380, s20;
	s20 =	sor.u32 $0x300, s18;
	[tilespmem:s17+$0xC180] =	vst v5;
	v5 =	vadd.f32 v2, v63;
	v2 =	vld [tilespmem:s21+$0x4000]  }
.LBB2_9:
0x241: {  	s3 =	sadd.s32 $0x20, s3;
	v6 =	vld [tilespmem:s21+$0x10000];
	s11 =	sadd.s32 $0x100, s11  }
0x242: {  	s18 =	sand.u32 $0x60, s3;
	s29 =	sand.u32 $0x3C00, s11;
	p0 =	slt.u32 s3, $0x7E0;
	[tilespmem:s17+$0xC200] =	vst v5;
	v1 =	vadd.f32 v3, v1;
	v3 =	vld [tilespmem:s16+$0x4000]  }
0x243: {  	s18 =	sor.u32 s18, s29;
	v5 =	vld [tilespmem:s16+$0x10000]  }
0x244: {  	v7 =	vld [tilespmem:s18+$0x4010];
	[tilespmem:s17+$0xC280] =	vst v1;
	v0 =	vadd.f32 v4, v0;
	s17 =	smov.u32 s18  }
0x245: {  	v1 =	vld [tilespmem:s17+$0x10010]  }
0x246: {  	v4 =	vld [tilespmem:s17+$0x4090];
	v2 =	vadd.f32 v6, v2;
	[tilespmem:s2+$0xC000] =	vst v0;
	s2 =	smov.u32 s20  }
0x247: {  	v0 =	vld [tilespmem:s17+$0x10090]  }
0x248: {  	v6 =	vld [tilespmem:s17+$0x4110];
	[tilespmem:s21+$0xC000] =	vst v2;
	v2 =	vadd.f32 v5, v3  }
0x249: {  	v3 =	vld [tilespmem:s17+$0x10110]  }
0x24a: {  	v5 =	vld [tilespmem:s17+$0x4190];
	[tilespmem:s16+$0xC000] =	vst v2;
	s16 =	smov.u32 s19;
	s19 =	smov.u32 s15  }
0x24b: {  	v2 =	vld [tilespmem:s17+$0x10190]  }
0x24c: {  	v8 =	vld [tilespmem:s17+$0x4210]  }
0x24d: {  	v9 =	vld [tilespmem:s17+$0x10210]  }
0x24e: {  	v10 =	vld [tilespmem:s17+$0x4290]  }
0x24f: {  	v1 =	vadd.f32 v1, v7;
	v7 =	vld [tilespmem:s17+$0x10290]  }
0x250: {  	v0 =	vadd.f32 v0, v4;
	v11 =	vld [tilespmem:s17+$0x4000]  }
0x251: {  	s8 =	sadd.s32 $0x1, s8;
	v4 =	vld [tilespmem:s17+$0x10000];
	[tilespmem:s17+$0xC010] =	vst v1;
	v1 =	vadd.f32 v3, v6  }
0x252: {  	s15 =	sand.u32 $0x3, s8;
	v3 =	vld [tilespmem:s17+$0x4080];
	[tilespmem:s17+$0xC090] =	vst v0;
	v0 =	vadd.f32 v2, v5  }
0x253: {  	s15 =	sshll.u32 s15, $0x5;
	v2 =	vld [tilespmem:s17+$0x10080];
	[tilespmem:s17+$0xC110] =	vst v1;
	v1 =	vadd.f32 v9, v8  }
0x254: {  	s18 =	sadd.s32 s15, s11;
	v5 =	vld [tilespmem:s17+$0x4100];
	[tilespmem:s17+$0xC190] =	vst v0;
	v0 =	vadd.f32 v7, v10  }
0x255: {  	s20 =	sor.u32 $0x300, s18;
	s15 =	sor.u32 $0x380, s18;
	s18 =	sadd.s32 $0x10, s18;
	v6 =	vld [tilespmem:s17+$0x10100];
	[tilespmem:s17+$0xC210] =	vst v1  }
0x256: {  	s21 =	sor.u32 $0x300, s18;
	v1 =	vadd.f32 v4, v11;
	v4 =	vld [tilespmem:s17+$0x4180];
	[tilespmem:s17+$0xC290] =	vst v0  }
0x257: {  	v0 =	vld [tilespmem:s21+$0x4000]  }
0x258: {  	[tilespmem:s17+$0xC000] =	vst v1;
	v1 =	vadd.f32 v2, v3;
	v2 =	vld [tilespmem:s21+$0x10000]  }
0x259: {  	v7 =	vld [tilespmem:s17+$0x10180]  }
0x25a: {  	[tilespmem:s17+$0xC080] =	vst v1;
	v1 =	vadd.f32 v6, v5;
	v5 =	vld [tilespmem:s17+$0x4200]  }
0x25b: {  	v6 =	vld [tilespmem:s17+$0x10200]  }
.Ltmp5:
0x25c: {  	[tilespmem:s17+$0xC100] =	vst v1;
	v1 =	vld [tilespmem:s17+$0x4280];
	(pc) =	sbr.rel @p0 .LBB2_9-.Ltmp5, $4  }
0x25d: {  	v3 =	vld [tilespmem:s17+$0x10280];
	v2 =	vadd.f32 v2, v0  }
0x25e: {  	v7 =	vadd.f32 v7, v4;
	v0 =	vld [tilespmem:s2+$0x4000]  }
0x25f: {  	[tilespmem:s21+$0xC000] =	vst v2;
	s21 =	sor.u32 $0x380, s18;
	v4 =	vld [tilespmem:s2+$0x10000]  }
0x260: {  	[tilespmem:s17+$0xC180] =	vst v7;
	v5 =	vadd.f32 v6, v5;
	v2 =	vld [tilespmem:s21+$0x4000]  }
0x261: {  	_ = 	snop  }
0x262: {  	v1 =	vadd.f32 v3, v1  }
0x263: {  	[tilespmem:s17+$0xC200] =	vst v5  }
0x264: {  	[tilespmem:s17+$0xC280] =	vst v1  }
0x265: {  	v1 =	vld [tilespmem:s20+$0x4000]  }
0x266: {  	v3 =	vld [tilespmem:s20+$0x10000];
	_ =	sdelay $0x2  }
0x267: {  	v6 =	vld [tilespmem:s16+$0x10000];
	v0 =	vadd.f32 v4, v0  }
0x268: {  	v5 =	vld [tilespmem:s21+$0x10000]  }
0x269: {  	v4 =	vld [tilespmem:s16+$0x4000];
	[tilespmem:s2+$0xC000] =	vst v0;
	v0 =	vadd.f32 v3, v1  }
0x26a: {  	v1 =	vld [tilespmem:s19+$0x4000]  }
0x26b: {  	v3 =	vld [tilespmem:s19+$0x10000];
	[tilespmem:s20+$0xC000] =	vst v0  }
0x26c: {  	v0 =	vld [tilespmem:s15+$0x4000]  }
0x26d: {  	v7 =	vld [tilespmem:s15+$0x10000];
	_ =	sdelay $0x1  }
0x26e: {  	v2 =	vadd.f32 v5, v2  }
0x26f: {  	v4 =	vadd.f32 v6, v4  }
0x270: {  	[tilespmem:s21+$0xC000] =	vst v2;
	v1 =	vadd.f32 v3, v1  }
0x271: {  	s17 =	sadd.s32 s7, s10;
	[tilespmem:s16+$0xC000] =	vst v4;
	v0 =	vadd.f32 v7, v0  }
0x272: {  	s2 =	sshll.u32 s17, $0x8;
	[tilespmem:s19+$0xC000] =	vst v1  }
0x273: {  	s3 =	simm.s32 $0x4000;
	s2 =	sadd.s32 s1, s2;
	[tilespmem:s15+$0xC000] =	vst v0  }
0x274: {  	[tilespmem:s3], [sflag:$0x2] =	stream.linear.gather [hbm4b:s2+s5], $0x4000, $0x38;
	[tilespmem:$0x18000] =	vst v63  }
0x275: {  	p0 =	seq.s32 s31, $0x7;
	s3 =	sadd.s32 $0x2, s0;
	s2 =	rddreg [dreg:$0xc]  }
0x276: {  	s18 =	sadd.s32 s4, s9;
	s2 =	sadd.s32 @!p0 s2, s3  }
0x277: {  	[hbm4b:s18+s5] =	stream.linear.scatter [tilespmem:s25], [sflag:$0x4], $0x4000, $0x38;
	[tilespmem:$0x18000] =	vst v63  }
0x278: {  	s2 =	sshll.u32 @!p0 s2, $0xB  }
0x279: {  	s8 =	rddreg [dreg:$0x1];
	s9 =	simm.s32 @!p0 $0x10000;
	s2 =	sand.u32 @!p0 $0x1FFFF000, s2  }
0x27a: {  	s19 =	simm.s32 $0x6;
	s2 =	sadd.s32 @!p0 s8, s2;
	s8 =	simm.s32 @!p0 $0x0  }
0x27b: {  	[tilespmem:s9], [sflag:$0x5] =	stream.linear.gather @!p0 [hbm4b:s2+s8], $0x4000, $0x38;
	[tilespmem:$0x18000] =	vst v63  }
0x27c: {  	_ =	swait.ge [sflag:s19], $0x4000  }
0x27d: {  	[sflag:s19] =	ssyncset.done $0x0  }
0x27e: {  	[sflag:s19] =	ssyncadd.s32 $0xFFFFC000  }
0x27f: {  	_ =	swait.ge [sflag:s22], $0x4000  }
0x280: {  	[sflag:s22] =	ssyncset.done $0x0  }
0x281: {  	[sflag:s22] =	ssyncadd.s32 $0xFFFFC000  }
0x282: {  	s21 =	simm.s32 $0x0;
	s20 =	simm.s32 $0x0;
	_ =	swait.ge [sflag:s26], $0x4000  }
0x283: {  	s25 =	sand.u32 $0x3C00, s20;
	s8 =	sand.u32 $0x60, s21;
	[sflag:s26] =	ssyncset.done $0x0  }
0x284: {  	s8 =	sor.u32 s8, s25;
	[sflag:s26] =	ssyncadd.s32 $0xFFFFC000  }
0x285: {  	v0 =	vld [tilespmem:s8+$0x10]  }
0x286: {  	v1 =	vld [tilespmem:s8+$0x14010]  }
0x287: {  	v2 =	vld [tilespmem:s8+$0x90]  }
0x288: {  	v3 =	vld [tilespmem:s8+$0x14090]  }
0x289: {  	v4 =	vld [tilespmem:s8+$0x110]  }
0x28a: {  	v5 =	vld [tilespmem:s8+$0x14110]  }
0x28b: {  	v6 =	vld [tilespmem:s8+$0x190]  }
0x28c: {  	v7 =	vld [tilespmem:s8+$0x14190]  }
0x28d: {  	v8 =	vld [tilespmem:s8+$0x210]  }
0x28e: {  	v9 =	vld [tilespmem:s8+$0x14210]  }
0x28f: {  	s2 =	sand.u32 $0x3, s20;
	v10 =	vld [tilespmem:s8+$0x290]  }
0x290: {  	s2 =	sshll.u32 s2, $0x5;
	v59 =	vld [tilespmem:s8+$0x180]  }
0x291: {  	s18 =	simm.s32 $0x100;
	s17 =	sadd.s32 $0x0, s2;
	v60 =	vld [tilespmem:s8+$0x14180]  }
0x292: {  	s16 =	simm.s32 $0x20;
	s9 =	sand.u32 $0x3C00, s18;
	s2 =	sadd.s32 $0x10, s17;
	v61 =	vld [tilespmem:s8+$0x200]  }
0x293: {  	s29 =	sor.u32 $0x300, s2;
	s30 =	sor.u32 $0x380, s2;
	s2 =	sand.u32 $0x60, s16;
	v11 =	vld [tilespmem:s8+$0x14200]  }
0x294: {  	s2 =	sor.u32 s2, s9;
	v12 =	vld [tilespmem:s8+$0x14280]  }
0x295: {  	v14 =	vld [tilespmem:s2+$0x10]  }
0x296: {  	v15 =	vld [tilespmem:s2+$0x14010]  }
0x297: {  	v16 =	vld [tilespmem:s2+$0x90]  }
0x298: {  	v17 =	vld [tilespmem:s2+$0x14090]  }
0x299: {  	v18 =	vld [tilespmem:s2+$0x110]  }
0x29a: {  	v19 =	vld [tilespmem:s2+$0x14110]  }
0x29b: {  	v20 =	vld [tilespmem:s2+$0x190]  }
0x29c: {  	v21 =	vld [tilespmem:s2+$0x14190]  }
0x29d: {  	v22 =	vld [tilespmem:s2+$0x210]  }
0x29e: {  	v23 =	vld [tilespmem:s2+$0x14210]  }
0x29f: {  	v24 =	vld [tilespmem:s2+$0x290]  }
0x2a0: {  	v62 =	vld [tilespmem:s2+$0x14290]  }
0x2a1: {  	v25 =	vld [tilespmem:s2+$0x0]  }
0x2a2: {  	v63 =	vld [tilespmem:s2+$0x14000];
	v0 =	vadd.f32 v1, v0  }
0x2a3: {  	v29 =	vld [tilespmem:s2+$0x80];
	v2 =	vadd.f32 v3, v2  }
0x2a4: {  	v31 =	vld [tilespmem:s2+$0x14080];
	v14 =	vadd.f32 v15, v14;
	[tilespmem:s8+$0x8010] =	vst v0  }
0x2a5: {  	v1 =	vld [tilespmem:s8+$0x14290];
	v16 =	vadd.f32 v17, v16;
	[tilespmem:s8+$0x8090] =	vst v2  }
0x2a6: {  	v33 =	vld [tilespmem:s2+$0x100];
	v28 =	vadd.f32 v19, v18;
	[tilespmem:s2+$0x8010] =	vst v14  }
0x2a7: {  	v3 =	vld [tilespmem:s8+$0x0];
	v0 =	vadd.f32 v5, v4;
	[tilespmem:s2+$0x8090] =	vst v16  }
0x2a8: {  	v2 =	vadd.f32 v7, v6;
	v4 =	vld [tilespmem:s8+$0x14000];
	[tilespmem:s2+$0x8110] =	vst v28  }
0x2a9: {  	v5 =	vld [tilespmem:s8+$0x80];
	[tilespmem:s8+$0x8110] =	vst v0;
	v0 =	vadd.f32 v9, v8  }
0x2aa: {  	s19 =	simm.s32 $0x1;
	v7 =	vld [tilespmem:s8+$0x14100];
	[tilespmem:s8+$0x8190] =	vst v2;
	v1 =	vadd.f32 v1, v10  }
0x2ab: {  	s9 =	sand.u32 $0x3, s19;
	v30 =	vadd.f32 v21, v20;
	v2 =	vld [tilespmem:s8+$0x14080];
	[tilespmem:s8+$0x8210] =	vst v0  }
0x2ac: {  	s9 =	sshll.u32 s9, $0x5;
	v32 =	vadd.f32 v23, v22;
	v0 =	vld [tilespmem:s8+$0x100];
	[tilespmem:s8+$0x8290] =	vst v1  }
0x2ad: {  	s16 =	sadd.s32 $0x100, s9;
	v15 =	vadd.f32 v62, v24;
	[tilespmem:s2+$0x8190] =	vst v30;
	v1 =	vld [tilespmem:s29+$0x0]  }
0x2ae: {  	s11 =	sadd.s32 $0x10, s16;
	[tilespmem:s2+$0x8210] =	vst v32;
	v6 =	vld [tilespmem:s29+$0x14000]  }
0x2af: {  	s18 =	sor.u32 $0x300, s11;
	v34 =	vld [tilespmem:s2+$0x14100];
	[tilespmem:s2+$0x8290] =	vst v15;
	v3 =	vadd.f32 v4, v3  }
0x2b0: {  	v2 =	vadd.f32 v2, v5;
	v5 =	vld [tilespmem:s18+$0x0]  }
0x2b1: {  	[tilespmem:s8+$0x8000] =	vst v3;
	v3 =	vld [tilespmem:s18+$0x14000]  }
0x2b2: {  	v35 =	vld [tilespmem:s2+$0x200];
	v0 =	vadd.f32 v7, v0  }
0x2b3: {  	v4 =	vld [tilespmem:s2+$0x180];
	v1 =	vadd.f32 v6, v1  }
0x2b4: {  	v7 =	vld [tilespmem:s2+$0x14180];
	[tilespmem:s8+$0x8100] =	vst v0;
	v0 =	vadd.f32 v11, v61  }
0x2b5: {  	v6 =	vld [tilespmem:s8+$0x280];
	[tilespmem:s29+$0x8000] =	vst v1  }
0x2b6: {  	v3 =	vadd.f32 v3, v5;
	[tilespmem:s8+$0x8200] =	vst v0;
	v0 =	vld [tilespmem:s2+$0x280]  }
0x2b7: {  	v1 =	vld [tilespmem:s30+$0x0]  }
0x2b8: {  	s14 =	sor.u32 $0x380, s11;
	v13 =	vld [tilespmem:s30+$0x14000];
	[tilespmem:s18+$0x8000] =	vst v3  }
0x2b9: {  	s10 =	simm.s32 $0x200;
	s9 =	simm.s32 $0x40;
	[tilespmem:s8+$0x8080] =	vst v2;
	v2 =	vadd.f32 v60, v59;
	v36 =	vld [tilespmem:s14+$0x0]  }
0x2ba: {  	s21 =	sand.u32 $0x3C00, s10;
	s18 =	sand.u32 $0x60, s9;
	v55 =	vld [tilespmem:s14+$0x14000]  }
0x2bb: {  	[tilespmem:s8+$0x8180] =	vst v2;
	s11 =	sor.u32 s18, s21;
	v2 =	vadd.f32 v12, v6;
	v6 =	vld [tilespmem:s2+$0x14200]  }
0x2bc: {  	v37 =	vld [tilespmem:s11+$0x10]  }
0x2bd: {  	v38 =	vld [tilespmem:s11+$0x14010]  }
0x2be: {  	v39 =	vld [tilespmem:s11+$0x90]  }
0x2bf: {  	v40 =	vld [tilespmem:s11+$0x14090]  }
0x2c0: {  	v41 =	vld [tilespmem:s11+$0x110]  }
0x2c1: {  	v42 =	vld [tilespmem:s11+$0x14110]  }
0x2c2: {  	v43 =	vld [tilespmem:s11+$0x190]  }
0x2c3: {  	v44 =	vld [tilespmem:s11+$0x14190]  }
0x2c4: {  	v45 =	vld [tilespmem:s11+$0x210]  }
0x2c5: {  	v17 =	vadd.f32 v63, v25;
	v46 =	vld [tilespmem:s11+$0x14210]  }
0x2c6: {  	v59 =	vadd.f32 v34, v33;
	v47 =	vld [tilespmem:s11+$0x290]  }
0x2c7: {  	[tilespmem:s2+$0x8000] =	vst v17;
	v48 =	vld [tilespmem:s11+$0x14290];
	v1 =	vadd.f32 v13, v1  }
0x2c8: {  	[tilespmem:s2+$0x8100] =	vst v59;
	v49 =	vld [tilespmem:s11+$0x0]  }
0x2c9: {  	v50 =	vld [tilespmem:s11+$0x14000];
	[tilespmem:s30+$0x8000] =	vst v1;
	v1 =	vadd.f32 v31, v29  }
0x2ca: {  	v52 =	vld [tilespmem:s11+$0x80];
	[tilespmem:s8+$0x8280] =	vst v2;
	v10 =	vadd.f32 v38, v37  }
0x2cb: {  	v53 =	vld [tilespmem:s11+$0x14080];
	[tilespmem:s2+$0x8080] =	vst v1;
	v1 =	vadd.f32 v40, v39  }
0x2cc: {  	v56 =	vld [tilespmem:s11+$0x100];
	s8 =	simm.s32 $0x2;
	v51 =	vadd.f32 v42, v41;
	[tilespmem:s11+$0x8010] =	vst v10  }
0x2cd: {  	v58 =	vld [tilespmem:s11+$0x14100];
	s25 =	sand.u32 $0x3, s8;
	[tilespmem:s11+$0x8090] =	vst v1;
	v1 =	vadd.f32 v44, v43  }
0x2ce: {  	s20 =	sor.u32 $0x300, s17;
	v2 =	vld [tilespmem:s2+$0x14280];
	s15 =	sshll.u32 s25, $0x5;
	v54 =	vadd.f32 v46, v45;
	[tilespmem:s11+$0x8110] =	vst v51  }
0x2cf: {  	v5 =	vld [tilespmem:s20+$0x0];
	s15 =	sadd.s32 $0x200, s15;
	[tilespmem:s11+$0x8190] =	vst v1;
	v1 =	vadd.f32 v48, v47  }
0x2d0: {  	v4 =	vadd.f32 v7, v4;
	v3 =	vld [tilespmem:s20+$0x14000];
	s29 =	sadd.s32 $0x10, s15;
	[tilespmem:s11+$0x8210] =	vst v54  }
0x2d1: {  	v60 =	vld [tilespmem:s11+$0x180];
	v57 =	vadd.f32 v50, v49;
	s30 =	sor.u32 $0x300, s29;
	[tilespmem:s11+$0x8290] =	vst v1  }
0x2d2: {  	[tilespmem:s2+$0x8180] =	vst v4;
	v6 =	vadd.f32 v6, v35;
	v61 =	vld [tilespmem:s30+$0x0]  }
0x2d3: {  	[tilespmem:s11+$0x8000] =	vst v57;
	v0 =	vadd.f32 v2, v0;
	v62 =	vld [tilespmem:s30+$0x14000]  }
0x2d4: {  	v7 =	vld [tilespmem:s11+$0x14180];
	[tilespmem:s2+$0x8200] =	vst v6;
	v1 =	vadd.f32 v53, v52  }
0x2d5: {  	v63 =	vld [tilespmem:s11+$0x200];
	v3 =	vadd.f32 v3, v5;
	[tilespmem:s2+$0x8280] =	vst v0  }
0x2d6: {  	v2 =	vld [tilespmem:s11+$0x14200];
	[tilespmem:s11+$0x8080] =	vst v1;
	v1 =	vadd.f32 v58, v56  }
0x2d7: {  	v0 =	vadd.f32 v55, v36;
	[tilespmem:s20+$0x8000] =	vst v3;
	v3 =	vld [tilespmem:s11+$0x14280]  }
0x2d8: {  	s2 =	sor.u32 $0x300, s16;
	[tilespmem:s11+$0x8100] =	vst v1;
	v1 =	vld [tilespmem:s11+$0x280];
	v4 =	vadd.f32 v62, v61  }
0x2d9: {  	v5 =	vadd.f32 v7, v60;
	[tilespmem:s14+$0x8000] =	vst v0;
	v0 =	vld [tilespmem:s2+$0x0]  }
0x2da: {  	s17 =	sor.u32 $0x380, s17;
	s20 =	sor.u32 $0x380, s29;
	[tilespmem:s30+$0x8000] =	vst v4;
	v4 =	vld [tilespmem:s2+$0x14000]  }
0x2db: {  	s19 =	sor.u32 $0x380, s16;
	s16 =	sor.u32 $0x300, s15;
	s15 =	sor.u32 $0x380, s15;
	[tilespmem:s11+$0x8180] =	vst v5;
	v5 =	vadd.f32 v2, v63;
	v2 =	vld [tilespmem:s20+$0x0]  }
.LBB2_11:
0x2dc: {  	s9 =	sadd.s32 $0x20, s9;
	v6 =	vld [tilespmem:s20+$0x14000];
	s10 =	sadd.s32 $0x100, s10  }
0x2dd: {  	s18 =	sand.u32 $0x60, s9;
	s21 =	sand.u32 $0x3C00, s10;
	p1 =	slt.u32 s9, $0x7E0;
	[tilespmem:s11+$0x8200] =	vst v5;
	v1 =	vadd.f32 v3, v1;
	v3 =	vld [tilespmem:s17+$0x0]  }
0x2de: {  	s18 =	sor.u32 s18, s21;
	v5 =	vld [tilespmem:s17+$0x14000]  }
0x2df: {  	v7 =	vld [tilespmem:s18+$0x10];
	[tilespmem:s11+$0x8280] =	vst v1;
	v0 =	vadd.f32 v4, v0;
	s11 =	smov.u32 s18  }
0x2e0: {  	v1 =	vld [tilespmem:s11+$0x14010]  }
0x2e1: {  	v4 =	vld [tilespmem:s11+$0x90];
	v2 =	vadd.f32 v6, v2;
	[tilespmem:s2+$0x8000] =	vst v0;
	s2 =	smov.u32 s16  }
0x2e2: {  	v0 =	vld [tilespmem:s11+$0x14090]  }
0x2e3: {  	v6 =	vld [tilespmem:s11+$0x110];
	[tilespmem:s20+$0x8000] =	vst v2;
	v2 =	vadd.f32 v5, v3  }
0x2e4: {  	v3 =	vld [tilespmem:s11+$0x14110]  }
0x2e5: {  	v5 =	vld [tilespmem:s11+$0x190];
	[tilespmem:s17+$0x8000] =	vst v2;
	s17 =	smov.u32 s19;
	s19 =	smov.u32 s15  }
0x2e6: {  	v2 =	vld [tilespmem:s11+$0x14190]  }
0x2e7: {  	v8 =	vld [tilespmem:s11+$0x210]  }
0x2e8: {  	v9 =	vld [tilespmem:s11+$0x14210]  }
0x2e9: {  	v10 =	vld [tilespmem:s11+$0x290]  }
0x2ea: {  	v1 =	vadd.f32 v1, v7;
	v7 =	vld [tilespmem:s11+$0x14290]  }
0x2eb: {  	v0 =	vadd.f32 v0, v4;
	v11 =	vld [tilespmem:s11+$0x0]  }
0x2ec: {  	s8 =	sadd.s32 $0x1, s8;
	v4 =	vld [tilespmem:s11+$0x14000];
	[tilespmem:s11+$0x8010] =	vst v1;
	v1 =	vadd.f32 v3, v6  }
0x2ed: {  	s15 =	sand.u32 $0x3, s8;
	v3 =	vld [tilespmem:s11+$0x80];
	[tilespmem:s11+$0x8090] =	vst v0;
	v0 =	vadd.f32 v2, v5  }
0x2ee: {  	s15 =	sshll.u32 s15, $0x5;
	v2 =	vld [tilespmem:s11+$0x14080];
	[tilespmem:s11+$0x8110] =	vst v1;
	v1 =	vadd.f32 v9, v8  }
0x2ef: {  	s18 =	sadd.s32 s15, s10;
	v5 =	vld [tilespmem:s11+$0x100];
	[tilespmem:s11+$0x8190] =	vst v0;
	v0 =	vadd.f32 v7, v10  }
0x2f0: {  	s16 =	sor.u32 $0x300, s18;
	s15 =	sor.u32 $0x380, s18;
	s18 =	sadd.s32 $0x10, s18;
	v6 =	vld [tilespmem:s11+$0x14100];
	[tilespmem:s11+$0x8210] =	vst v1  }
0x2f1: {  	s20 =	sor.u32 $0x300, s18;
	v1 =	vadd.f32 v4, v11;
	v4 =	vld [tilespmem:s11+$0x180];
	[tilespmem:s11+$0x8290] =	vst v0  }
0x2f2: {  	v0 =	vld [tilespmem:s20+$0x0]  }
0x2f3: {  	[tilespmem:s11+$0x8000] =	vst v1;
	v1 =	vadd.f32 v2, v3;
	v2 =	vld [tilespmem:s20+$0x14000]  }
0x2f4: {  	v7 =	vld [tilespmem:s11+$0x14180]  }
0x2f5: {  	[tilespmem:s11+$0x8080] =	vst v1;
	v1 =	vadd.f32 v6, v5;
	v5 =	vld [tilespmem:s11+$0x200]  }
0x2f6: {  	v6 =	vld [tilespmem:s11+$0x14200]  }
.Ltmp6:
0x2f7: {  	[tilespmem:s11+$0x8100] =	vst v1;
	v1 =	vld [tilespmem:s11+$0x280];
	(pc) =	sbr.rel @p1 .LBB2_11-.Ltmp6, $4  }
0x2f8: {  	v3 =	vld [tilespmem:s11+$0x14280];
	v2 =	vadd.f32 v2, v0  }
0x2f9: {  	v7 =	vadd.f32 v7, v4;
	v0 =	vld [tilespmem:s2+$0x0]  }
0x2fa: {  	[tilespmem:s20+$0x8000] =	vst v2;
	s20 =	sor.u32 $0x380, s18;
	v4 =	vld [tilespmem:s2+$0x14000]  }
0x2fb: {  	[tilespmem:s11+$0x8180] =	vst v7;
	v5 =	vadd.f32 v6, v5;
	v2 =	vld [tilespmem:s20+$0x0]  }
0x2fc: {  	_ = 	snop  }
0x2fd: {  	v1 =	vadd.f32 v3, v1  }
0x2fe: {  	[tilespmem:s11+$0x8200] =	vst v5  }
0x2ff: {  	[tilespmem:s11+$0x8280] =	vst v1  }
0x300: {  	v1 =	vld [tilespmem:s16+$0x0]  }
0x301: {  	v3 =	vld [tilespmem:s16+$0x14000];
	_ =	sdelay $0x2  }
0x302: {  	v6 =	vld [tilespmem:s17+$0x14000];
	v0 =	vadd.f32 v4, v0  }
0x303: {  	v5 =	vld [tilespmem:s20+$0x14000]  }
0x304: {  	v4 =	vld [tilespmem:s17+$0x0];
	[tilespmem:s2+$0x8000] =	vst v0;
	v0 =	vadd.f32 v3, v1  }
0x305: {  	v1 =	vld [tilespmem:s19+$0x0]  }
0x306: {  	v3 =	vld [tilespmem:s19+$0x14000];
	[tilespmem:s16+$0x8000] =	vst v0  }
0x307: {  	v0 =	vld [tilespmem:s15+$0x0]  }
0x308: {  	v7 =	vld [tilespmem:s15+$0x14000];
	_ =	sdelay $0x1  }
0x309: {  	v2 =	vadd.f32 v5, v2  }
0x30a: {  	s10 =	sor.u32 $0x1, s0;
	v4 =	vadd.f32 v6, v4  }
0x30b: {  	s11 =	sshll.u32 s10, $0x3;
	[tilespmem:s20+$0x8000] =	vst v2;
	v1 =	vadd.f32 v3, v1  }
0x30c: {  	s20 =	sor.u32 s12, s11;
	[tilespmem:s17+$0x8000] =	vst v4;
	v0 =	vadd.f32 v7, v0  }
0x30d: {  	s14 =	smov.u32 s12;
	s9 =	sshll.u32 s20, $0x8;
	[tilespmem:s19+$0x8000] =	vst v1  }
0x30e: {  	s21 =	simm.s32 $0x0;
	s12 =	sadd.s32 s6, s11;
	s2 =	sadd.s32 s1, s9;
	[tilespmem:s15+$0x8000] =	vst v0  }
0x30f: {  	[tilespmem:s21], [sflag:$0x1] =	stream.linear.gather [hbm4b:s2+s21], $0x4000, $0x38;
	[tilespmem:$0x18000] =	vst v63  }
0x310: {  	s2 =	sshll.u32 s12, $0x8  }
0x311: {  	s2 =	sadd.s32 s4, s2  }
0x312: {  	[hbm4b:s2+s21] =	stream.linear.scatter [tilespmem:s13], [sflag:$0x3], $0x4000, $0x38;
	[tilespmem:$0x18000] =	vst v63  }
0x313: {  	_ =	swait.ge [sflag:s24], $0x4000  }
0x314: {  	[sflag:s24] =	ssyncset.done $0x0  }
0x315: {  	[sflag:s24] =	ssyncadd.s32 $0xFFFFC000  }
0x316: {  	s13 =	simm.s32 $0x0;
	_ =	swait.ge [sflag:s28], $0x4000  }
0x317: {  	s8 =	sand.u32 $0x3C00, s21;
	s2 =	sand.u32 $0x60, s13;
	[sflag:s28] =	ssyncset.done $0x0  }
0x318: {  	s8 =	sor.u32 s2, s8;
	[sflag:s28] =	ssyncadd.s32 $0xFFFFC000  }
0x319: {  	v0 =	vld [tilespmem:s8+$0x4010]  }
0x31a: {  	v1 =	vld [tilespmem:s8+$0x14010]  }
0x31b: {  	v2 =	vld [tilespmem:s8+$0x4090]  }
0x31c: {  	v3 =	vld [tilespmem:s8+$0x14090]  }
0x31d: {  	v4 =	vld [tilespmem:s8+$0x4110]  }
0x31e: {  	v5 =	vld [tilespmem:s8+$0x14110]  }
0x31f: {  	v6 =	vld [tilespmem:s8+$0x4190]  }
0x320: {  	v7 =	vld [tilespmem:s8+$0x14190]  }
0x321: {  	v8 =	vld [tilespmem:s8+$0x4210]  }
0x322: {  	v9 =	vld [tilespmem:s8+$0x14210]  }
0x323: {  	s16 =	sand.u32 $0x3, s21;
	v10 =	vld [tilespmem:s8+$0x4290]  }
0x324: {  	s2 =	sshll.u32 s16, $0x5;
	v59 =	vld [tilespmem:s8+$0x4180]  }
0x325: {  	s19 =	simm.s32 $0x100;
	s20 =	sadd.s32 $0x0, s2;
	v60 =	vld [tilespmem:s8+$0x14180]  }
0x326: {  	s18 =	simm.s32 $0x20;
	s15 =	sand.u32 $0x3C00, s19;
	s2 =	sadd.s32 $0x10, s20;
	v61 =	vld [tilespmem:s8+$0x4200]  }
0x327: {  	s17 =	sor.u32 $0x300, s2;
	s16 =	sor.u32 $0x380, s2;
	s2 =	sand.u32 $0x60, s18;
	v11 =	vld [tilespmem:s8+$0x14200]  }
0x328: {  	s2 =	sor.u32 s2, s15;
	v12 =	vld [tilespmem:s8+$0x14280]  }
0x329: {  	v14 =	vld [tilespmem:s2+$0x4010]  }
0x32a: {  	v15 =	vld [tilespmem:s2+$0x14010]  }
0x32b: {  	v16 =	vld [tilespmem:s2+$0x4090]  }
0x32c: {  	v17 =	vld [tilespmem:s2+$0x14090]  }
0x32d: {  	v18 =	vld [tilespmem:s2+$0x4110]  }
0x32e: {  	v19 =	vld [tilespmem:s2+$0x14110]  }
0x32f: {  	v20 =	vld [tilespmem:s2+$0x4190]  }
0x330: {  	v21 =	vld [tilespmem:s2+$0x14190]  }
0x331: {  	v22 =	vld [tilespmem:s2+$0x4210]  }
0x332: {  	v23 =	vld [tilespmem:s2+$0x14210]  }
0x333: {  	v24 =	vld [tilespmem:s2+$0x4290]  }
0x334: {  	v62 =	vld [tilespmem:s2+$0x14290]  }
0x335: {  	v25 =	vld [tilespmem:s2+$0x4000]  }
0x336: {  	v63 =	vld [tilespmem:s2+$0x14000];
	v0 =	vadd.f32 v1, v0  }
0x337: {  	v29 =	vld [tilespmem:s2+$0x4080];
	v2 =	vadd.f32 v3, v2  }
0x338: {  	v31 =	vld [tilespmem:s2+$0x14080];
	v14 =	vadd.f32 v15, v14;
	[tilespmem:s8+$0xC010] =	vst v0  }
0x339: {  	v1 =	vld [tilespmem:s8+$0x14290];
	v16 =	vadd.f32 v17, v16;
	[tilespmem:s8+$0xC090] =	vst v2  }
0x33a: {  	v33 =	vld [tilespmem:s2+$0x4100];
	v28 =	vadd.f32 v19, v18;
	[tilespmem:s2+$0xC010] =	vst v14  }
0x33b: {  	v3 =	vld [tilespmem:s8+$0x4000];
	v0 =	vadd.f32 v5, v4;
	[tilespmem:s2+$0xC090] =	vst v16  }
0x33c: {  	v2 =	vadd.f32 v7, v6;
	v4 =	vld [tilespmem:s8+$0x14000];
	[tilespmem:s2+$0xC110] =	vst v28  }
0x33d: {  	v5 =	vld [tilespmem:s8+$0x4080];
	[tilespmem:s8+$0xC110] =	vst v0;
	v0 =	vadd.f32 v9, v8  }
0x33e: {  	s21 =	simm.s32 $0x1;
	v7 =	vld [tilespmem:s8+$0x14100];
	[tilespmem:s8+$0xC190] =	vst v2;
	v1 =	vadd.f32 v1, v10  }
0x33f: {  	s15 =	sand.u32 $0x3, s21;
	v30 =	vadd.f32 v21, v20;
	v2 =	vld [tilespmem:s8+$0x14080];
	[tilespmem:s8+$0xC210] =	vst v0  }
0x340: {  	s15 =	sshll.u32 s15, $0x5;
	v32 =	vadd.f32 v23, v22;
	v0 =	vld [tilespmem:s8+$0x4100];
	[tilespmem:s8+$0xC290] =	vst v1  }
0x341: {  	s15 =	sadd.s32 $0x100, s15;
	v15 =	vadd.f32 v62, v24;
	[tilespmem:s2+$0xC190] =	vst v30;
	v1 =	vld [tilespmem:s17+$0x4000]  }
0x342: {  	s18 =	sadd.s32 $0x10, s15;
	[tilespmem:s2+$0xC210] =	vst v32;
	v6 =	vld [tilespmem:s17+$0x14000]  }
0x343: {  	v34 =	vld [tilespmem:s2+$0x14100];
	s29 =	sor.u32 $0x300, s18;
	[tilespmem:s2+$0xC290] =	vst v15;
	v3 =	vadd.f32 v4, v3  }
0x344: {  	v2 =	vadd.f32 v2, v5;
	v5 =	vld [tilespmem:s29+$0x4000]  }
0x345: {  	[tilespmem:s8+$0xC000] =	vst v3;
	v3 =	vld [tilespmem:s29+$0x14000]  }
0x346: {  	v35 =	vld [tilespmem:s2+$0x4200];
	v0 =	vadd.f32 v7, v0  }
0x347: {  	v4 =	vld [tilespmem:s2+$0x4180];
	v1 =	vadd.f32 v6, v1  }
0x348: {  	v7 =	vld [tilespmem:s2+$0x14180];
	[tilespmem:s8+$0xC100] =	vst v0;
	v0 =	vadd.f32 v11, v61  }
0x349: {  	v6 =	vld [tilespmem:s8+$0x4280];
	[tilespmem:s17+$0xC000] =	vst v1  }
0x34a: {  	v3 =	vadd.f32 v3, v5;
	[tilespmem:s8+$0xC200] =	vst v0;
	v0 =	vld [tilespmem:s2+$0x4280]  }
0x34b: {  	[tilespmem:s8+$0xC080] =	vst v2;
	v1 =	vld [tilespmem:s16+$0x4000]  }
0x34c: {  	v2 =	vadd.f32 v60, v59;
	v13 =	vld [tilespmem:s16+$0x14000];
	[tilespmem:s29+$0xC000] =	vst v3;
	s29 =	sor.u32 $0x380, s18  }
0x34d: {  	v36 =	vld [tilespmem:s29+$0x4000]  }
0x34e: {  	[tilespmem:s8+$0xC180] =	vst v2;
	v55 =	vld [tilespmem:s29+$0x14000];
	v2 =	vadd.f32 v12, v6  }
0x34f: {  	v6 =	vld [tilespmem:s2+$0x14200]  }
0x350: {  	s19 =	simm.s32 $0x40;
	s21 =	sor.u32 $0x300, s20;
	s17 =	simm.s32 $0x200;
	[tilespmem:s8+$0xC280] =	vst v2;
	v2 =	vld [tilespmem:s2+$0x14280]  }
0x351: {  	s12 =	sand.u32 $0x60, s19;
	s13 =	sand.u32 $0x3C00, s17;
	v5 =	vld [tilespmem:s21+$0x4000]  }
0x352: {  	s8 =	sor.u32 s12, s13;
	v3 =	vld [tilespmem:s21+$0x14000]  }
0x353: {  	v37 =	vld [tilespmem:s8+$0x4010]  }
0x354: {  	v38 =	vld [tilespmem:s8+$0x14010]  }
0x355: {  	v39 =	vld [tilespmem:s8+$0x4090]  }
0x356: {  	v40 =	vld [tilespmem:s8+$0x14090]  }
0x357: {  	v41 =	vld [tilespmem:s8+$0x4110]  }
0x358: {  	v42 =	vld [tilespmem:s8+$0x14110]  }
0x359: {  	v43 =	vld [tilespmem:s8+$0x4190]  }
0x35a: {  	v17 =	vadd.f32 v63, v25;
	v44 =	vld [tilespmem:s8+$0x14190]  }
0x35b: {  	v45 =	vld [tilespmem:s8+$0x4210];
	v1 =	vadd.f32 v13, v1  }
0x35c: {  	[tilespmem:s2+$0xC000] =	vst v17;
	v59 =	vadd.f32 v34, v33;
	v46 =	vld [tilespmem:s8+$0x14210]  }
0x35d: {  	v47 =	vld [tilespmem:s8+$0x4290];
	[tilespmem:s16+$0xC000] =	vst v1;
	v1 =	vadd.f32 v31, v29  }
0x35e: {  	[tilespmem:s2+$0xC100] =	vst v59;
	v48 =	vld [tilespmem:s8+$0x14290];
	v10 =	vadd.f32 v38, v37  }
0x35f: {  	v49 =	vld [tilespmem:s8+$0x4000];
	[tilespmem:s2+$0xC080] =	vst v1;
	v1 =	vadd.f32 v40, v39  }
0x360: {  	s30 =	simm.s32 $0x2;
	v50 =	vld [tilespmem:s8+$0x14000];
	v51 =	vadd.f32 v42, v41;
	[tilespmem:s8+$0xC010] =	vst v10  }
0x361: {  	s18 =	sand.u32 $0x3, s30;
	v52 =	vld [tilespmem:s8+$0x4080];
	[tilespmem:s8+$0xC090] =	vst v1;
	v1 =	vadd.f32 v44, v43  }
0x362: {  	v53 =	vld [tilespmem:s8+$0x14080];
	s16 =	sshll.u32 s18, $0x5;
	v54 =	vadd.f32 v46, v45;
	[tilespmem:s8+$0xC110] =	vst v51  }
0x363: {  	v56 =	vld [tilespmem:s8+$0x4100];
	s18 =	sadd.s32 $0x200, s16;
	[tilespmem:s8+$0xC190] =	vst v1;
	v1 =	vadd.f32 v48, v47  }
0x364: {  	v4 =	vadd.f32 v7, v4;
	v58 =	vld [tilespmem:s8+$0x14100];
	s12 =	sadd.s32 $0x10, s18;
	[tilespmem:s8+$0xC210] =	vst v54  }
0x365: {  	v60 =	vld [tilespmem:s8+$0x4180];
	v6 =	vadd.f32 v6, v35;
	s13 =	sor.u32 $0x300, s12;
	[tilespmem:s8+$0xC290] =	vst v1  }
0x366: {  	[tilespmem:s2+$0xC180] =	vst v4;
	v0 =	vadd.f32 v2, v0;
	v61 =	vld [tilespmem:s13+$0x4000]  }
0x367: {  	[tilespmem:s2+$0xC200] =	vst v6;
	v57 =	vadd.f32 v50, v49;
	v62 =	vld [tilespmem:s13+$0x14000]  }
0x368: {  	v7 =	vld [tilespmem:s8+$0x14180];
	[tilespmem:s2+$0xC280] =	vst v0;
	v1 =	vadd.f32 v53, v52  }
0x369: {  	v63 =	vld [tilespmem:s8+$0x4200];
	v3 =	vadd.f32 v3, v5;
	[tilespmem:s8+$0xC000] =	vst v57  }
0x36a: {  	v2 =	vld [tilespmem:s8+$0x14200];
	[tilespmem:s8+$0xC080] =	vst v1;
	v1 =	vadd.f32 v58, v56  }
0x36b: {  	v0 =	vadd.f32 v55, v36;
	[tilespmem:s21+$0xC000] =	vst v3;
	v3 =	vld [tilespmem:s8+$0x14280]  }
0x36c: {  	s2 =	sor.u32 $0x300, s15;
	[tilespmem:s8+$0xC100] =	vst v1;
	v1 =	vld [tilespmem:s8+$0x4280];
	v4 =	vadd.f32 v62, v61  }
0x36d: {  	v5 =	vadd.f32 v7, v60;
	[tilespmem:s29+$0xC000] =	vst v0;
	v0 =	vld [tilespmem:s2+$0x4000]  }
0x36e: {  	s25 =	simm.s32 $0x8000;
	s16 =	sor.u32 $0x380, s20;
	s29 =	sor.u32 $0x380, s12;
	[tilespmem:s13+$0xC000] =	vst v4;
	v4 =	vld [tilespmem:s2+$0x14000]  }
0x36f: {  	s20 =	sor.u32 $0x380, s15;
	s15 =	sor.u32 $0x380, s18;
	s21 =	sor.u32 $0x300, s18;
	[tilespmem:s8+$0xC180] =	vst v5;
	v5 =	vadd.f32 v2, v63;
	v2 =	vld [tilespmem:s29+$0x4000]  }
.LBB2_13:
0x370: {  	s19 =	sadd.s32 $0x20, s19;
	v6 =	vld [tilespmem:s29+$0x14000];
	s17 =	sadd.s32 $0x100, s17  }
0x371: {  	s12 =	sand.u32 $0x60, s19;
	s13 =	sand.u32 $0x3C00, s17;
	p1 =	slt.u32 s19, $0x7E0;
	[tilespmem:s8+$0xC200] =	vst v5;
	v1 =	vadd.f32 v3, v1;
	v3 =	vld [tilespmem:s16+$0x4000]  }
0x372: {  	s12 =	sor.u32 s12, s13;
	v5 =	vld [tilespmem:s16+$0x14000]  }
0x373: {  	v7 =	vld [tilespmem:s12+$0x4010];
	[tilespmem:s8+$0xC280] =	vst v1;
	v0 =	vadd.f32 v4, v0;
	s8 =	smov.u32 s12  }
0x374: {  	v1 =	vld [tilespmem:s8+$0x14010]  }
0x375: {  	v4 =	vld [tilespmem:s8+$0x4090];
	v2 =	vadd.f32 v6, v2;
	[tilespmem:s2+$0xC000] =	vst v0;
	s2 =	smov.u32 s21  }
0x376: {  	v0 =	vld [tilespmem:s8+$0x14090]  }
0x377: {  	v6 =	vld [tilespmem:s8+$0x4110];
	[tilespmem:s29+$0xC000] =	vst v2;
	v2 =	vadd.f32 v5, v3  }
0x378: {  	v3 =	vld [tilespmem:s8+$0x14110]  }
0x379: {  	v5 =	vld [tilespmem:s8+$0x4190];
	[tilespmem:s16+$0xC000] =	vst v2;
	s16 =	smov.u32 s20;
	s20 =	smov.u32 s15  }
0x37a: {  	v2 =	vld [tilespmem:s8+$0x14190]  }
0x37b: {  	v8 =	vld [tilespmem:s8+$0x4210]  }
0x37c: {  	v9 =	vld [tilespmem:s8+$0x14210]  }
0x37d: {  	v10 =	vld [tilespmem:s8+$0x4290]  }
0x37e: {  	v1 =	vadd.f32 v1, v7;
	v7 =	vld [tilespmem:s8+$0x14290]  }
0x37f: {  	v0 =	vadd.f32 v0, v4;
	v11 =	vld [tilespmem:s8+$0x4000]  }
0x380: {  	s30 =	sadd.s32 $0x1, s30;
	v4 =	vld [tilespmem:s8+$0x14000];
	[tilespmem:s8+$0xC010] =	vst v1;
	v1 =	vadd.f32 v3, v6  }
0x381: {  	s12 =	sand.u32 $0x3, s30;
	v3 =	vld [tilespmem:s8+$0x4080];
	[tilespmem:s8+$0xC090] =	vst v0;
	v0 =	vadd.f32 v2, v5  }
0x382: {  	s12 =	sshll.u32 s12, $0x5;
	v2 =	vld [tilespmem:s8+$0x14080];
	[tilespmem:s8+$0xC110] =	vst v1;
	v1 =	vadd.f32 v9, v8  }
0x383: {  	s12 =	sadd.s32 s12, s17;
	v5 =	vld [tilespmem:s8+$0x4100];
	[tilespmem:s8+$0xC190] =	vst v0;
	v0 =	vadd.f32 v7, v10  }
0x384: {  	s21 =	sor.u32 $0x300, s12;
	s15 =	sor.u32 $0x380, s12;
	s12 =	sadd.s32 $0x10, s12;
	v6 =	vld [tilespmem:s8+$0x14100];
	[tilespmem:s8+$0xC210] =	vst v1  }
0x385: {  	s13 =	sor.u32 $0x300, s12;
	v1 =	vadd.f32 v4, v11;
	v4 =	vld [tilespmem:s8+$0x4180];
	[tilespmem:s8+$0xC290] =	vst v0  }
0x386: {  	v0 =	vld [tilespmem:s13+$0x4000]  }
0x387: {  	[tilespmem:s8+$0xC000] =	vst v1;
	v1 =	vadd.f32 v2, v3;
	v2 =	vld [tilespmem:s13+$0x14000]  }
0x388: {  	v7 =	vld [tilespmem:s8+$0x14180]  }
0x389: {  	[tilespmem:s8+$0xC080] =	vst v1;
	v1 =	vadd.f32 v6, v5;
	v5 =	vld [tilespmem:s8+$0x4200]  }
0x38a: {  	v6 =	vld [tilespmem:s8+$0x14200]  }
.Ltmp7:
0x38b: {  	[tilespmem:s8+$0xC100] =	vst v1;
	v1 =	vld [tilespmem:s8+$0x4280];
	(pc) =	sbr.rel @p1 .LBB2_13-.Ltmp7, $4  }
0x38c: {  	v3 =	vld [tilespmem:s8+$0x14280];
	v2 =	vadd.f32 v2, v0  }
0x38d: {  	v7 =	vadd.f32 v7, v4;
	v0 =	vld [tilespmem:s2+$0x4000]  }
0x38e: {  	s29 =	sor.u32 $0x380, s12;
	[tilespmem:s13+$0xC000] =	vst v2;
	v4 =	vld [tilespmem:s2+$0x14000]  }
0x38f: {  	[tilespmem:s8+$0xC180] =	vst v7;
	v5 =	vadd.f32 v6, v5;
	v2 =	vld [tilespmem:s29+$0x4000]  }
0x390: {  	_ = 	snop  }
0x391: {  	v1 =	vadd.f32 v3, v1  }
0x392: {  	[tilespmem:s8+$0xC200] =	vst v5  }
0x393: {  	[tilespmem:s8+$0xC280] =	vst v1  }
0x394: {  	v1 =	vld [tilespmem:s21+$0x4000]  }
0x395: {  	v3 =	vld [tilespmem:s21+$0x14000];
	_ =	sdelay $0x2  }
0x396: {  	v6 =	vld [tilespmem:s16+$0x14000];
	v0 =	vadd.f32 v4, v0  }
0x397: {  	v5 =	vld [tilespmem:s29+$0x14000]  }
0x398: {  	v4 =	vld [tilespmem:s16+$0x4000];
	[tilespmem:s2+$0xC000] =	vst v0;
	v0 =	vadd.f32 v3, v1  }
0x399: {  	v1 =	vld [tilespmem:s20+$0x4000]  }
0x39a: {  	v3 =	vld [tilespmem:s20+$0x14000];
	[tilespmem:s21+$0xC000] =	vst v0  }
0x39b: {  	v0 =	vld [tilespmem:s15+$0x4000]  }
0x39c: {  	v2 =	vadd.f32 v5, v2;
	v7 =	vld [tilespmem:s15+$0x14000]  }
0x39d: {  	v4 =	vadd.f32 v6, v4  }
0x39e: {  	[tilespmem:s29+$0xC000] =	vst v2  }
0x39f: {  	[tilespmem:s16+$0xC000] =	vst v4  }
0x3a0: {  	s2 =	rddreg [dreg:$0x8];
	v1 =	vadd.f32 v3, v1  }
0x3a1: {  	s2 =	sor.u32 s2, s11;
	v0 =	vadd.f32 v7, v0  }
0x3a2: {  	s12 =	simm.s32 $0x0;
	s19 =	sshll.u32 s2, $0x8;
	[tilespmem:s20+$0xC000] =	vst v1  }
0x3a3: {  	s17 =	simm.s32 $0x4000;
	s18 =	sadd.s32 s7, s11;
	s2 =	sadd.s32 s1, s19;
	[tilespmem:s15+$0xC000] =	vst v0  }
0x3a4: {  	[tilespmem:s17], [sflag:$0x2] =	stream.linear.gather [hbm4b:s2+s12], $0x4000, $0x38;
	[tilespmem:$0x18000] =	vst v63  }
0x3a5: {  	s2 =	sshll.u32 s18, $0x8  }
0x3a6: {  	s2 =	sadd.s32 s4, s2  }
0x3a7: {  	[hbm4b:s2+s12] =	stream.linear.scatter [tilespmem:s23], [sflag:$0x4], $0x4000, $0x38;
	[tilespmem:$0x18000] =	vst v63  }
0x3a8: {  	_ =	swait.ge [sflag:s22], $0x4000  }
0x3a9: {  	[sflag:s22] =	ssyncset.done $0x0  }
0x3aa: {  	[sflag:s22] =	ssyncadd.s32 $0xFFFFC000  }
0x3ab: {  	s20 =	simm.s32 $0x0;
	_ =	swait.ge [sflag:s26], $0x4000  }
0x3ac: {  	s21 =	sand.u32 $0x3C00, s12;
	s2 =	sand.u32 $0x60, s20;
	[sflag:s26] =	ssyncset.done $0x0  }
0x3ad: {  	s8 =	sor.u32 s2, s21;
	[sflag:s26] =	ssyncadd.s32 $0xFFFFC000  }
0x3ae: {  	v0 =	vld [tilespmem:s8+$0x10]  }
0x3af: {  	v1 =	vld [tilespmem:s8+$0x14010]  }
0x3b0: {  	v2 =	vld [tilespmem:s8+$0x90]  }
0x3b1: {  	v3 =	vld [tilespmem:s8+$0x14090]  }
0x3b2: {  	v4 =	vld [tilespmem:s8+$0x110]  }
0x3b3: {  	v5 =	vld [tilespmem:s8+$0x14110]  }
0x3b4: {  	v6 =	vld [tilespmem:s8+$0x190]  }
0x3b5: {  	v7 =	vld [tilespmem:s8+$0x14190]  }
0x3b6: {  	v8 =	vld [tilespmem:s8+$0x210]  }
0x3b7: {  	v9 =	vld [tilespmem:s8+$0x14210]  }
0x3b8: {  	s11 =	sand.u32 $0x3, s12;
	v10 =	vld [tilespmem:s8+$0x290]  }
0x3b9: {  	s2 =	sshll.u32 s11, $0x5;
	v59 =	vld [tilespmem:s8+$0x180]  }
0x3ba: {  	s15 =	simm.s32 $0x100;
	s20 =	sadd.s32 $0x0, s2;
	v60 =	vld [tilespmem:s8+$0x14180]  }
0x3bb: {  	s13 =	simm.s32 $0x20;
	s11 =	sand.u32 $0x3C00, s15;
	s2 =	sadd.s32 $0x10, s20;
	v61 =	vld [tilespmem:s8+$0x200]  }
0x3bc: {  	s12 =	sor.u32 $0x300, s2;
	s16 =	sor.u32 $0x380, s2;
	s2 =	sand.u32 $0x60, s13;
	v11 =	vld [tilespmem:s8+$0x14200]  }
0x3bd: {  	s2 =	sor.u32 s2, s11;
	v12 =	vld [tilespmem:s8+$0x14280]  }
0x3be: {  	v14 =	vld [tilespmem:s2+$0x10]  }
0x3bf: {  	v15 =	vld [tilespmem:s2+$0x14010]  }
0x3c0: {  	v16 =	vld [tilespmem:s2+$0x90]  }
0x3c1: {  	v17 =	vld [tilespmem:s2+$0x14090]  }
0x3c2: {  	v18 =	vld [tilespmem:s2+$0x110]  }
0x3c3: {  	v19 =	vld [tilespmem:s2+$0x14110]  }
0x3c4: {  	v20 =	vld [tilespmem:s2+$0x190]  }
0x3c5: {  	v21 =	vld [tilespmem:s2+$0x14190]  }
0x3c6: {  	v22 =	vld [tilespmem:s2+$0x210]  }
0x3c7: {  	v23 =	vld [tilespmem:s2+$0x14210]  }
0x3c8: {  	v24 =	vld [tilespmem:s2+$0x290]  }
0x3c9: {  	v62 =	vld [tilespmem:s2+$0x14290]  }
0x3ca: {  	v25 =	vld [tilespmem:s2+$0x0]  }
0x3cb: {  	v63 =	vld [tilespmem:s2+$0x14000];
	v0 =	vadd.f32 v1, v0  }
0x3cc: {  	v29 =	vld [tilespmem:s2+$0x80];
	v2 =	vadd.f32 v3, v2  }
0x3cd: {  	v31 =	vld [tilespmem:s2+$0x14080];
	v14 =	vadd.f32 v15, v14;
	[tilespmem:s8+$0x8010] =	vst v0  }
0x3ce: {  	v1 =	vld [tilespmem:s8+$0x14290];
	v16 =	vadd.f32 v17, v16;
	[tilespmem:s8+$0x8090] =	vst v2  }
0x3cf: {  	v33 =	vld [tilespmem:s2+$0x100];
	v28 =	vadd.f32 v19, v18;
	[tilespmem:s2+$0x8010] =	vst v14  }
0x3d0: {  	v3 =	vld [tilespmem:s8+$0x0];
	v0 =	vadd.f32 v5, v4;
	[tilespmem:s2+$0x8090] =	vst v16  }
0x3d1: {  	v2 =	vadd.f32 v7, v6;
	v4 =	vld [tilespmem:s8+$0x14000];
	[tilespmem:s2+$0x8110] =	vst v28  }
0x3d2: {  	v5 =	vld [tilespmem:s8+$0x80];
	[tilespmem:s8+$0x8110] =	vst v0;
	v0 =	vadd.f32 v9, v8  }
0x3d3: {  	s17 =	simm.s32 $0x1;
	v7 =	vld [tilespmem:s8+$0x14100];
	[tilespmem:s8+$0x8190] =	vst v2;
	v1 =	vadd.f32 v1, v10  }
0x3d4: {  	s11 =	sand.u32 $0x3, s17;
	v30 =	vadd.f32 v21, v20;
	v2 =	vld [tilespmem:s8+$0x14080];
	[tilespmem:s8+$0x8210] =	vst v0  }
0x3d5: {  	s11 =	sshll.u32 s11, $0x5;
	v32 =	vadd.f32 v23, v22;
	v0 =	vld [tilespmem:s8+$0x100];
	[tilespmem:s8+$0x8290] =	vst v1  }
0x3d6: {  	s15 =	sadd.s32 $0x100, s11;
	v15 =	vadd.f32 v62, v24;
	[tilespmem:s2+$0x8190] =	vst v30;
	v1 =	vld [tilespmem:s12+$0x0]  }
0x3d7: {  	s18 =	sadd.s32 $0x10, s15;
	[tilespmem:s2+$0x8210] =	vst v32;
	v6 =	vld [tilespmem:s12+$0x14000]  }
0x3d8: {  	v34 =	vld [tilespmem:s2+$0x14100];
	s13 =	sor.u32 $0x300, s18;
	[tilespmem:s2+$0x8290] =	vst v15;
	v3 =	vadd.f32 v4, v3  }
0x3d9: {  	v2 =	vadd.f32 v2, v5;
	v5 =	vld [tilespmem:s13+$0x0]  }
0x3da: {  	[tilespmem:s8+$0x8000] =	vst v3;
	v3 =	vld [tilespmem:s13+$0x14000]  }
0x3db: {  	v35 =	vld [tilespmem:s2+$0x200];
	v0 =	vadd.f32 v7, v0  }
0x3dc: {  	v4 =	vld [tilespmem:s2+$0x180];
	v1 =	vadd.f32 v6, v1  }
0x3dd: {  	v7 =	vld [tilespmem:s2+$0x14180];
	[tilespmem:s8+$0x8100] =	vst v0;
	v0 =	vadd.f32 v11, v61  }
0x3de: {  	v6 =	vld [tilespmem:s8+$0x280];
	[tilespmem:s12+$0x8000] =	vst v1  }
0x3df: {  	v3 =	vadd.f32 v3, v5;
	[tilespmem:s8+$0x8200] =	vst v0;
	v0 =	vld [tilespmem:s2+$0x280]  }
0x3e0: {  	[tilespmem:s8+$0x8080] =	vst v2;
	v1 =	vld [tilespmem:s16+$0x0]  }
0x3e1: {  	s29 =	sor.u32 $0x380, s18;
	v2 =	vadd.f32 v60, v59;
	v13 =	vld [tilespmem:s16+$0x14000];
	[tilespmem:s13+$0x8000] =	vst v3  }
0x3e2: {  	v36 =	vld [tilespmem:s29+$0x0]  }
0x3e3: {  	[tilespmem:s8+$0x8180] =	vst v2;
	v55 =	vld [tilespmem:s29+$0x14000];
	v2 =	vadd.f32 v12, v6  }
0x3e4: {  	v6 =	vld [tilespmem:s2+$0x14200]  }
0x3e5: {  	s21 =	sor.u32 $0x300, s20;
	s17 =	simm.s32 $0x200;
	s11 =	simm.s32 $0x40;
	[tilespmem:s8+$0x8280] =	vst v2;
	v2 =	vld [tilespmem:s2+$0x14280]  }
0x3e6: {  	s12 =	sand.u32 $0x60, s11;
	s13 =	sand.u32 $0x3C00, s17;
	v5 =	vld [tilespmem:s21+$0x0]  }
0x3e7: {  	s8 =	sor.u32 s12, s13;
	v3 =	vld [tilespmem:s21+$0x14000]  }
0x3e8: {  	v37 =	vld [tilespmem:s8+$0x10]  }
0x3e9: {  	v38 =	vld [tilespmem:s8+$0x14010]  }
0x3ea: {  	v39 =	vld [tilespmem:s8+$0x90]  }
0x3eb: {  	v40 =	vld [tilespmem:s8+$0x14090]  }
0x3ec: {  	v41 =	vld [tilespmem:s8+$0x110]  }
0x3ed: {  	v42 =	vld [tilespmem:s8+$0x14110]  }
0x3ee: {  	v43 =	vld [tilespmem:s8+$0x190]  }
0x3ef: {  	v17 =	vadd.f32 v63, v25;
	v44 =	vld [tilespmem:s8+$0x14190]  }
0x3f0: {  	v45 =	vld [tilespmem:s8+$0x210];
	v1 =	vadd.f32 v13, v1  }
0x3f1: {  	[tilespmem:s2+$0x8000] =	vst v17;
	v59 =	vadd.f32 v34, v33;
	v46 =	vld [tilespmem:s8+$0x14210]  }
0x3f2: {  	v47 =	vld [tilespmem:s8+$0x290];
	[tilespmem:s16+$0x8000] =	vst v1;
	v1 =	vadd.f32 v31, v29  }
0x3f3: {  	[tilespmem:s2+$0x8100] =	vst v59;
	v48 =	vld [tilespmem:s8+$0x14290];
	v10 =	vadd.f32 v38, v37  }
0x3f4: {  	v49 =	vld [tilespmem:s8+$0x0];
	[tilespmem:s2+$0x8080] =	vst v1;
	v1 =	vadd.f32 v40, v39  }
0x3f5: {  	s30 =	simm.s32 $0x2;
	v50 =	vld [tilespmem:s8+$0x14000];
	v51 =	vadd.f32 v42, v41;
	[tilespmem:s8+$0x8010] =	vst v10  }
0x3f6: {  	v52 =	vld [tilespmem:s8+$0x80];
	s16 =	sand.u32 $0x3, s30;
	[tilespmem:s8+$0x8090] =	vst v1;
	v1 =	vadd.f32 v44, v43  }
0x3f7: {  	v53 =	vld [tilespmem:s8+$0x14080];
	s12 =	sshll.u32 s16, $0x5;
	v54 =	vadd.f32 v46, v45;
	[tilespmem:s8+$0x8110] =	vst v51  }
0x3f8: {  	v56 =	vld [tilespmem:s8+$0x100];
	s12 =	sadd.s32 $0x200, s12;
	[tilespmem:s8+$0x8190] =	vst v1;
	v1 =	vadd.f32 v48, v47  }
0x3f9: {  	v4 =	vadd.f32 v7, v4;
	v58 =	vld [tilespmem:s8+$0x14100];
	s13 =	sadd.s32 $0x10, s12;
	[tilespmem:s8+$0x8210] =	vst v54  }
0x3fa: {  	v60 =	vld [tilespmem:s8+$0x180];
	v6 =	vadd.f32 v6, v35;
	s18 =	sor.u32 $0x300, s13;
	[tilespmem:s8+$0x8290] =	vst v1  }
0x3fb: {  	[tilespmem:s2+$0x8180] =	vst v4;
	v0 =	vadd.f32 v2, v0;
	v61 =	vld [tilespmem:s18+$0x0]  }
0x3fc: {  	[tilespmem:s2+$0x8200] =	vst v6;
	v57 =	vadd.f32 v50, v49;
	v62 =	vld [tilespmem:s18+$0x14000]  }
0x3fd: {  	v7 =	vld [tilespmem:s8+$0x14180];
	[tilespmem:s2+$0x8280] =	vst v0;
	v1 =	vadd.f32 v53, v52  }
0x3fe: {  	v63 =	vld [tilespmem:s8+$0x200];
	v3 =	vadd.f32 v3, v5;
	[tilespmem:s8+$0x8000] =	vst v57  }
0x3ff: {  	v2 =	vld [tilespmem:s8+$0x14200];
	[tilespmem:s8+$0x8080] =	vst v1;
	v1 =	vadd.f32 v58, v56  }
0x400: {  	v0 =	vadd.f32 v55, v36;
	[tilespmem:s21+$0x8000] =	vst v3;
	v3 =	vld [tilespmem:s8+$0x14280]  }
0x401: {  	s2 =	sor.u32 $0x300, s15;
	[tilespmem:s8+$0x8100] =	vst v1;
	v1 =	vld [tilespmem:s8+$0x280];
	v4 =	vadd.f32 v62, v61  }
0x402: {  	v5 =	vadd.f32 v7, v60;
	[tilespmem:s29+$0x8000] =	vst v0;
	v0 =	vld [tilespmem:s2+$0x0]  }
0x403: {  	s20 =	sor.u32 $0x380, s20;
	s29 =	sor.u32 $0x380, s13;
	[tilespmem:s18+$0x8000] =	vst v4;
	v4 =	vld [tilespmem:s2+$0x14000]  }
0x404: {  	s16 =	sor.u32 $0x380, s15;
	s15 =	sor.u32 $0x380, s12;
	s21 =	sor.u32 $0x300, s12;
	[tilespmem:s8+$0x8180] =	vst v5;
	v5 =	vadd.f32 v2, v63;
	v2 =	vld [tilespmem:s29+$0x0]  }
.LBB2_15:
0x405: {  	s11 =	sadd.s32 $0x20, s11;
	v6 =	vld [tilespmem:s29+$0x14000];
	s17 =	sadd.s32 $0x100, s17  }
0x406: {  	s12 =	sand.u32 $0x60, s11;
	s13 =	sand.u32 $0x3C00, s17;
	p1 =	slt.u32 s11, $0x7E0;
	[tilespmem:s8+$0x8200] =	vst v5;
	v1 =	vadd.f32 v3, v1;
	v3 =	vld [tilespmem:s20+$0x0]  }
0x407: {  	s12 =	sor.u32 s12, s13;
	v5 =	vld [tilespmem:s20+$0x14000]  }
0x408: {  	v7 =	vld [tilespmem:s12+$0x10];
	[tilespmem:s8+$0x8280] =	vst v1;
	v0 =	vadd.f32 v4, v0;
	s8 =	smov.u32 s12  }
0x409: {  	v1 =	vld [tilespmem:s8+$0x14010]  }
0x40a: {  	v4 =	vld [tilespmem:s8+$0x90];
	v2 =	vadd.f32 v6, v2;
	[tilespmem:s2+$0x8000] =	vst v0;
	s2 =	smov.u32 s21  }
0x40b: {  	v0 =	vld [tilespmem:s8+$0x14090]  }
0x40c: {  	v6 =	vld [tilespmem:s8+$0x110];
	[tilespmem:s29+$0x8000] =	vst v2;
	v2 =	vadd.f32 v5, v3  }
0x40d: {  	v3 =	vld [tilespmem:s8+$0x14110]  }
0x40e: {  	v5 =	vld [tilespmem:s8+$0x190];
	[tilespmem:s20+$0x8000] =	vst v2;
	s20 =	smov.u32 s16;
	s16 =	smov.u32 s15  }
0x40f: {  	v2 =	vld [tilespmem:s8+$0x14190]  }
0x410: {  	v8 =	vld [tilespmem:s8+$0x210]  }
0x411: {  	v9 =	vld [tilespmem:s8+$0x14210]  }
0x412: {  	v10 =	vld [tilespmem:s8+$0x290]  }
0x413: {  	v1 =	vadd.f32 v1, v7;
	v7 =	vld [tilespmem:s8+$0x14290]  }
0x414: {  	v0 =	vadd.f32 v0, v4;
	v11 =	vld [tilespmem:s8+$0x0]  }
0x415: {  	s30 =	sadd.s32 $0x1, s30;
	v4 =	vld [tilespmem:s8+$0x14000];
	[tilespmem:s8+$0x8010] =	vst v1;
	v1 =	vadd.f32 v3, v6  }
0x416: {  	s12 =	sand.u32 $0x3, s30;
	v3 =	vld [tilespmem:s8+$0x80];
	[tilespmem:s8+$0x8090] =	vst v0;
	v0 =	vadd.f32 v2, v5  }
0x417: {  	s12 =	sshll.u32 s12, $0x5;
	v2 =	vld [tilespmem:s8+$0x14080];
	[tilespmem:s8+$0x8110] =	vst v1;
	v1 =	vadd.f32 v9, v8  }
0x418: {  	s12 =	sadd.s32 s12, s17;
	v5 =	vld [tilespmem:s8+$0x100];
	[tilespmem:s8+$0x8190] =	vst v0;
	v0 =	vadd.f32 v7, v10  }
0x419: {  	s21 =	sor.u32 $0x300, s12;
	s15 =	sor.u32 $0x380, s12;
	s12 =	sadd.s32 $0x10, s12;
	v6 =	vld [tilespmem:s8+$0x14100];
	[tilespmem:s8+$0x8210] =	vst v1  }
0x41a: {  	s13 =	sor.u32 $0x300, s12;
	v1 =	vadd.f32 v4, v11;
	v4 =	vld [tilespmem:s8+$0x180];
	[tilespmem:s8+$0x8290] =	vst v0  }
0x41b: {  	v0 =	vld [tilespmem:s13+$0x0]  }
0x41c: {  	[tilespmem:s8+$0x8000] =	vst v1;
	v1 =	vadd.f32 v2, v3;
	v2 =	vld [tilespmem:s13+$0x14000]  }
0x41d: {  	v7 =	vld [tilespmem:s8+$0x14180]  }
0x41e: {  	[tilespmem:s8+$0x8080] =	vst v1;
	v1 =	vadd.f32 v6, v5;
	v5 =	vld [tilespmem:s8+$0x200]  }
0x41f: {  	v6 =	vld [tilespmem:s8+$0x14200]  }
.Ltmp8:
0x420: {  	[tilespmem:s8+$0x8100] =	vst v1;
	v1 =	vld [tilespmem:s8+$0x280];
	(pc) =	sbr.rel @p1 .LBB2_15-.Ltmp8, $4  }
0x421: {  	v3 =	vld [tilespmem:s8+$0x14280];
	v2 =	vadd.f32 v2, v0  }
0x422: {  	v7 =	vadd.f32 v7, v4;
	v0 =	vld [tilespmem:s2+$0x0]  }
0x423: {  	s29 =	sor.u32 $0x380, s12;
	[tilespmem:s13+$0x8000] =	vst v2;
	v4 =	vld [tilespmem:s2+$0x14000]  }
0x424: {  	[tilespmem:s8+$0x8180] =	vst v7;
	v5 =	vadd.f32 v6, v5;
	v2 =	vld [tilespmem:s29+$0x0]  }
0x425: {  	_ = 	snop  }
0x426: {  	v1 =	vadd.f32 v3, v1  }
0x427: {  	[tilespmem:s8+$0x8200] =	vst v5  }
0x428: {  	[tilespmem:s8+$0x8280] =	vst v1  }
0x429: {  	v1 =	vld [tilespmem:s21+$0x0]  }
0x42a: {  	v3 =	vld [tilespmem:s21+$0x14000];
	_ =	sdelay $0x2  }
0x42b: {  	v6 =	vld [tilespmem:s20+$0x14000];
	v0 =	vadd.f32 v4, v0  }
0x42c: {  	v5 =	vld [tilespmem:s29+$0x14000]  }
0x42d: {  	v4 =	vld [tilespmem:s20+$0x0];
	[tilespmem:s2+$0x8000] =	vst v0;
	v0 =	vadd.f32 v3, v1  }
0x42e: {  	v1 =	vld [tilespmem:s16+$0x0]  }
0x42f: {  	v3 =	vld [tilespmem:s16+$0x14000];
	[tilespmem:s21+$0x8000] =	vst v0  }
0x430: {  	v0 =	vld [tilespmem:s15+$0x0]  }
0x431: {  	v2 =	vadd.f32 v5, v2;
	v7 =	vld [tilespmem:s15+$0x14000];
	_ =	sdelay $0x1  }
0x432: {  	[tilespmem:s29+$0x8000] =	vst v2  }
0x433: {  	p1 =	sgt.u32 s10, $0xE;
	v4 =	vadd.f32 v6, v4;
	s2 =	rddreg [dreg:$0xc]  }
0x434: {  	s2 =	sadd.s32 @!p1 s2, s3;
	v1 =	vadd.f32 v3, v1  }
0x435: {  	[tilespmem:s20+$0x8000] =	vst v4;
	s2 =	sshll.u32 @!p1 s2, $0xB;
	v0 =	vadd.f32 v7, v0  }
0x436: {  	s2 =	sand.u32 @!p1 $0x1FFFF000, s2;
	[tilespmem:s16+$0x8000] =	vst v1  }
0x437: {  	s8 =	simm.s32 @!p1 $0x0;
	s2 =	sadd.s32 @!p1 s1, s2;
	[tilespmem:s15+$0x8000] =	vst v0  }
0x438: {  	[tilespmem:s8], [sflag:$0x1] =	stream.linear.gather @!p1 [hbm4b:s2+s8], $0x4000, $0x38;
	[tilespmem:$0x18000] =	vst v63  }
0x439: {  	s30 =	simm.s32 $0x0;
	s29 =	sadd.s32 s4, s9  }
0x43a: {  	[hbm4b:s29+s30] =	stream.linear.scatter [tilespmem:s25], [sflag:$0x3], $0x4000, $0x38;
	[tilespmem:$0x18000] =	vst v63  }
0x43b: {  	_ =	swait.ge [sflag:s24], $0x4000  }
0x43c: {  	[sflag:s24] =	ssyncset.done $0x0  }
0x43d: {  	[sflag:s24] =	ssyncadd.s32 $0xFFFFC000  }
0x43e: {  	s10 =	simm.s32 $0x0;
	_ =	swait.ge [sflag:s28], $0x4000  }
0x43f: {  	s11 =	sand.u32 $0x3C00, s30;
	s2 =	sand.u32 $0x60, s10;
	[sflag:s28] =	ssyncset.done $0x0  }
0x440: {  	s8 =	sor.u32 s2, s11;
	[sflag:s28] =	ssyncadd.s32 $0xFFFFC000  }
0x441: {  	v0 =	vld [tilespmem:s8+$0x4010]  }
0x442: {  	v1 =	vld [tilespmem:s8+$0x14010]  }
0x443: {  	v2 =	vld [tilespmem:s8+$0x4090]  }
0x444: {  	v3 =	vld [tilespmem:s8+$0x14090]  }
0x445: {  	v4 =	vld [tilespmem:s8+$0x4110]  }
0x446: {  	v5 =	vld [tilespmem:s8+$0x14110]  }
0x447: {  	v6 =	vld [tilespmem:s8+$0x4190]  }
0x448: {  	v7 =	vld [tilespmem:s8+$0x14190]  }
0x449: {  	v8 =	vld [tilespmem:s8+$0x4210]  }
0x44a: {  	v9 =	vld [tilespmem:s8+$0x14210]  }
0x44b: {  	s12 =	sand.u32 $0x3, s30;
	v10 =	vld [tilespmem:s8+$0x4290]  }
0x44c: {  	s2 =	sshll.u32 s12, $0x5;
	v59 =	vld [tilespmem:s8+$0x4180]  }
0x44d: {  	s16 =	simm.s32 $0x100;
	s17 =	sadd.s32 $0x0, s2;
	v60 =	vld [tilespmem:s8+$0x14180]  }
0x44e: {  	s9 =	sand.u32 $0x3C00, s16;
	s15 =	simm.s32 $0x20;
	s2 =	sadd.s32 $0x10, s17;
	v61 =	vld [tilespmem:s8+$0x4200]  }
0x44f: {  	s13 =	sor.u32 $0x300, s2;
	s11 =	sor.u32 $0x380, s2;
	s2 =	sand.u32 $0x60, s15;
	v11 =	vld [tilespmem:s8+$0x14200]  }
0x450: {  	s2 =	sor.u32 s2, s9;
	v12 =	vld [tilespmem:s8+$0x14280]  }
0x451: {  	v14 =	vld [tilespmem:s2+$0x4010]  }
0x452: {  	v15 =	vld [tilespmem:s2+$0x14010]  }
0x453: {  	v16 =	vld [tilespmem:s2+$0x4090]  }
0x454: {  	v17 =	vld [tilespmem:s2+$0x14090]  }
0x455: {  	v18 =	vld [tilespmem:s2+$0x4110]  }
0x456: {  	v19 =	vld [tilespmem:s2+$0x14110]  }
0x457: {  	v20 =	vld [tilespmem:s2+$0x4190]  }
0x458: {  	v21 =	vld [tilespmem:s2+$0x14190]  }
0x459: {  	v22 =	vld [tilespmem:s2+$0x4210]  }
0x45a: {  	v23 =	vld [tilespmem:s2+$0x14210]  }
0x45b: {  	v24 =	vld [tilespmem:s2+$0x4290]  }
0x45c: {  	v62 =	vld [tilespmem:s2+$0x14290]  }
0x45d: {  	v25 =	vld [tilespmem:s2+$0x4000]  }
0x45e: {  	v63 =	vld [tilespmem:s2+$0x14000]  }
0x45f: {  	v0 =	vadd.f32 v1, v0;
	v1 =	vld [tilespmem:s8+$0x14290]  }
0x460: {  	v29 =	vld [tilespmem:s2+$0x4080];
	v2 =	vadd.f32 v3, v2  }
0x461: {  	v31 =	vld [tilespmem:s2+$0x14080];
	[tilespmem:s8+$0xC010] =	vst v0;
	v0 =	vadd.f32 v5, v4  }
0x462: {  	v33 =	vld [tilespmem:s2+$0x4100];
	[tilespmem:s8+$0xC090] =	vst v2;
	v2 =	vadd.f32 v7, v6  }
0x463: {  	v3 =	vld [tilespmem:s8+$0x4000];
	[tilespmem:s8+$0xC110] =	vst v0;
	v0 =	vadd.f32 v9, v8  }
0x464: {  	v4 =	vld [tilespmem:s8+$0x14000];
	[tilespmem:s8+$0xC190] =	vst v2;
	v1 =	vadd.f32 v1, v10  }
0x465: {  	v7 =	vld [tilespmem:s8+$0x14100];
	[tilespmem:s8+$0xC210] =	vst v0  }
0x466: {  	v14 =	vadd.f32 v15, v14;
	v0 =	vld [tilespmem:s8+$0x4100];
	[tilespmem:s8+$0xC290] =	vst v1  }
0x467: {  	v16 =	vadd.f32 v17, v16;
	v1 =	vld [tilespmem:s13+$0x4000]  }
0x468: {  	v28 =	vadd.f32 v19, v18;
	[tilespmem:s2+$0xC010] =	vst v14;
	v6 =	vld [tilespmem:s13+$0x14000]  }
0x469: {  	v34 =	vld [tilespmem:s2+$0x14100];
	v30 =	vadd.f32 v21, v20;
	[tilespmem:s2+$0xC090] =	vst v16  }
0x46a: {  	v32 =	vadd.f32 v23, v22;
	v5 =	vld [tilespmem:s8+$0x4080];
	[tilespmem:s2+$0xC110] =	vst v28  }
0x46b: {  	s18 =	simm.s32 $0x1;
	v15 =	vadd.f32 v62, v24;
	[tilespmem:s2+$0xC190] =	vst v30;
	v2 =	vld [tilespmem:s8+$0x14080]  }
0x46c: {  	s9 =	sand.u32 $0x3, s18;
	v35 =	vld [tilespmem:s2+$0x4200];
	[tilespmem:s2+$0xC210] =	vst v32;
	v0 =	vadd.f32 v7, v0  }
0x46d: {  	s9 =	sshll.u32 s9, $0x5;
	[tilespmem:s2+$0xC290] =	vst v15;
	v3 =	vadd.f32 v4, v3;
	v4 =	vld [tilespmem:s2+$0x4180];
	v1 =	vadd.f32 v6, v1  }
0x46e: {  	s15 =	sadd.s32 $0x100, s9;
	v7 =	vld [tilespmem:s2+$0x14180];
	[tilespmem:s8+$0xC100] =	vst v0;
	v0 =	vadd.f32 v11, v61  }
0x46f: {  	s12 =	sadd.s32 $0x10, s15;
	v6 =	vld [tilespmem:s8+$0x4280];
	[tilespmem:s13+$0xC000] =	vst v1  }
0x470: {  	v2 =	vadd.f32 v2, v5;
	s13 =	sor.u32 $0x300, s12;
	[tilespmem:s8+$0xC200] =	vst v0;
	v0 =	vld [tilespmem:s2+$0x4280]  }
0x471: {  	[tilespmem:s8+$0xC000] =	vst v3;
	v5 =	vld [tilespmem:s13+$0x4000]  }
0x472: {  	[tilespmem:s8+$0xC080] =	vst v2;
	v2 =	vadd.f32 v60, v59;
	v3 =	vld [tilespmem:s13+$0x14000]  }
0x473: {  	v1 =	vld [tilespmem:s11+$0x4000]  }
0x474: {  	[tilespmem:s8+$0xC180] =	vst v2;
	v13 =	vld [tilespmem:s11+$0x14000];
	v2 =	vadd.f32 v12, v6  }
0x475: {  	s10 =	simm.s32 $0x200;
	s9 =	simm.s32 $0x40;
	v6 =	vld [tilespmem:s2+$0x14200]  }
0x476: {  	s25 =	sand.u32 $0x3C00, s10;
	s20 =	sor.u32 $0x300, s17;
	s21 =	sand.u32 $0x60, s9;
	[tilespmem:s8+$0xC280] =	vst v2;
	v2 =	vld [tilespmem:s2+$0x14280]  }
0x477: {  	s8 =	sor.u32 s21, s25;
	v3 =	vadd.f32 v3, v5;
	v5 =	vld [tilespmem:s20+$0x4000]  }
0x478: {  	v37 =	vld [tilespmem:s8+$0x4010]  }
0x479: {  	v38 =	vld [tilespmem:s8+$0x14010]  }
0x47a: {  	v39 =	vld [tilespmem:s8+$0x4090]  }
0x47b: {  	v40 =	vld [tilespmem:s8+$0x14090]  }
0x47c: {  	v41 =	vld [tilespmem:s8+$0x4110]  }
0x47d: {  	v42 =	vld [tilespmem:s8+$0x14110]  }
0x47e: {  	v43 =	vld [tilespmem:s8+$0x4190]  }
0x47f: {  	v44 =	vld [tilespmem:s8+$0x14190]  }
0x480: {  	v45 =	vld [tilespmem:s8+$0x4210]  }
0x481: {  	v17 =	vadd.f32 v63, v25;
	v46 =	vld [tilespmem:s8+$0x14210]  }
0x482: {  	v59 =	vadd.f32 v34, v33;
	v47 =	vld [tilespmem:s8+$0x4290]  }
0x483: {  	[tilespmem:s2+$0xC000] =	vst v17;
	v1 =	vadd.f32 v13, v1;
	v48 =	vld [tilespmem:s8+$0x14290]  }
0x484: {  	[tilespmem:s2+$0xC100] =	vst v59;
	v49 =	vld [tilespmem:s8+$0x4000]  }
0x485: {  	v50 =	vld [tilespmem:s8+$0x14000];
	[tilespmem:s11+$0xC000] =	vst v1;
	v1 =	vadd.f32 v31, v29  }
0x486: {  	v52 =	vld [tilespmem:s8+$0x4080];
	[tilespmem:s13+$0xC000] =	vst v3;
	v10 =	vadd.f32 v38, v37  }
0x487: {  	v53 =	vld [tilespmem:s8+$0x14080];
	[tilespmem:s2+$0xC080] =	vst v1;
	v1 =	vadd.f32 v40, v39  }
0x488: {  	v56 =	vld [tilespmem:s8+$0x4100];
	s11 =	simm.s32 $0x2;
	v51 =	vadd.f32 v42, v41;
	[tilespmem:s8+$0xC010] =	vst v10  }
0x489: {  	v58 =	vld [tilespmem:s8+$0x14100];
	s29 =	sand.u32 $0x3, s11;
	[tilespmem:s8+$0xC090] =	vst v1;
	v1 =	vadd.f32 v44, v43  }
0x48a: {  	v60 =	vld [tilespmem:s8+$0x4180];
	s13 =	sor.u32 $0x380, s12;
	s12 =	sshll.u32 s29, $0x5;
	v54 =	vadd.f32 v46, v45;
	[tilespmem:s8+$0xC110] =	vst v51  }
0x48b: {  	v3 =	vld [tilespmem:s20+$0x14000];
	s12 =	sadd.s32 $0x200, s12;
	[tilespmem:s8+$0xC190] =	vst v1;
	v1 =	vadd.f32 v48, v47  }
0x48c: {  	v4 =	vadd.f32 v7, v4;
	v36 =	vld [tilespmem:s13+$0x4000];
	s30 =	sadd.s32 $0x10, s12;
	[tilespmem:s8+$0xC210] =	vst v54  }
0x48d: {  	v6 =	vadd.f32 v6, v35;
	v55 =	vld [tilespmem:s13+$0x14000];
	s18 =	sor.u32 $0x300, s30;
	[tilespmem:s8+$0xC290] =	vst v1  }
0x48e: {  	[tilespmem:s2+$0xC180] =	vst v4;
	v0 =	vadd.f32 v2, v0;
	v61 =	vld [tilespmem:s18+$0x4000]  }
0x48f: {  	[tilespmem:s2+$0xC200] =	vst v6;
	v57 =	vadd.f32 v50, v49;
	v62 =	vld [tilespmem:s18+$0x14000]  }
0x490: {  	v7 =	vld [tilespmem:s8+$0x14180];
	[tilespmem:s2+$0xC280] =	vst v0;
	v1 =	vadd.f32 v53, v52  }
0x491: {  	v63 =	vld [tilespmem:s8+$0x4200];
	[tilespmem:s8+$0xC000] =	vst v57;
	v3 =	vadd.f32 v3, v5  }
0x492: {  	v2 =	vld [tilespmem:s8+$0x14200];
	[tilespmem:s8+$0xC080] =	vst v1;
	v1 =	vadd.f32 v58, v56  }
0x493: {  	v0 =	vadd.f32 v55, v36;
	[tilespmem:s20+$0xC000] =	vst v3;
	v3 =	vld [tilespmem:s8+$0x14280]  }
0x494: {  	s2 =	sor.u32 $0x300, s15;
	[tilespmem:s8+$0xC100] =	vst v1;
	v1 =	vld [tilespmem:s8+$0x4280];
	v4 =	vadd.f32 v62, v61  }
0x495: {  	v5 =	vadd.f32 v7, v60;
	[tilespmem:s13+$0xC000] =	vst v0;
	v0 =	vld [tilespmem:s2+$0x4000]  }
0x496: {  	s16 =	sor.u32 $0x380, s17;
	s21 =	sor.u32 $0x380, s30;
	[tilespmem:s18+$0xC000] =	vst v4;
	v4 =	vld [tilespmem:s2+$0x14000]  }
0x497: {  	s17 =	sor.u32 $0x380, s15;
	s15 =	sor.u32 $0x380, s12;
	s20 =	sor.u32 $0x300, s12;
	[tilespmem:s8+$0xC180] =	vst v5;
	v5 =	vadd.f32 v2, v63;
	v2 =	vld [tilespmem:s21+$0x4000]  }
.LBB2_17:
0x498: {  	s9 =	sadd.s32 $0x20, s9;
	v6 =	vld [tilespmem:s21+$0x14000];
	s10 =	sadd.s32 $0x100, s10  }
0x499: {  	s12 =	sand.u32 $0x60, s9;
	s13 =	sand.u32 $0x3C00, s10;
	p2 =	slt.u32 s9, $0x7E0;
	[tilespmem:s8+$0xC200] =	vst v5;
	v1 =	vadd.f32 v3, v1;
	v3 =	vld [tilespmem:s16+$0x4000]  }
0x49a: {  	s12 =	sor.u32 s12, s13;
	v5 =	vld [tilespmem:s16+$0x14000]  }
0x49b: {  	v7 =	vld [tilespmem:s12+$0x4010];
	[tilespmem:s8+$0xC280] =	vst v1;
	v0 =	vadd.f32 v4, v0;
	s8 =	smov.u32 s12  }
0x49c: {  	v1 =	vld [tilespmem:s8+$0x14010]  }
0x49d: {  	v4 =	vld [tilespmem:s8+$0x4090];
	v2 =	vadd.f32 v6, v2;
	[tilespmem:s2+$0xC000] =	vst v0;
	s2 =	smov.u32 s20  }
0x49e: {  	v0 =	vld [tilespmem:s8+$0x14090]  }
0x49f: {  	v6 =	vld [tilespmem:s8+$0x4110];
	[tilespmem:s21+$0xC000] =	vst v2;
	v2 =	vadd.f32 v5, v3  }
0x4a0: {  	v3 =	vld [tilespmem:s8+$0x14110]  }
0x4a1: {  	v5 =	vld [tilespmem:s8+$0x4190];
	[tilespmem:s16+$0xC000] =	vst v2;
	s16 =	smov.u32 s17;
	s17 =	smov.u32 s15  }
0x4a2: {  	v2 =	vld [tilespmem:s8+$0x14190]  }
0x4a3: {  	v8 =	vld [tilespmem:s8+$0x4210]  }
0x4a4: {  	v9 =	vld [tilespmem:s8+$0x14210]  }
0x4a5: {  	v10 =	vld [tilespmem:s8+$0x4290]  }
0x4a6: {  	v1 =	vadd.f32 v1, v7;
	v7 =	vld [tilespmem:s8+$0x14290]  }
0x4a7: {  	v0 =	vadd.f32 v0, v4;
	v11 =	vld [tilespmem:s8+$0x4000]  }
0x4a8: {  	s11 =	sadd.s32 $0x1, s11;
	v4 =	vld [tilespmem:s8+$0x14000];
	[tilespmem:s8+$0xC010] =	vst v1;
	v1 =	vadd.f32 v3, v6  }
0x4a9: {  	s12 =	sand.u32 $0x3, s11;
	v3 =	vld [tilespmem:s8+$0x4080];
	[tilespmem:s8+$0xC090] =	vst v0;
	v0 =	vadd.f32 v2, v5  }
0x4aa: {  	s12 =	sshll.u32 s12, $0x5;
	v2 =	vld [tilespmem:s8+$0x14080];
	[tilespmem:s8+$0xC110] =	vst v1;
	v1 =	vadd.f32 v9, v8  }
0x4ab: {  	s12 =	sadd.s32 s12, s10;
	v5 =	vld [tilespmem:s8+$0x4100];
	[tilespmem:s8+$0xC190] =	vst v0;
	v0 =	vadd.f32 v7, v10  }
0x4ac: {  	s20 =	sor.u32 $0x300, s12;
	s15 =	sor.u32 $0x380, s12;
	s12 =	sadd.s32 $0x10, s12;
	v6 =	vld [tilespmem:s8+$0x14100];
	[tilespmem:s8+$0xC210] =	vst v1  }
0x4ad: {  	s13 =	sor.u32 $0x300, s12;
	v1 =	vadd.f32 v4, v11;
	v4 =	vld [tilespmem:s8+$0x4180];
	[tilespmem:s8+$0xC290] =	vst v0  }
0x4ae: {  	v0 =	vld [tilespmem:s13+$0x4000]  }
0x4af: {  	[tilespmem:s8+$0xC000] =	vst v1;
	v1 =	vadd.f32 v2, v3;
	v2 =	vld [tilespmem:s13+$0x14000]  }
0x4b0: {  	v7 =	vld [tilespmem:s8+$0x14180]  }
0x4b1: {  	[tilespmem:s8+$0xC080] =	vst v1;
	v1 =	vadd.f32 v6, v5;
	v5 =	vld [tilespmem:s8+$0x4200]  }
0x4b2: {  	v6 =	vld [tilespmem:s8+$0x14200]  }
.Ltmp9:
0x4b3: {  	[tilespmem:s8+$0xC100] =	vst v1;
	v1 =	vld [tilespmem:s8+$0x4280];
	(pc) =	sbr.rel @p2 .LBB2_17-.Ltmp9, $4  }
0x4b4: {  	v3 =	vld [tilespmem:s8+$0x14280];
	v2 =	vadd.f32 v2, v0  }
0x4b5: {  	v7 =	vadd.f32 v7, v4;
	v0 =	vld [tilespmem:s2+$0x4000]  }
0x4b6: {  	s21 =	sor.u32 $0x380, s12;
	[tilespmem:s13+$0xC000] =	vst v2;
	v4 =	vld [tilespmem:s2+$0x14000]  }
0x4b7: {  	[tilespmem:s8+$0xC180] =	vst v7;
	v5 =	vadd.f32 v6, v5;
	v2 =	vld [tilespmem:s21+$0x4000]  }
0x4b8: {  	_ = 	snop  }
0x4b9: {  	v1 =	vadd.f32 v3, v1  }
0x4ba: {  	[tilespmem:s8+$0xC200] =	vst v5  }
0x4bb: {  	[tilespmem:s8+$0xC280] =	vst v1  }
0x4bc: {  	v1 =	vld [tilespmem:s20+$0x4000]  }
0x4bd: {  	v58 =	vld [tilespmem:s20+$0x14000];
	_ =	sdelay $0x2  }
0x4be: {  	v59 =	vld [tilespmem:s21+$0x14000];
	v0 =	vadd.f32 v4, v0  }
0x4bf: {  	v60 =	vld [tilespmem:s16+$0x4000]  }
0x4c0: {  	v6 =	vld [tilespmem:s16+$0x14000];
	[tilespmem:s2+$0xC000] =	vst v0;
	v61 =	vadd.f32 v58, v1  }
0x4c1: {  	v62 =	vld [tilespmem:s17+$0x4000]  }
0x4c2: {  	v63 =	vld [tilespmem:s17+$0x14000];
	[tilespmem:s20+$0xC000] =	vst v61  }
0x4c3: {  	v0 =	vld [tilespmem:s15+$0x4000]  }
0x4c4: {  	v2 =	vadd.f32 v59, v2;
	v7 =	vld [tilespmem:s15+$0x14000];
	_ =	sdelay $0x1  }
0x4c5: {  	[tilespmem:s21+$0xC000] =	vst v2  }
0x4c6: {  	v4 =	vadd.f32 v6, v60;
	s2 =	rddreg [dreg:$0x9]  }
0x4c7: {  	v1 =	vadd.f32 v63, v62;
	s2 =	sadd.s32 @!p1 s2, s3  }
0x4c8: {  	[tilespmem:s16+$0xC000] =	vst v4;
	s2 =	sshll.u32 @!p1 s2, $0xB;
	v0 =	vadd.f32 v7, v0  }
.Ltmp10:
0x4c9: {  	[tilespmem:s17+$0xC000] =	vst v1;
	s2 =	sand.u32 @!p1 $0x1FFFF000, s2;
	(pc) =	sbr.rel @p0 .LBB2_20-.Ltmp10, $4  }
0x4ca: {  	s8 =	simm.s32 @!p1 $0x4000;
	s3 =	simm.s32 @!p1 $0x0;
	s2 =	sadd.s32 @!p1 s1, s2;
	[tilespmem:s15+$0xC000] =	vst v0  }
0x4cb: {  	[tilespmem:s8], [sflag:$0x2] =	stream.linear.gather @!p1 [hbm4b:s2+s3], $0x4000, $0x38;
	[tilespmem:$0x18000] =	vst v63  }
0x4cc: {  	s30 =	sadd.s32 s4, s19;
	s25 =	simm.s32 $0xC000  }
0x4cd: {  	[hbm4b:s30+s5] =	stream.linear.scatter [tilespmem:s25], [sflag:$0x4], $0x4000, $0x38;
	[tilespmem:$0x18000] =	vst v63  }
.Ltmp11:
0x4ce: {  	s2 =	rddreg [dreg:$0xa];
	(pc) =	sbr.rel .LBB2_2-.Ltmp11, $4  }
0x4cf: {  	s29 =	rddreg [dreg:$0x1];
	s0 =	sadd.s32 s0, s2  }
0x4d0: {  	s30 =	simm.s32 $0x14000;
	s31 =	sadd.s32 $0x1, s31;
	s0 =	sshll.u32 s0, $0xB  }
0x4d1: {  	s12 =	smov.u32 s14;
	s13 =	simm.s32 $0x8000;
	s0 =	sadd.s32 s29, s0  }
0x4d2: {  	[tilespmem:s30], [sflag:$0x6] =	stream.linear.gather [hbm4b:s0+s5], $0x4000, $0x38;
	[tilespmem:$0x18000] =	vst v63  }
.LBB2_21:
0x4d3: {  	_ =	sfence.sel $0x180000  }
0x4d4: {  	[bflag:$0x0] =	sbarrier.arrive $0xFFFF  }
0x4d5: {  	_ =	strace $0x90000047  }
0x4d6: {  	s0 =	stileid.u32;
	[bflag:$0x2] =	sbarrier.arrive $0xFFFF  }
0x4d7: {  	p0 =	sne.s32 s0, $0x0;
	s0 =	rddreg [dreg:$0x3]  }
0x4d8: {  	s0 =	sadd.s32 @!p0 $0x100000, s0  }
0x4d9: {  	[sflag:s0] =	ssyncadd.tile.s32 @!p0 $0x1;
	_ =	shalt  }
.Lfunc_end2:
_tile_overlayer_lowered:
.L_overlay_start_2:
0x4da: {  	(tag) =	ssettag $0x2  }
0x4db: {  	s0 =	rddreg [dreg:$0x0];
	s2 =	stileid.u32  }
0x4dc: {  	s1 =	rddreg [dreg:$0x1];
	p0 =	sne.s32 s2, $0x0  }
0x4dd: {  	s3 =	rddreg [dreg:$0x2];
	[bflag:$0x3] =	sbarrier.arrive $0xFFFF;
	s2 =	simm.s32 @!p0 $0x1C07  }
0x4de: {  	[timem:s3], [sflag:s2] =	dma.local @!p0 [hbm:s0], s1  }
0x4df: {  	s0 =	simm.s32 @!p0 $0x7  }
0x4e0: {  	_ =	swait.ge @!p0 [sflag:s0], s1  }
0x4e1: {  	s1 =	ssub.s32 @!p0 $0x0, s1;
	[sflag:s0] =	ssyncset.done @!p0 $0x0  }
0x4e2: {  	[sflag:s0] =	ssyncadd.s32 @!p0 s1  }
0x4e3: {  	[bflag:$0x3] =	sbarrier.arrive $0xFFFF  }
0x4e4: {  	_ =	shalt  }

</sc_bundles>
